<compile_context>
chip_gen: v7x
topology: tpu7x:2x2x1
jax: 0.10.2.dev20260603
libtpu: 0.0.44.dev20260713+nightly
codegen_flags: <defaults>
</compile_context>

<pallas_src>
import functools

import jax
import jax.numpy as jnp
from jax import lax
from jax.experimental import pallas as pl
from jax.experimental.pallas import tpu as pltpu
from jax.experimental.pallas import tpu_sc as plsc

_N = 10000
_D = 128
_NC = 2
_NS = 16
_NW = _NC * _NS
_NPAD = 10112
_RPT = _NPAD // _NS
_CHUNK = 128
_CHUNKS_PER_W = 80
_EPW = _CHUNK * _CHUNKS_PER_W
_EPAD = _EPW * _NW
_CNTW = 16
_WCHUNKS = [_CHUNK] * (_RPT // _CHUNK) + ([_RPT % _CHUNK] if _RPT % _CHUNK else [])
_NBUF = 4
_NIDX = 2 * _NBUF
_ACH = 64
_ACPW = _EPW // _ACH
_AWCHUNKS = [_ACH] * (_RPT // _ACH) + ([_RPT % _ACH] if _RPT % _ACH else [])
_RBLK = 1000


def _matmul_body(x_ref, w_ref, y_ref):
    y_ref[...] = jnp.dot(x_ref[...], w_ref[...], preferred_element_type=jnp.float32)


def _matmul(x, w):
    return pl.pallas_call(
        _matmul_body,
        grid=(_N // _RBLK,),
        in_specs=[
            pl.BlockSpec((_RBLK, _D), lambda i: (i, 0)),
            pl.BlockSpec((_D, _D), lambda i: (0, 0)),
        ],
        out_specs=pl.BlockSpec((_RBLK, _D), lambda i: (i, 0)),
        out_shape=jax.ShapeDtypeStruct((_N, _D), jnp.float32),
    )(x, w)


def _combine_body(a0_ref, a1_ref, c0_ref, c1_ref, x_ref, w_ref, b_ref, o_ref):
    cnt = jnp.maximum(c0_ref[:, 0:1] + c1_ref[:, 0:1], 1.0)
    mean = (a0_ref[...] + a1_ref[...]) / cnt
    z = mean + jnp.dot(x_ref[...], w_ref[...], preferred_element_type=jnp.float32) + b_ref[...]
    o_ref[...] = jnp.maximum(z, 0.0)


def _combine(a0, a1, c0, c1, x, w, b):
    return pl.pallas_call(
        _combine_body,
        grid=(_N // _RBLK,),
        in_specs=[
            pl.BlockSpec((_RBLK, _D), lambda i: (i, 0)),
            pl.BlockSpec((_RBLK, _D), lambda i: (i, 0)),
            pl.BlockSpec((_RBLK, _D), lambda i: (i, 0)),
            pl.BlockSpec((_RBLK, _D), lambda i: (i, 0)),
            pl.BlockSpec((_RBLK, _D), lambda i: (i, 0)),
            pl.BlockSpec((_D, _D), lambda i: (0, 0)),
            pl.BlockSpec((1, _D), lambda i: (0, 0)),
        ],
        out_specs=pl.BlockSpec((_RBLK, _D), lambda i: (i, 0)),
        out_shape=jax.ShapeDtypeStruct((_N, _D), jnp.float32),
    )(a0, a1, c0, c1, x, w, b)


def _sc_acc_body(y_hbm, ei_hbm, zrow_hbm, acc_hbm, *scr):
    idx = list(scr[0:_NIDX])
    rows = list(scr[_NIDX:_NIDX + _NBUF])
    acc_sh = scr[_NIDX + _NBUF]
    sem = list(scr[_NIDX + _NBUF + 1:_NIDX + 2 * _NBUF + 1])
    isem = list(scr[_NIDX + 2 * _NBUF + 1:])
    c = lax.axis_index("c")
    s = lax.axis_index("s")
    wid = c * _NS + s
    rbase = s * _RPT
    cbase = wid * _ACPW
    rows_a = rows[0]

    pltpu.sync_copy(zrow_hbm, rows_a)
    for k, n in enumerate(_AWCHUNKS):
        pltpu.sync_copy(rows_a.at[pl.ds(0, n)],
                        acc_sh.at[pl.ds(rbase + k * _ACH, n)])
    plsc.subcore_barrier()

    for t in range(_NBUF):
        pltpu.sync_copy(ei_hbm.at[cbase + t], idx[t])
    for t in range(_NBUF, _NIDX):
        pltpu.async_copy(ei_hbm.at[cbase + t], idx[t], isem[t])
    for t in range(_NBUF):
        pltpu.async_copy(y_hbm.at[idx[t].at[0]], rows[t], sem[t])

    def body(i, carry):
        for t in range(_NIDX):
            j = _NIDX * i + t
            r = t % _NBUF
            q = (t + _NBUF) % _NIDX
            pltpu.make_async_copy(y_hbm.at[idx[t].at[0]], rows[r],
                                  sem[r]).wait()
            pltpu.sync_copy(rows[r], acc_sh.at[idx[t].at[1]], add=True)
            jn = jnp.minimum(j + _NIDX, _ACPW - 1)
            pltpu.async_copy(ei_hbm.at[cbase + jn], idx[t], isem[t])
            pltpu.make_async_copy(ei_hbm.at[cbase], idx[q], isem[q]).wait()
            pltpu.async_copy(y_hbm.at[idx[q].at[0]], rows[r], sem[r])
        return carry

    lax.fori_loop(0, _ACPW // _NIDX, body, 0)
    for r in range(_NBUF):
        pltpu.make_async_copy(y_hbm.at[idx[0].at[0]], rows[r], sem[r]).wait()
    for q in range(_NBUF, _NIDX):
        pltpu.make_async_copy(ei_hbm.at[cbase], idx[q], isem[q]).wait()
    plsc.subcore_barrier()

    obase = c * _NPAD + rbase
    for k, n in enumerate(_AWCHUNKS):
        pltpu.sync_copy(acc_sh.at[pl.ds(rbase + k * _ACH, n)],
                        rows_a.at[pl.ds(0, n)])
        pltpu.sync_copy(rows_a.at[pl.ds(0, n)],
                        acc_hbm.at[pl.ds(obase + k * _ACH, n)])


def _sc_cnt_body(dst_hbm, ones_hbm, zrow_hbm,
                 cnt_hbm,
                 dst_all, ones_v, cnt_sh):
    c = lax.axis_index("c")
    s = lax.axis_index("s")
    wid = c * _NS + s
    rbase = s * _RPT

    pltpu.sync_copy(dst_hbm.at[wid], dst_all)
    pltpu.sync_copy(zrow_hbm, ones_v)
    for k, n in enumerate(_WCHUNKS):
        pltpu.sync_copy(ones_v.at[pl.ds(0, n)],
                        cnt_sh.at[pl.ds(rbase + k * _CHUNK, n)])
    pltpu.sync_copy(ones_hbm, ones_v)
    plsc.subcore_barrier()

    def body(j, carry):
        pltpu.sync_copy(ones_v, cnt_sh.at[dst_all.at[j]], add=True)
        return carry

    lax.fori_loop(0, _CHUNKS_PER_W, body, 0)
    plsc.subcore_barrier()

    obase = c * _NPAD + rbase
    for k, n in enumerate(_WCHUNKS):
        pltpu.sync_copy(cnt_sh.at[pl.ds(rbase + k * _CHUNK, n)],
                        ones_v.at[pl.ds(0, n)])
        pltpu.sync_copy(ones_v.at[pl.ds(0, n)],
                        cnt_hbm.at[pl.ds(obase + k * _CHUNK, n)])


@functools.cache
def _sc_acc_call():
    return functools.partial(
        pl.kernel,
        mesh=plsc.VectorSubcoreMesh(core_axis_name="c", subcore_axis_name="s"),
        out_type=jax.ShapeDtypeStruct((_NC * _NPAD, _D), jnp.float32),
        scratch_types=(
            [pltpu.VMEM((2, _ACH), jnp.int32)] * _NIDX
            + [pltpu.VMEM((_ACH, _D), jnp.float32)] * _NBUF
            + [pltpu.VMEM_SHARED((_NPAD, _D), jnp.float32)]
            + [pltpu.SemaphoreType.DMA] * _NBUF
            + [pltpu.SemaphoreType.DMA] * _NIDX
        ),
    )(_sc_acc_body)


@functools.cache
def _sc_cnt_call(w=_D):
    return functools.partial(
        pl.kernel,
        mesh=plsc.VectorSubcoreMesh(core_axis_name="c", subcore_axis_name="s"),
        out_type=jax.ShapeDtypeStruct((_NC * _NPAD, w), jnp.float32),
        scratch_types=[
            pltpu.VMEM((_CHUNKS_PER_W, _CHUNK), jnp.int32),
            pltpu.VMEM((_CHUNK, w), jnp.float32),
            pltpu.VMEM_SHARED((_NPAD, w), jnp.float32),
        ],
    )(_sc_cnt_body)


def kernel(x, edge_index, W_l, W_r, b_l):
    src = edge_index[0].astype(jnp.int32)
    dst = edge_index[1].astype(jnp.int32)
    e = src.shape[0]
    pad = _EPAD - e
    src = jnp.concatenate([src, jnp.zeros((pad,), jnp.int32)])
    dst = jnp.concatenate([dst, jnp.full((pad,), _NPAD - 1, jnp.int32)])
    ei = jnp.stack([src.reshape(-1, _ACH), dst.reshape(-1, _ACH)], axis=1)
    dst3 = dst.reshape(_NW, _CHUNKS_PER_W, _CHUNK)

    y = _matmul(x, W_l)

    ones = jnp.ones((_CHUNK, _D), jnp.float32)
    zrow = jnp.zeros((_CHUNK, _D), jnp.float32)
    cnt = _sc_cnt_call(_D)(dst3, ones, zrow)
    acc = _sc_acc_call()(y, ei, jnp.zeros((_ACH, _D), jnp.float32))

    a0 = acc[:_N]
    a1 = acc[_NPAD:_NPAD + _N]
    c0 = cnt[:_N]
    c1 = cnt[_NPAD:_NPAD + _N]
    return _combine(a0, a1, c0, c1, x, W_r, b_l.reshape(1, _D))

# --- scband reference (transcript-rebuilt; emitter-appended) ---
"""Pipeline reference for scband-spatial-diffusion-76132590289373 (READ-ONLY COPY).

The authoritative reference and input builder live on the scoring server;
editing this copy changes nothing except your own understanding.
"""

import jax, jax.numpy as jnp
import numpy as np

N_NODES = 10000
N_EDGES = 320000
D_IN = 128
D_OUT = 128


def setup_inputs(seed: int = 0) -> dict:
    key = jax.random.key(seed)
    k1, k2, k3, k4, k5 = jax.random.split(key, 5)
    x = jax.random.normal(k1, (N_NODES, D_IN), dtype=jnp.float32)
    edge_index = jax.random.randint(k2, (2, N_EDGES), 0, N_NODES, dtype=jnp.int64)
    # SAGEConv params: lin_l applied to aggregated neighbors (with bias), lin_r to root
    scale = 1.0 / np.sqrt(D_IN)
    W_l = jax.random.uniform(k3, (D_IN, D_OUT), dtype=jnp.float32, minval=-scale, maxval=scale)
    W_r = jax.random.uniform(k4, (D_IN, D_OUT), dtype=jnp.float32, minval=-scale, maxval=scale)
    b_l = jax.random.uniform(k5, (D_OUT,), dtype=jnp.float32, minval=-scale, maxval=scale)
    return {"x": x, "edge_index": edge_index, "W_l": W_l, "W_r": W_r, "b_l": b_l}


def reference(x, edge_index, W_l, W_r, b_l):
    # SAGEConv with mean aggregation: out = lin_l(mean_{j in N(i)} x_j) + lin_r(x_i)
    src = edge_index[0]
    dst = edge_index[1]
    msgs = jnp.take(x, src, axis=0)                      # gather: [E, D_IN]
    agg = jax.ops.segment_sum(msgs, dst, num_segments=N_NODES)   # scatter-add
    cnt = jax.ops.segment_sum(jnp.ones((src.shape[0],), dtype=x.dtype), dst, num_segments=N_NODES)
    mean_agg = agg / jnp.maximum(cnt, 1.0)[:, None]
    z = mean_agg @ W_l + b_l + x @ W_r
    z = jax.nn.relu(z)
    # dropout p=0.0 (eval) -> identity
    return z

if __name__ == "__main__":
    import jax
    _d = setup_inputs()
    print(jax.jit(kernel)(*tuple(_d.values())))

</pallas_src>

<mosaic_0001>
#map = affine_map<(d0, d1) -> (0, 0, 0)>
#map1 = affine_map<(d0, d1) -> (0, 0)>
module attributes {stable_mosaic.version = 14 : i64} {
  func.func @_sc_cnt_body(%arg0: i32, %arg1: i32, %arg2: memref<32x80x128xi32, #tpu.memory_space<hbm>>, %arg3: memref<128x128xf32, #tpu.memory_space<hbm>>, %arg4: memref<128x128xf32, #tpu.memory_space<hbm>>, %arg5: memref<20224x128xf32, #tpu.memory_space<hbm>>, %arg6: memref<80x128xi32, #tpu.memory_space<vmem>>, %arg7: memref<128x128xf32, #tpu.memory_space<vmem>>, %arg8: memref<10112x128xf32, #tpu.memory_space<vmem_shared>>) attributes {dimension_semantics = [#tpu.dimension_semantics<core_parallel>, #tpu.dimension_semantics<subcore_parallel>], iteration_bounds = array<i64: 2, 16>, scalar_prefetch = 0 : i64, scratch_operands = 3 : i64, tpu.core_type = #tpu.core_type<sc_vector_subcore>, window_params = [{transform_indices = #map}, {transform_indices = #map1}, {transform_indices = #map1}, {transform_indices = #map1}]} {
    %mul3A = arith.constant 16 : i32
    %mul3A_0 = arith.muli %arg0, %mul3A : i32
    %add3A = arith.addi %mul3A_0, %arg1 : i32
    %mul3A_1 = arith.constant 632 : i32
    %mul3A_2 = arith.muli %arg1, %mul3A_1 : i32
    "tpu.region"() ({
      %run_scoped3A = tpu.sem_alloc : memref<!tpu.dma_semaphore, #tpu.memory_space<semaphore_mem>>
      %dma_start3A = arith.constant 0 : i32
      %dma_start3A_42 = arith.constant 0 : i32
      %dma_start3A_43 = tpu.memref_slice %arg2[%add3A, %dma_start3A, %dma_start3A_42] : memref<32x80x128xi32, #tpu.memory_space<hbm>> -> memref<1x80x128xi32, #tpu.memory_space<hbm>>
      %dma_start3A_44 = tpu.memref_squeeze %dma_start3A_43 : memref<1x80x128xi32, #tpu.memory_space<hbm>> -> memref<80x128xi32, #tpu.memory_space<hbm>>
      %dma_start3A_45 = arith.constant 0 : i32
      %dma_start3A_46 = arith.constant 0 : i32
      %dma_start3A_47 = tpu.memref_slice %arg2[%add3A, %dma_start3A_45, %dma_start3A_46] : memref<32x80x128xi32, #tpu.memory_space<hbm>> -> memref<1x80x128xi32, #tpu.memory_space<hbm>>
      %dma_start3A_48 = tpu.memref_squeeze %dma_start3A_47 : memref<1x80x128xi32, #tpu.memory_space<hbm>> -> memref<80x128xi32, #tpu.memory_space<hbm>>
      tpu.enqueue_dma source(%dma_start3A_48 : memref<80x128xi32, #tpu.memory_space<hbm>>) target(%arg6 : memref<80x128xi32, #tpu.memory_space<vmem>>) target_semaphore(%run_scoped3A : memref<!tpu.dma_semaphore, #tpu.memory_space<semaphore_mem>>)
      %dma_wait3A = arith.constant 0 : i32
      %dma_wait3A_49 = arith.constant 0 : i32
      %dma_wait3A_50 = tpu.memref_slice %arg2[%add3A, %dma_wait3A, %dma_wait3A_49] : memref<32x80x128xi32, #tpu.memory_space<hbm>> -> memref<1x80x128xi32, #tpu.memory_space<hbm>>
      %dma_wait3A_51 = tpu.memref_squeeze %dma_wait3A_50 : memref<1x80x128xi32, #tpu.memory_space<hbm>> -> memref<80x128xi32, #tpu.memory_space<hbm>>
      %dma_wait3A_52 = arith.constant 0 : i32
      %dma_wait3A_53 = arith.constant 0 : i32
      %dma_wait3A_54 = tpu.memref_slice %arg2[%add3A, %dma_wait3A_52, %dma_wait3A_53] : memref<32x80x128xi32, #tpu.memory_space<hbm>> -> memref<1x80x128xi32, #tpu.memory_space<hbm>>
      %dma_wait3A_55 = tpu.memref_squeeze %dma_wait3A_54 : memref<1x80x128xi32, #tpu.memory_space<hbm>> -> memref<80x128xi32, #tpu.memory_space<hbm>>
      tpu.wait_dma2 semaphore(%run_scoped3A : memref<!tpu.dma_semaphore, #tpu.memory_space<semaphore_mem>>) src(%dma_wait3A_55 : memref<80x128xi32, #tpu.memory_space<hbm>>) dst(%arg6 : memref<80x128xi32, #tpu.memory_space<vmem>>)
      tpu.yield
    }) : () -> ()
    "tpu.region"() ({
      %run_scoped3A = tpu.sem_alloc : memref<!tpu.dma_semaphore, #tpu.memory_space<semaphore_mem>>
      tpu.enqueue_dma source(%arg4 : memref<128x128xf32, #tpu.memory_space<hbm>>) target(%arg7 : memref<128x128xf32, #tpu.memory_space<vmem>>) target_semaphore(%run_scoped3A : memref<!tpu.dma_semaphore, #tpu.memory_space<semaphore_mem>>)
      tpu.wait_dma2 semaphore(%run_scoped3A : memref<!tpu.dma_semaphore, #tpu.memory_space<semaphore_mem>>) src(%arg4 : memref<128x128xf32, #tpu.memory_space<hbm>>) dst(%arg7 : memref<128x128xf32, #tpu.memory_space<vmem>>)
      tpu.yield
    }) : () -> ()
    %add3A_3 = arith.constant 0 : i32
    %add3A_4 = arith.addi %mul3A_2, %add3A_3 : i32
    "tpu.region"() ({
      %run_scoped3A = tpu.sem_alloc : memref<!tpu.dma_semaphore, #tpu.memory_space<semaphore_mem>>
      %dma_start3A = arith.constant 0 : i32
      %dma_start3A_42 = arith.constant 0 : i32
      %dma_start3A_43 = tpu.memref_slice %arg7[%dma_start3A, %dma_start3A_42] : memref<128x128xf32, #tpu.memory_space<vmem>> -> memref<128x128xf32, #tpu.memory_space<vmem>>
      %dma_start3A_44 = arith.constant 0 : i32
      %dma_start3A_45 = tpu.memref_slice %arg8[%add3A_4, %dma_start3A_44] : memref<10112x128xf32, #tpu.memory_space<vmem_shared>> -> memref<128x128xf32, #tpu.memory_space<vmem_shared>>
      %dma_start3A_46 = arith.constant 0 : i32
      %dma_start3A_47 = tpu.memref_slice %arg8[%add3A_4, %dma_start3A_46] : memref<10112x128xf32, #tpu.memory_space<vmem_shared>> -> memref<128x128xf32, #tpu.memory_space<vmem_shared>>
      %dma_start3A_48 = arith.constant 0 : i32
      %dma_start3A_49 = arith.constant 0 : i32
      %dma_start3A_50 = tpu.memref_slice %arg7[%dma_start3A_48, %dma_start3A_49] : memref<128x128xf32, #tpu.memory_space<vmem>> -> memref<128x128xf32, #tpu.memory_space<vmem>>
      tpu.enqueue_dma source(%dma_start3A_50 : memref<128x128xf32, #tpu.memory_space<vmem>>) target(%dma_start3A_47 : memref<128x128xf32, #tpu.memory_space<vmem_shared>>) target_semaphore(%run_scoped3A : memref<!tpu.dma_semaphore, #tpu.memory_space<semaphore_mem>>)
      %dma_wait3A = arith.constant 0 : i32
      %dma_wait3A_51 = arith.constant 0 : i32
      %dma_wait3A_52 = tpu.memref_slice %arg7[%dma_wait3A, %dma_wait3A_51] : memref<128x128xf32, #tpu.memory_space<vmem>> -> memref<128x128xf32, #tpu.memory_space<vmem>>
      %dma_wait3A_53 = arith.constant 0 : i32
      %dma_wait3A_54 = tpu.memref_slice %arg8[%add3A_4, %dma_wait3A_53] : memref<10112x128xf32, #tpu.memory_space<vmem_shared>> -> memref<128x128xf32, #tpu.memory_space<vmem_shared>>
      %dma_wait3A_55 = arith.constant 0 : i32
      %dma_wait3A_56 = tpu.memref_slice %arg8[%add3A_4, %dma_wait3A_55] : memref<10112x128xf32, #tpu.memory_space<vmem_shared>> -> memref<128x128xf32, #tpu.memory_space<vmem_shared>>
      %dma_wait3A_57 = arith.constant 0 : i32
      %dma_wait3A_58 = arith.constant 0 : i32
      %dma_wait3A_59 = tpu.memref_slice %arg7[%dma_wait3A_57, %dma_wait3A_58] : memref<128x128xf32, #tpu.memory_space<vmem>> -> memref<128x128xf32, #tpu.memory_space<vmem>>
      tpu.wait_dma2 semaphore(%run_scoped3A : memref<!tpu.dma_semaphore, #tpu.memory_space<semaphore_mem>>) src(%dma_wait3A_59 : memref<128x128xf32, #tpu.memory_space<vmem>>) dst(%dma_wait3A_56 : memref<128x128xf32, #tpu.memory_space<vmem_shared>>)
      tpu.yield
    }) : () -> ()
    %add3A_5 = arith.constant 128 : i32
    %add3A_6 = arith.addi %mul3A_2, %add3A_5 : i32
    "tpu.region"() ({
      %run_scoped3A = tpu.sem_alloc : memref<!tpu.dma_semaphore, #tpu.memory_space<semaphore_mem>>
      %dma_start3A = arith.constant 0 : i32
      %dma_start3A_42 = arith.constant 0 : i32
      %dma_start3A_43 = tpu.memref_slice %arg7[%dma_start3A, %dma_start3A_42] : memref<128x128xf32, #tpu.memory_space<vmem>> -> memref<128x128xf32, #tpu.memory_space<vmem>>
      %dma_start3A_44 = arith.constant 0 : i32
      %dma_start3A_45 = tpu.memref_slice %arg8[%add3A_6, %dma_start3A_44] : memref<10112x128xf32, #tpu.memory_space<vmem_shared>> -> memref<128x128xf32, #tpu.memory_space<vmem_shared>>
      %dma_start3A_46 = arith.constant 0 : i32
      %dma_start3A_47 = tpu.memref_slice %arg8[%add3A_6, %dma_start3A_46] : memref<10112x128xf32, #tpu.memory_space<vmem_shared>> -> memref<128x128xf32, #tpu.memory_space<vmem_shared>>
      %dma_start3A_48 = arith.constant 0 : i32
      %dma_start3A_49 = arith.constant 0 : i32
      %dma_start3A_50 = tpu.memref_slice %arg7[%dma_start3A_48, %dma_start3A_49] : memref<128x128xf32, #tpu.memory_space<vmem>> -> memref<128x128xf32, #tpu.memory_space<vmem>>
      tpu.enqueue_dma source(%dma_start3A_50 : memref<128x128xf32, #tpu.memory_space<vmem>>) target(%dma_start3A_47 : memref<128x128xf32, #tpu.memory_space<vmem_shared>>) target_semaphore(%run_scoped3A : memref<!tpu.dma_semaphore, #tpu.memory_space<semaphore_mem>>)
      %dma_wait3A = arith.constant 0 : i32
      %dma_wait3A_51 = arith.constant 0 : i32
      %dma_wait3A_52 = tpu.memref_slice %arg7[%dma_wait3A, %dma_wait3A_51] : memref<128x128xf32, #tpu.memory_space<vmem>> -> memref<128x128xf32, #tpu.memory_space<vmem>>
      %dma_wait3A_53 = arith.constant 0 : i32
      %dma_wait3A_54 = tpu.memref_slice %arg8[%add3A_6, %dma_wait3A_53] : memref<10112x128xf32, #tpu.memory_space<vmem_shared>> -> memref<128x128xf32, #tpu.memory_space<vmem_shared>>
      %dma_wait3A_55 = arith.constant 0 : i32
      %dma_wait3A_56 = tpu.memref_slice %arg8[%add3A_6, %dma_wait3A_55] : memref<10112x128xf32, #tpu.memory_space<vmem_shared>> -> memref<128x128xf32, #tpu.memory_space<vmem_shared>>
      %dma_wait3A_57 = arith.constant 0 : i32
      %dma_wait3A_58 = arith.constant 0 : i32
      %dma_wait3A_59 = tpu.memref_slice %arg7[%dma_wait3A_57, %dma_wait3A_58] : memref<128x128xf32, #tpu.memory_space<vmem>> -> memref<128x128xf32, #tpu.memory_space<vmem>>
      tpu.wait_dma2 semaphore(%run_scoped3A : memref<!tpu.dma_semaphore, #tpu.memory_space<semaphore_mem>>) src(%dma_wait3A_59 : memref<128x128xf32, #tpu.memory_space<vmem>>) dst(%dma_wait3A_56 : memref<128x128xf32, #tpu.memory_space<vmem_shared>>)
      tpu.yield
    }) : () -> ()
    %add3A_7 = arith.constant 256 : i32
    %add3A_8 = arith.addi %mul3A_2, %add3A_7 : i32
    "tpu.region"() ({
      %run_scoped3A = tpu.sem_alloc : memref<!tpu.dma_semaphore, #tpu.memory_space<semaphore_mem>>
      %dma_start3A = arith.constant 0 : i32
      %dma_start3A_42 = arith.constant 0 : i32
      %dma_start3A_43 = tpu.memref_slice %arg7[%dma_start3A, %dma_start3A_42] : memref<128x128xf32, #tpu.memory_space<vmem>> -> memref<128x128xf32, #tpu.memory_space<vmem>>
      %dma_start3A_44 = arith.constant 0 : i32
      %dma_start3A_45 = tpu.memref_slice %arg8[%add3A_8, %dma_start3A_44] : memref<10112x128xf32, #tpu.memory_space<vmem_shared>> -> memref<128x128xf32, #tpu.memory_space<vmem_shared>>
      %dma_start3A_46 = arith.constant 0 : i32
      %dma_start3A_47 = tpu.memref_slice %arg8[%add3A_8, %dma_start3A_46] : memref<10112x128xf32, #tpu.memory_space<vmem_shared>> -> memref<128x128xf32, #tpu.memory_space<vmem_shared>>
      %dma_start3A_48 = arith.constant 0 : i32
      %dma_start3A_49 = arith.constant 0 : i32
      %dma_start3A_50 = tpu.memref_slice %arg7[%dma_start3A_48, %dma_start3A_49] : memref<128x128xf32, #tpu.memory_space<vmem>> -> memref<128x128xf32, #tpu.memory_space<vmem>>
      tpu.enqueue_dma source(%dma_start3A_50 : memref<128x128xf32, #tpu.memory_space<vmem>>) target(%dma_start3A_47 : memref<128x128xf32, #tpu.memory_space<vmem_shared>>) target_semaphore(%run_scoped3A : memref<!tpu.dma_semaphore, #tpu.memory_space<semaphore_mem>>)
      %dma_wait3A = arith.constant 0 : i32
      %dma_wait3A_51 = arith.constant 0 : i32
      %dma_wait3A_52 = tpu.memref_slice %arg7[%dma_wait3A, %dma_wait3A_51] : memref<128x128xf32, #tpu.memory_space<vmem>> -> memref<128x128xf32, #tpu.memory_space<vmem>>
      %dma_wait3A_53 = arith.constant 0 : i32
      %dma_wait3A_54 = tpu.memref_slice %arg8[%add3A_8, %dma_wait3A_53] : memref<10112x128xf32, #tpu.memory_space<vmem_shared>> -> memref<128x128xf32, #tpu.memory_space<vmem_shared>>
      %dma_wait3A_55 = arith.constant 0 : i32
      %dma_wait3A_56 = tpu.memref_slice %arg8[%add3A_8, %dma_wait3A_55] : memref<10112x128xf32, #tpu.memory_space<vmem_shared>> -> memref<128x128xf32, #tpu.memory_space<vmem_shared>>
      %dma_wait3A_57 = arith.constant 0 : i32
      %dma_wait3A_58 = arith.constant 0 : i32
      %dma_wait3A_59 = tpu.memref_slice %arg7[%dma_wait3A_57, %dma_wait3A_58] : memref<128x128xf32, #tpu.memory_space<vmem>> -> memref<128x128xf32, #tpu.memory_space<vmem>>
      tpu.wait_dma2 semaphore(%run_scoped3A : memref<!tpu.dma_semaphore, #tpu.memory_space<semaphore_mem>>) src(%dma_wait3A_59 : memref<128x128xf32, #tpu.memory_space<vmem>>) dst(%dma_wait3A_56 : memref<128x128xf32, #tpu.memory_space<vmem_shared>>)
      tpu.yield
    }) : () -> ()
    %add3A_9 = arith.constant 384 : i32
    %add3A_10 = arith.addi %mul3A_2, %add3A_9 : i32
    "tpu.region"() ({
      %run_scoped3A = tpu.sem_alloc : memref<!tpu.dma_semaphore, #tpu.memory_space<semaphore_mem>>
      %dma_start3A = arith.constant 0 : i32
      %dma_start3A_42 = arith.constant 0 : i32
      %dma_start3A_43 = tpu.memref_slice %arg7[%dma_start3A, %dma_start3A_42] : memref<128x128xf32, #tpu.memory_space<vmem>> -> memref<128x128xf32, #tpu.memory_space<vmem>>
      %dma_start3A_44 = arith.constant 0 : i32
      %dma_start3A_45 = tpu.memref_slice %arg8[%add3A_10, %dma_start3A_44] : memref<10112x128xf32, #tpu.memory_space<vmem_shared>> -> memref<128x128xf32, #tpu.memory_space<vmem_shared>>
      %dma_start3A_46 = arith.constant 0 : i32
      %dma_start3A_47 = tpu.memref_slice %arg8[%add3A_10, %dma_start3A_46] : memref<10112x128xf32, #tpu.memory_space<vmem_shared>> -> memref<128x128xf32, #tpu.memory_space<vmem_shared>>
      %dma_start3A_48 = arith.constant 0 : i32
      %dma_start3A_49 = arith.constant 0 : i32
      %dma_start3A_50 = tpu.memref_slice %arg7[%dma_start3A_48, %dma_start3A_49] : memref<128x128xf32, #tpu.memory_space<vmem>> -> memref<128x128xf32, #tpu.memory_space<vmem>>
      tpu.enqueue_dma source(%dma_start3A_50 : memref<128x128xf32, #tpu.memory_space<vmem>>) target(%dma_start3A_47 : memref<128x128xf32, #tpu.memory_space<vmem_shared>>) target_semaphore(%run_scoped3A : memref<!tpu.dma_semaphore, #tpu.memory_space<semaphore_mem>>)
      %dma_wait3A = arith.constant 0 : i32
      %dma_wait3A_51 = arith.constant 0 : i32
      %dma_wait3A_52 = tpu.memref_slice %arg7[%dma_wait3A, %dma_wait3A_51] : memref<128x128xf32, #tpu.memory_space<vmem>> -> memref<128x128xf32, #tpu.memory_space<vmem>>
      %dma_wait3A_53 = arith.constant 0 : i32
      %dma_wait3A_54 = tpu.memref_slice %arg8[%add3A_10, %dma_wait3A_53] : memref<10112x128xf32, #tpu.memory_space<vmem_shared>> -> memref<128x128xf32, #tpu.memory_space<vmem_shared>>
      %dma_wait3A_55 = arith.constant 0 : i32
      %dma_wait3A_56 = tpu.memref_slice %arg8[%add3A_10, %dma_wait3A_55] : memref<10112x128xf32, #tpu.memory_space<vmem_shared>> -> memref<128x128xf32, #tpu.memory_space<vmem_shared>>
      %dma_wait3A_57 = arith.constant 0 : i32
      %dma_wait3A_58 = arith.constant 0 : i32
      %dma_wait3A_59 = tpu.memref_slice %arg7[%dma_wait3A_57, %dma_wait3A_58] : memref<128x128xf32, #tpu.memory_space<vmem>> -> memref<128x128xf32, #tpu.memory_space<vmem>>
      tpu.wait_dma2 semaphore(%run_scoped3A : memref<!tpu.dma_semaphore, #tpu.memory_space<semaphore_mem>>) src(%dma_wait3A_59 : memref<128x128xf32, #tpu.memory_space<vmem>>) dst(%dma_wait3A_56 : memref<128x128xf32, #tpu.memory_space<vmem_shared>>)
      tpu.yield
    }) : () -> ()
    %add3A_11 = arith.constant 512 : i32
    %add3A_12 = arith.addi %mul3A_2, %add3A_11 : i32
    "tpu.region"() ({
      %run_scoped3A = tpu.sem_alloc : memref<!tpu.dma_semaphore, #tpu.memory_space<semaphore_mem>>
      %dma_start3A = arith.constant 0 : i32
      %dma_start3A_42 = arith.constant 0 : i32
      %dma_start3A_43 = tpu.memref_slice %arg7[%dma_start3A, %dma_start3A_42] : memref<128x128xf32, #tpu.memory_space<vmem>> -> memref<120x128xf32, #tpu.memory_space<vmem>>
      %dma_start3A_44 = arith.constant 0 : i32
      %dma_start3A_45 = tpu.memref_slice %arg8[%add3A_12, %dma_start3A_44] : memref<10112x128xf32, #tpu.memory_space<vmem_shared>> -> memref<120x128xf32, #tpu.memory_space<vmem_shared>>
      %dma_start3A_46 = arith.constant 0 : i32
      %dma_start3A_47 = tpu.memref_slice %arg8[%add3A_12, %dma_start3A_46] : memref<10112x128xf32, #tpu.memory_space<vmem_shared>> -> memref<120x128xf32, #tpu.memory_space<vmem_shared>>
      %dma_start3A_48 = arith.constant 0 : i32
      %dma_start3A_49 = arith.constant 0 : i32
      %dma_start3A_50 = tpu.memref_slice %arg7[%dma_start3A_48, %dma_start3A_49] : memref<128x128xf32, #tpu.memory_space<vmem>> -> memref<120x128xf32, #tpu.memory_space<vmem>>
      tpu.enqueue_dma source(%dma_start3A_50 : memref<120x128xf32, #tpu.memory_space<vmem>>) target(%dma_start3A_47 : memref<120x128xf32, #tpu.memory_space<vmem_shared>>) target_semaphore(%run_scoped3A : memref<!tpu.dma_semaphore, #tpu.memory_space<semaphore_mem>>)
      %dma_wait3A = arith.constant 0 : i32
      %dma_wait3A_51 = arith.constant 0 : i32
      %dma_wait3A_52 = tpu.memref_slice %arg7[%dma_wait3A, %dma_wait3A_51] : memref<128x128xf32, #tpu.memory_space<vmem>> -> memref<120x128xf32, #tpu.memory_space<vmem>>
      %dma_wait3A_53 = arith.constant 0 : i32
      %dma_wait3A_54 = tpu.memref_slice %arg8[%add3A_12, %dma_wait3A_53] : memref<10112x128xf32, #tpu.memory_space<vmem_shared>> -> memref<120x128xf32, #tpu.memory_space<vmem_shared>>
      %dma_wait3A_55 = arith.constant 0 : i32
      %dma_wait3A_56 = tpu.memref_slice %arg8[%add3A_12, %dma_wait3A_55] : memref<10112x128xf32, #tpu.memory_space<vmem_shared>> -> memref<120x128xf32, #tpu.memory_space<vmem_shared>>
      %dma_wait3A_57 = arith.constant 0 : i32
      %dma_wait3A_58 = arith.constant 0 : i32
      %dma_wait3A_59 = tpu.memref_slice %arg7[%dma_wait3A_57, %dma_wait3A_58] : memref<128x128xf32, #tpu.memory_space<vmem>> -> memref<120x128xf32, #tpu.memory_space<vmem>>
      tpu.wait_dma2 semaphore(%run_scoped3A : memref<!tpu.dma_semaphore, #tpu.memory_space<semaphore_mem>>) src(%dma_wait3A_59 : memref<120x128xf32, #tpu.memory_space<vmem>>) dst(%dma_wait3A_56 : memref<120x128xf32, #tpu.memory_space<vmem_shared>>)
      tpu.yield
    }) : () -> ()
    "tpu.region"() ({
      %run_scoped3A = tpu.sem_alloc : memref<!tpu.dma_semaphore, #tpu.memory_space<semaphore_mem>>
      tpu.enqueue_dma source(%arg3 : memref<128x128xf32, #tpu.memory_space<hbm>>) target(%arg7 : memref<128x128xf32, #tpu.memory_space<vmem>>) target_semaphore(%run_scoped3A : memref<!tpu.dma_semaphore, #tpu.memory_space<semaphore_mem>>)
      tpu.wait_dma2 semaphore(%run_scoped3A : memref<!tpu.dma_semaphore, #tpu.memory_space<semaphore_mem>>) src(%arg3 : memref<128x128xf32, #tpu.memory_space<hbm>>) dst(%arg7 : memref<128x128xf32, #tpu.memory_space<vmem>>)
      tpu.yield
    }) : () -> ()
    %barrier3A = arith.constant 0 : index
    tpu.barrier barrier_id(%barrier3A)
    %scan3A = arith.constant 0 : i32
    %scan3A_13 = arith.constant 0 : i32
    %scan3A_14 = arith.constant 80 : i32
    %scan3A_15 = arith.addi %scan3A_13, %scan3A_14 : i32
    %scan3A_16 = arith.constant 1 : i32
    scf.for %scan3A_42 = %scan3A_13 to %scan3A_15 step %scan3A_16  : i32 {
      "tpu.region"() ({
        %run_scoped3A = tpu.sem_alloc : memref<!tpu.dma_semaphore, #tpu.memory_space<semaphore_mem>>
        %dma_start3A = arith.constant 0 : i32
        %dma_start3A_43 = tpu.memref_slice %arg6[%scan3A_42, %dma_start3A] : memref<80x128xi32, #tpu.memory_space<vmem>> -> memref<1x128xi32, #tpu.memory_space<vmem>>
        %dma_start3A_44 = tpu.memref_squeeze %dma_start3A_43 : memref<1x128xi32, #tpu.memory_space<vmem>> -> memref<128xi32, #tpu.memory_space<vmem>>
        %dma_start3A_45 = arith.constant 0 : i32
        %dma_start3A_46 = arith.constant 0 : i32
        %dma_start3A_47 = tpu.memref_slice %arg8[%dma_start3A_45, %dma_start3A_46] : memref<10112x128xf32, #tpu.memory_space<vmem_shared>> -> memref<10112x128xf32, #tpu.memory_space<vmem_shared>>
        tpu.enqueue_indirect_dma source(%arg7 : memref<128x128xf32, #tpu.memory_space<vmem>>) target(%dma_start3A_47 : memref<10112x128xf32, #tpu.memory_space<vmem_shared>>) offsets(%dma_start3A_44 : memref<128xi32, #tpu.memory_space<vmem>>) semaphore(%run_scoped3A : memref<!tpu.dma_semaphore, #tpu.memory_space<semaphore_mem>>) {add = true}
        %dma_wait3A = arith.constant 0 : i32
        %dma_wait3A_48 = tpu.memref_slice %arg6[%scan3A_42, %dma_wait3A] : memref<80x128xi32, #tpu.memory_space<vmem>> -> memref<1x128xi32, #tpu.memory_space<vmem>>
        %dma_wait3A_49 = tpu.memref_squeeze %dma_wait3A_48 : memref<1x128xi32, #tpu.memory_space<vmem>> -> memref<128xi32, #tpu.memory_space<vmem>>
        %dma_wait3A_50 = arith.constant 0 : i32
        %dma_wait3A_51 = arith.constant 0 : i32
        %dma_wait3A_52 = tpu.memref_slice %arg8[%dma_wait3A_50, %dma_wait3A_51] : memref<10112x128xf32, #tpu.memory_space<vmem_shared>> -> memref<10112x128xf32, #tpu.memory_space<vmem_shared>>
        tpu.wait_indirect_dma semaphore(%run_scoped3A : memref<!tpu.dma_semaphore, #tpu.memory_space<semaphore_mem>>) src(%arg7 : memref<128x128xf32, #tpu.memory_space<vmem>>) dst(%dma_wait3A_52 : memref<10112x128xf32, #tpu.memory_space<vmem_shared>>)
        tpu.yield
      }) : () -> ()
    }
    %scan3A_17 = arith.constant 80 : i32
    %barrier3A_18 = arith.constant 0 : index
    tpu.barrier barrier_id(%barrier3A_18)
    %mul3A_19 = arith.constant 10112 : i32
    %mul3A_20 = arith.muli %arg0, %mul3A_19 : i32
    %add3A_21 = arith.addi %mul3A_20, %mul3A_2 : i32
    %add3A_22 = arith.constant 0 : i32
    %add3A_23 = arith.addi %mul3A_2, %add3A_22 : i32
    "tpu.region"() ({
      %run_scoped3A = tpu.sem_alloc : memref<!tpu.dma_semaphore, #tpu.memory_space<semaphore_mem>>
      %dma_start3A = arith.constant 0 : i32
      %dma_start3A_42 = arith.constant 0 : i32
      %dma_start3A_43 = tpu.memref_slice %arg7[%dma_start3A, %dma_start3A_42] : memref<128x128xf32, #tpu.memory_space<vmem>> -> memref<128x128xf32, #tpu.memory_space<vmem>>
      %dma_start3A_44 = arith.constant 0 : i32
      %dma_start3A_45 = tpu.memref_slice %arg8[%add3A_23, %dma_start3A_44] : memref<10112x128xf32, #tpu.memory_space<vmem_shared>> -> memref<128x128xf32, #tpu.memory_space<vmem_shared>>
      %dma_start3A_46 = arith.constant 0 : i32
      %dma_start3A_47 = arith.constant 0 : i32
      %dma_start3A_48 = tpu.memref_slice %arg7[%dma_start3A_46, %dma_start3A_47] : memref<128x128xf32, #tpu.memory_space<vmem>> -> memref<128x128xf32, #tpu.memory_space<vmem>>
      %dma_start3A_49 = arith.constant 0 : i32
      %dma_start3A_50 = tpu.memref_slice %arg8[%add3A_23, %dma_start3A_49] : memref<10112x128xf32, #tpu.memory_space<vmem_shared>> -> memref<128x128xf32, #tpu.memory_space<vmem_shared>>
      tpu.enqueue_dma source(%dma_start3A_50 : memref<128x128xf32, #tpu.memory_space<vmem_shared>>) target(%dma_start3A_48 : memref<128x128xf32, #tpu.memory_space<vmem>>) target_semaphore(%run_scoped3A : memref<!tpu.dma_semaphore, #tpu.memory_space<semaphore_mem>>)
      %dma_wait3A = arith.constant 0 : i32
      %dma_wait3A_51 = arith.constant 0 : i32
      %dma_wait3A_52 = tpu.memref_slice %arg7[%dma_wait3A, %dma_wait3A_51] : memref<128x128xf32, #tpu.memory_space<vmem>> -> memref<128x128xf32, #tpu.memory_space<vmem>>
      %dma_wait3A_53 = arith.constant 0 : i32
      %dma_wait3A_54 = tpu.memref_slice %arg8[%add3A_23, %dma_wait3A_53] : memref<10112x128xf32, #tpu.memory_space<vmem_shared>> -> memref<128x128xf32, #tpu.memory_space<vmem_shared>>
      %dma_wait3A_55 = arith.constant 0 : i32
      %dma_wait3A_56 = arith.constant 0 : i32
      %dma_wait3A_57 = tpu.memref_slice %arg7[%dma_wait3A_55, %dma_wait3A_56] : memref<128x128xf32, #tpu.memory_space<vmem>> -> memref<128x128xf32, #tpu.memory_space<vmem>>
      %dma_wait3A_58 = arith.constant 0 : i32
      %dma_wait3A_59 = tpu.memref_slice %arg8[%add3A_23, %dma_wait3A_58] : memref<10112x128xf32, #tpu.memory_space<vmem_shared>> -> memref<128x128xf32, #tpu.memory_space<vmem_shared>>
      tpu.wait_dma2 semaphore(%run_scoped3A : memref<!tpu.dma_semaphore, #tpu.memory_space<semaphore_mem>>) src(%dma_wait3A_59 : memref<128x128xf32, #tpu.memory_space<vmem_shared>>) dst(%dma_wait3A_57 : memref<128x128xf32, #tpu.memory_space<vmem>>)
      tpu.yield
    }) : () -> ()
    %add3A_24 = arith.constant 0 : i32
    %add3A_25 = arith.addi %add3A_21, %add3A_24 : i32
    "tpu.region"() ({
      %run_scoped3A = tpu.sem_alloc : memref<!tpu.dma_semaphore, #tpu.memory_space<semaphore_mem>>
      %dma_start3A = arith.constant 0 : i32
      %dma_start3A_42 = arith.constant 0 : i32
      %dma_start3A_43 = tpu.memref_slice %arg7[%dma_start3A, %dma_start3A_42] : memref<128x128xf32, #tpu.memory_space<vmem>> -> memref<128x128xf32, #tpu.memory_space<vmem>>
      %dma_start3A_44 = arith.constant 0 : i32
      %dma_start3A_45 = tpu.memref_slice %arg5[%add3A_25, %dma_start3A_44] : memref<20224x128xf32, #tpu.memory_space<hbm>> -> memref<128x128xf32, #tpu.memory_space<hbm>>
      %dma_start3A_46 = arith.constant 0 : i32
      %dma_start3A_47 = tpu.memref_slice %arg5[%add3A_25, %dma_start3A_46] : memref<20224x128xf32, #tpu.memory_space<hbm>> -> memref<128x128xf32, #tpu.memory_space<hbm>>
      %dma_start3A_48 = arith.constant 0 : i32
      %dma_start3A_49 = arith.constant 0 : i32
      %dma_start3A_50 = tpu.memref_slice %arg7[%dma_start3A_48, %dma_start3A_49] : memref<128x128xf32, #tpu.memory_space<vmem>> -> memref<128x128xf32, #tpu.memory_space<vmem>>
      tpu.enqueue_dma source(%dma_start3A_50 : memref<128x128xf32, #tpu.memory_space<vmem>>) target(%dma_start3A_47 : memref<128x128xf32, #tpu.memory_space<hbm>>) target_semaphore(%run_scoped3A : memref<!tpu.dma_semaphore, #tpu.memory_space<semaphore_mem>>)
      %dma_wait3A = arith.constant 0 : i32
      %dma_wait3A_51 = arith.constant 0 : i32
      %dma_wait3A_52 = tpu.memref_slice %arg7[%dma_wait3A, %dma_wait3A_51] : memref<128x128xf32, #tpu.memory_space<vmem>> -> memref<128x128xf32, #tpu.memory_space<vmem>>
      %dma_wait3A_53 = arith.constant 0 : i32
      %dma_wait3A_54 = tpu.memref_slice %arg5[%add3A_25, %dma_wait3A_53] : memref<20224x128xf32, #tpu.memory_space<hbm>> -> memref<128x128xf32, #tpu.memory_space<hbm>>
      %dma_wait3A_55 = arith.constant 0 : i32
      %dma_wait3A_56 = tpu.memref_slice %arg5[%add3A_25, %dma_wait3A_55] : memref<20224x128xf32, #tpu.memory_space<hbm>> -> memref<128x128xf32, #tpu.memory_space<hbm>>
      %dma_wait3A_57 = arith.constant 0 : i32
      %dma_wait3A_58 = arith.constant 0 : i32
      %dma_wait3A_59 = tpu.memref_slice %arg7[%dma_wait3A_57, %dma_wait3A_58] : memref<128x128xf32, #tpu.memory_space<vmem>> -> memref<128x128xf32, #tpu.memory_space<vmem>>
      tpu.wait_dma2 semaphore(%run_scoped3A : memref<!tpu.dma_semaphore, #tpu.memory_space<semaphore_mem>>) src(%dma_wait3A_59 : memref<128x128xf32, #tpu.memory_space<vmem>>) dst(%dma_wait3A_56 : memref<128x128xf32, #tpu.memory_space<hbm>>)
      tpu.yield
    }) : () -> ()
    %add3A_26 = arith.constant 128 : i32
    %add3A_27 = arith.addi %mul3A_2, %add3A_26 : i32
    "tpu.region"() ({
      %run_scoped3A = tpu.sem_alloc : memref<!tpu.dma_semaphore, #tpu.memory_space<semaphore_mem>>
      %dma_start3A = arith.constant 0 : i32
      %dma_start3A_42 = arith.constant 0 : i32
      %dma_start3A_43 = tpu.memref_slice %arg7[%dma_start3A, %dma_start3A_42] : memref<128x128xf32, #tpu.memory_space<vmem>> -> memref<128x128xf32, #tpu.memory_space<vmem>>
      %dma_start3A_44 = arith.constant 0 : i32
      %dma_start3A_45 = tpu.memref_slice %arg8[%add3A_27, %dma_start3A_44] : memref<10112x128xf32, #tpu.memory_space<vmem_shared>> -> memref<128x128xf32, #tpu.memory_space<vmem_shared>>
      %dma_start3A_46 = arith.constant 0 : i32
      %dma_start3A_47 = arith.constant 0 : i32
      %dma_start3A_48 = tpu.memref_slice %arg7[%dma_start3A_46, %dma_start3A_47] : memref<128x128xf32, #tpu.memory_space<vmem>> -> memref<128x128xf32, #tpu.memory_space<vmem>>
      %dma_start3A_49 = arith.constant 0 : i32
      %dma_start3A_50 = tpu.memref_slice %arg8[%add3A_27, %dma_start3A_49] : memref<10112x128xf32, #tpu.memory_space<vmem_shared>> -> memref<128x128xf32, #tpu.memory_space<vmem_shared>>
      tpu.enqueue_dma source(%dma_start3A_50 : memref<128x128xf32, #tpu.memory_space<vmem_shared>>) target(%dma_start3A_48 : memref<128x128xf32, #tpu.memory_space<vmem>>) target_semaphore(%run_scoped3A : memref<!tpu.dma_semaphore, #tpu.memory_space<semaphore_mem>>)
      %dma_wait3A = arith.constant 0 : i32
      %dma_wait3A_51 = arith.constant 0 : i32
      %dma_wait3A_52 = tpu.memref_slice %arg7[%dma_wait3A, %dma_wait3A_51] : memref<128x128xf32, #tpu.memory_space<vmem>> -> memref<128x128xf32, #tpu.memory_space<vmem>>
      %dma_wait3A_53 = arith.constant 0 : i32
      %dma_wait3A_54 = tpu.memref_slice %arg8[%add3A_27, %dma_wait3A_53] : memref<10112x128xf32, #tpu.memory_space<vmem_shared>> -> memref<128x128xf32, #tpu.memory_space<vmem_shared>>
      %dma_wait3A_55 = arith.constant 0 : i32
      %dma_wait3A_56 = arith.constant 0 : i32
      %dma_wait3A_57 = tpu.memref_slice %arg7[%dma_wait3A_55, %dma_wait3A_56] : memref<128x128xf32, #tpu.memory_space<vmem>> -> memref<128x128xf32, #tpu.memory_space<vmem>>
      %dma_wait3A_58 = arith.constant 0 : i32
      %dma_wait3A_59 = tpu.memref_slice %arg8[%add3A_27, %dma_wait3A_58] : memref<10112x128xf32, #tpu.memory_space<vmem_shared>> -> memref<128x128xf32, #tpu.memory_space<vmem_shared>>
      tpu.wait_dma2 semaphore(%run_scoped3A : memref<!tpu.dma_semaphore, #tpu.memory_space<semaphore_mem>>) src(%dma_wait3A_59 : memref<128x128xf32, #tpu.memory_space<vmem_shared>>) dst(%dma_wait3A_57 : memref<128x128xf32, #tpu.memory_space<vmem>>)
      tpu.yield
    }) : () -> ()
    %add3A_28 = arith.constant 128 : i32
    %add3A_29 = arith.addi %add3A_21, %add3A_28 : i32
    "tpu.region"() ({
      %run_scoped3A = tpu.sem_alloc : memref<!tpu.dma_semaphore, #tpu.memory_space<semaphore_mem>>
      %dma_start3A = arith.constant 0 : i32
      %dma_start3A_42 = arith.constant 0 : i32
      %dma_start3A_43 = tpu.memref_slice %arg7[%dma_start3A, %dma_start3A_42] : memref<128x128xf32, #tpu.memory_space<vmem>> -> memref<128x128xf32, #tpu.memory_space<vmem>>
      %dma_start3A_44 = arith.constant 0 : i32
      %dma_start3A_45 = tpu.memref_slice %arg5[%add3A_29, %dma_start3A_44] : memref<20224x128xf32, #tpu.memory_space<hbm>> -> memref<128x128xf32, #tpu.memory_space<hbm>>
      %dma_start3A_46 = arith.constant 0 : i32
      %dma_start3A_47 = tpu.memref_slice %arg5[%add3A_29, %dma_start3A_46] : memref<20224x128xf32, #tpu.memory_space<hbm>> -> memref<128x128xf32, #tpu.memory_space<hbm>>
      %dma_start3A_48 = arith.constant 0 : i32
      %dma_start3A_49 = arith.constant 0 : i32
      %dma_start3A_50 = tpu.memref_slice %arg7[%dma_start3A_48, %dma_start3A_49] : memref<128x128xf32, #tpu.memory_space<vmem>> -> memref<128x128xf32, #tpu.memory_space<vmem>>
      tpu.enqueue_dma source(%dma_start3A_50 : memref<128x128xf32, #tpu.memory_space<vmem>>) target(%dma_start3A_47 : memref<128x128xf32, #tpu.memory_space<hbm>>) target_semaphore(%run_scoped3A : memref<!tpu.dma_semaphore, #tpu.memory_space<semaphore_mem>>)
      %dma_wait3A = arith.constant 0 : i32
      %dma_wait3A_51 = arith.constant 0 : i32
      %dma_wait3A_52 = tpu.memref_slice %arg7[%dma_wait3A, %dma_wait3A_51] : memref<128x128xf32, #tpu.memory_space<vmem>> -> memref<128x128xf32, #tpu.memory_space<vmem>>
      %dma_wait3A_53 = arith.constant 0 : i32
      %dma_wait3A_54 = tpu.memref_slice %arg5[%add3A_29, %dma_wait3A_53] : memref<20224x128xf32, #tpu.memory_space<hbm>> -> memref<128x128xf32, #tpu.memory_space<hbm>>
      %dma_wait3A_55 = arith.constant 0 : i32
      %dma_wait3A_56 = tpu.memref_slice %arg5[%add3A_29, %dma_wait3A_55] : memref<20224x128xf32, #tpu.memory_space<hbm>> -> memref<128x128xf32, #tpu.memory_space<hbm>>
      %dma_wait3A_57 = arith.constant 0 : i32
      %dma_wait3A_58 = arith.constant 0 : i32
      %dma_wait3A_59 = tpu.memref_slice %arg7[%dma_wait3A_57, %dma_wait3A_58] : memref<128x128xf32, #tpu.memory_space<vmem>> -> memref<128x128xf32, #tpu.memory_space<vmem>>
      tpu.wait_dma2 semaphore(%run_scoped3A : memref<!tpu.dma_semaphore, #tpu.memory_space<semaphore_mem>>) src(%dma_wait3A_59 : memref<128x128xf32, #tpu.memory_space<vmem>>) dst(%dma_wait3A_56 : memref<128x128xf32, #tpu.memory_space<hbm>>)
      tpu.yield
    }) : () -> ()
    %add3A_30 = arith.constant 256 : i32
    %add3A_31 = arith.addi %mul3A_2, %add3A_30 : i32
    "tpu.region"() ({
      %run_scoped3A = tpu.sem_alloc : memref<!tpu.dma_semaphore, #tpu.memory_space<semaphore_mem>>
      %dma_start3A = arith.constant 0 : i32
      %dma_start3A_42 = arith.constant 0 : i32
      %dma_start3A_43 = tpu.memref_slice %arg7[%dma_start3A, %dma_start3A_42] : memref<128x128xf32, #tpu.memory_space<vmem>> -> memref<128x128xf32, #tpu.memory_space<vmem>>
      %dma_start3A_44 = arith.constant 0 : i32
      %dma_start3A_45 = tpu.memref_slice %arg8[%add3A_31, %dma_start3A_44] : memref<10112x128xf32, #tpu.memory_space<vmem_shared>> -> memref<128x128xf32, #tpu.memory_space<vmem_shared>>
      %dma_start3A_46 = arith.constant 0 : i32
      %dma_start3A_47 = arith.constant 0 : i32
      %dma_start3A_48 = tpu.memref_slice %arg7[%dma_start3A_46, %dma_start3A_47] : memref<128x128xf32, #tpu.memory_space<vmem>> -> memref<128x128xf32, #tpu.memory_space<vmem>>
      %dma_start3A_49 = arith.constant 0 : i32
      %dma_start3A_50 = tpu.memref_slice %arg8[%add3A_31, %dma_start3A_49] : memref<10112x128xf32, #tpu.memory_space<vmem_shared>> -> memref<128x128xf32, #tpu.memory_space<vmem_shared>>
      tpu.enqueue_dma source(%dma_start3A_50 : memref<128x128xf32, #tpu.memory_space<vmem_shared>>) target(%dma_start3A_48 : memref<128x128xf32, #tpu.memory_space<vmem>>) target_semaphore(%run_scoped3A : memref<!tpu.dma_semaphore, #tpu.memory_space<semaphore_mem>>)
      %dma_wait3A = arith.constant 0 : i32
      %dma_wait3A_51 = arith.constant 0 : i32
      %dma_wait3A_52 = tpu.memref_slice %arg7[%dma_wait3A, %dma_wait3A_51] : memref<128x128xf32, #tpu.memory_space<vmem>> -> memref<128x128xf32, #tpu.memory_space<vmem>>
      %dma_wait3A_53 = arith.constant 0 : i32
      %dma_wait3A_54 = tpu.memref_slice %arg8[%add3A_31, %dma_wait3A_53] : memref<10112x128xf32, #tpu.memory_space<vmem_shared>> -> memref<128x128xf32, #tpu.memory_space<vmem_shared>>
      %dma_wait3A_55 = arith.constant 0 : i32
      %dma_wait3A_56 = arith.constant 0 : i32
      %dma_wait3A_57 = tpu.memref_slice %arg7[%dma_wait3A_55, %dma_wait3A_56] : memref<128x128xf32, #tpu.memory_space<vmem>> -> memref<128x128xf32, #tpu.memory_space<vmem>>
      %dma_wait3A_58 = arith.constant 0 : i32
      %dma_wait3A_59 = tpu.memref_slice %arg8[%add3A_31, %dma_wait3A_58] : memref<10112x128xf32, #tpu.memory_space<vmem_shared>> -> memref<128x128xf32, #tpu.memory_space<vmem_shared>>
      tpu.wait_dma2 semaphore(%run_scoped3A : memref<!tpu.dma_semaphore, #tpu.memory_space<semaphore_mem>>) src(%dma_wait3A_59 : memref<128x128xf32, #tpu.memory_space<vmem_shared>>) dst(%dma_wait3A_57 : memref<128x128xf32, #tpu.memory_space<vmem>>)
      tpu.yield
    }) : () -> ()
    %add3A_32 = arith.constant 256 : i32
    %add3A_33 = arith.addi %add3A_21, %add3A_32 : i32
    "tpu.region"() ({
      %run_scoped3A = tpu.sem_alloc : memref<!tpu.dma_semaphore, #tpu.memory_space<semaphore_mem>>
      %dma_start3A = arith.constant 0 : i32
      %dma_start3A_42 = arith.constant 0 : i32
      %dma_start3A_43 = tpu.memref_slice %arg7[%dma_start3A, %dma_start3A_42] : memref<128x128xf32, #tpu.memory_space<vmem>> -> memref<128x128xf32, #tpu.memory_space<vmem>>
      %dma_start3A_44 = arith.constant 0 : i32
      %dma_start3A_45 = tpu.memref_slice %arg5[%add3A_33, %dma_start3A_44] : memref<20224x128xf32, #tpu.memory_space<hbm>> -> memref<128x128xf32, #tpu.memory_space<hbm>>
      %dma_start3A_46 = arith.constant 0 : i32
      %dma_start3A_47 = tpu.memref_slice %arg5[%add3A_33, %dma_start3A_46] : memref<20224x128xf32, #tpu.memory_space<hbm>> -> memref<128x128xf32, #tpu.memory_space<hbm>>
      %dma_start3A_48 = arith.constant 0 : i32
      %dma_start3A_49 = arith.constant 0 : i32
      %dma_start3A_50 = tpu.memref_slice %arg7[%dma_start3A_48, %dma_start3A_49] : memref<128x128xf32, #tpu.memory_space<vmem>> -> memref<128x128xf32, #tpu.memory_space<vmem>>
      tpu.enqueue_dma source(%dma_start3A_50 : memref<128x128xf32, #tpu.memory_space<vmem>>) target(%dma_start3A_47 : memref<128x128xf32, #tpu.memory_space<hbm>>) target_semaphore(%run_scoped3A : memref<!tpu.dma_semaphore, #tpu.memory_space<semaphore_mem>>)
      %dma_wait3A = arith.constant 0 : i32
      %dma_wait3A_51 = arith.constant 0 : i32
      %dma_wait3A_52 = tpu.memref_slice %arg7[%dma_wait3A, %dma_wait3A_51] : memref<128x128xf32, #tpu.memory_space<vmem>> -> memref<128x128xf32, #tpu.memory_space<vmem>>
      %dma_wait3A_53 = arith.constant 0 : i32
      %dma_wait3A_54 = tpu.memref_slice %arg5[%add3A_33, %dma_wait3A_53] : memref<20224x128xf32, #tpu.memory_space<hbm>> -> memref<128x128xf32, #tpu.memory_space<hbm>>
      %dma_wait3A_55 = arith.constant 0 : i32
      %dma_wait3A_56 = tpu.memref_slice %arg5[%add3A_33, %dma_wait3A_55] : memref<20224x128xf32, #tpu.memory_space<hbm>> -> memref<128x128xf32, #tpu.memory_space<hbm>>
      %dma_wait3A_57 = arith.constant 0 : i32
      %dma_wait3A_58 = arith.constant 0 : i32
      %dma_wait3A_59 = tpu.memref_slice %arg7[%dma_wait3A_57, %dma_wait3A_58] : memref<128x128xf32, #tpu.memory_space<vmem>> -> memref<128x128xf32, #tpu.memory_space<vmem>>
      tpu.wait_dma2 semaphore(%run_scoped3A : memref<!tpu.dma_semaphore, #tpu.memory_space<semaphore_mem>>) src(%dma_wait3A_59 : memref<128x128xf32, #tpu.memory_space<vmem>>) dst(%dma_wait3A_56 : memref<128x128xf32, #tpu.memory_space<hbm>>)
      tpu.yield
    }) : () -> ()
    %add3A_34 = arith.constant 384 : i32
    %add3A_35 = arith.addi %mul3A_2, %add3A_34 : i32
    "tpu.region"() ({
      %run_scoped3A = tpu.sem_alloc : memref<!tpu.dma_semaphore, #tpu.memory_space<semaphore_mem>>
      %dma_start3A = arith.constant 0 : i32
      %dma_start3A_42 = arith.constant 0 : i32
      %dma_start3A_43 = tpu.memref_slice %arg7[%dma_start3A, %dma_start3A_42] : memref<128x128xf32, #tpu.memory_space<vmem>> -> memref<128x128xf32, #tpu.memory_space<vmem>>
      %dma_start3A_44 = arith.constant 0 : i32
      %dma_start3A_45 = tpu.memref_slice %arg8[%add3A_35, %dma_start3A_44] : memref<10112x128xf32, #tpu.memory_space<vmem_shared>> -> memref<128x128xf32, #tpu.memory_space<vmem_shared>>
      %dma_start3A_46 = arith.constant 0 : i32
      %dma_start3A_47 = arith.constant 0 : i32
      %dma_start3A_48 = tpu.memref_slice %arg7[%dma_start3A_46, %dma_start3A_47] : memref<128x128xf32, #tpu.memory_space<vmem>> -> memref<128x128xf32, #tpu.memory_space<vmem>>
      %dma_start3A_49 = arith.constant 0 : i32
      %dma_start3A_50 = tpu.memref_slice %arg8[%add3A_35, %dma_start3A_49] : memref<10112x128xf32, #tpu.memory_space<vmem_shared>> -> memref<128x128xf32, #tpu.memory_space<vmem_shared>>
      tpu.enqueue_dma source(%dma_start3A_50 : memref<128x128xf32, #tpu.memory_space<vmem_shared>>) target(%dma_start3A_48 : memref<128x128xf32, #tpu.memory_space<vmem>>) target_semaphore(%run_scoped3A : memref<!tpu.dma_semaphore, #tpu.memory_space<semaphore_mem>>)
      %dma_wait3A = arith.constant 0 : i32
      %dma_wait3A_51 = arith.constant 0 : i32
      %dma_wait3A_52 = tpu.memref_slice %arg7[%dma_wait3A, %dma_wait3A_51] : memref<128x128xf32, #tpu.memory_space<vmem>> -> memref<128x128xf32, #tpu.memory_space<vmem>>
      %dma_wait3A_53 = arith.constant 0 : i32
      %dma_wait3A_54 = tpu.memref_slice %arg8[%add3A_35, %dma_wait3A_53] : memref<10112x128xf32, #tpu.memory_space<vmem_shared>> -> memref<128x128xf32, #tpu.memory_space<vmem_shared>>
      %dma_wait3A_55 = arith.constant 0 : i32
      %dma_wait3A_56 = arith.constant 0 : i32
      %dma_wait3A_57 = tpu.memref_slice %arg7[%dma_wait3A_55, %dma_wait3A_56] : memref<128x128xf32, #tpu.memory_space<vmem>> -> memref<128x128xf32, #tpu.memory_space<vmem>>
      %dma_wait3A_58 = arith.constant 0 : i32
      %dma_wait3A_59 = tpu.memref_slice %arg8[%add3A_35, %dma_wait3A_58] : memref<10112x128xf32, #tpu.memory_space<vmem_shared>> -> memref<128x128xf32, #tpu.memory_space<vmem_shared>>
      tpu.wait_dma2 semaphore(%run_scoped3A : memref<!tpu.dma_semaphore, #tpu.memory_space<semaphore_mem>>) src(%dma_wait3A_59 : memref<128x128xf32, #tpu.memory_space<vmem_shared>>) dst(%dma_wait3A_57 : memref<128x128xf32, #tpu.memory_space<vmem>>)
      tpu.yield
    }) : () -> ()
    %add3A_36 = arith.constant 384 : i32
    %add3A_37 = arith.addi %add3A_21, %add3A_36 : i32
    "tpu.region"() ({
      %run_scoped3A = tpu.sem_alloc : memref<!tpu.dma_semaphore, #tpu.memory_space<semaphore_mem>>
      %dma_start3A = arith.constant 0 : i32
      %dma_start3A_42 = arith.constant 0 : i32
      %dma_start3A_43 = tpu.memref_slice %arg7[%dma_start3A, %dma_start3A_42] : memref<128x128xf32, #tpu.memory_space<vmem>> -> memref<128x128xf32, #tpu.memory_space<vmem>>
      %dma_start3A_44 = arith.constant 0 : i32
      %dma_start3A_45 = tpu.memref_slice %arg5[%add3A_37, %dma_start3A_44] : memref<20224x128xf32, #tpu.memory_space<hbm>> -> memref<128x128xf32, #tpu.memory_space<hbm>>
      %dma_start3A_46 = arith.constant 0 : i32
      %dma_start3A_47 = tpu.memref_slice %arg5[%add3A_37, %dma_start3A_46] : memref<20224x128xf32, #tpu.memory_space<hbm>> -> memref<128x128xf32, #tpu.memory_space<hbm>>
      %dma_start3A_48 = arith.constant 0 : i32
      %dma_start3A_49 = arith.constant 0 : i32
      %dma_start3A_50 = tpu.memref_slice %arg7[%dma_start3A_48, %dma_start3A_49] : memref<128x128xf32, #tpu.memory_space<vmem>> -> memref<128x128xf32, #tpu.memory_space<vmem>>
      tpu.enqueue_dma source(%dma_start3A_50 : memref<128x128xf32, #tpu.memory_space<vmem>>) target(%dma_start3A_47 : memref<128x128xf32, #tpu.memory_space<hbm>>) target_semaphore(%run_scoped3A : memref<!tpu.dma_semaphore, #tpu.memory_space<semaphore_mem>>)
      %dma_wait3A = arith.constant 0 : i32
      %dma_wait3A_51 = arith.constant 0 : i32
      %dma_wait3A_52 = tpu.memref_slice %arg7[%dma_wait3A, %dma_wait3A_51] : memref<128x128xf32, #tpu.memory_space<vmem>> -> memref<128x128xf32, #tpu.memory_space<vmem>>
      %dma_wait3A_53 = arith.constant 0 : i32
      %dma_wait3A_54 = tpu.memref_slice %arg5[%add3A_37, %dma_wait3A_53] : memref<20224x128xf32, #tpu.memory_space<hbm>> -> memref<128x128xf32, #tpu.memory_space<hbm>>
      %dma_wait3A_55 = arith.constant 0 : i32
      %dma_wait3A_56 = tpu.memref_slice %arg5[%add3A_37, %dma_wait3A_55] : memref<20224x128xf32, #tpu.memory_space<hbm>> -> memref<128x128xf32, #tpu.memory_space<hbm>>
      %dma_wait3A_57 = arith.constant 0 : i32
      %dma_wait3A_58 = arith.constant 0 : i32
      %dma_wait3A_59 = tpu.memref_slice %arg7[%dma_wait3A_57, %dma_wait3A_58] : memref<128x128xf32, #tpu.memory_space<vmem>> -> memref<128x128xf32, #tpu.memory_space<vmem>>
      tpu.wait_dma2 semaphore(%run_scoped3A : memref<!tpu.dma_semaphore, #tpu.memory_space<semaphore_mem>>) src(%dma_wait3A_59 : memref<128x128xf32, #tpu.memory_space<vmem>>) dst(%dma_wait3A_56 : memref<128x128xf32, #tpu.memory_space<hbm>>)
      tpu.yield
    }) : () -> ()
    %add3A_38 = arith.constant 512 : i32
    %add3A_39 = arith.addi %mul3A_2, %add3A_38 : i32
    "tpu.region"() ({
      %run_scoped3A = tpu.sem_alloc : memref<!tpu.dma_semaphore, #tpu.memory_space<semaphore_mem>>
      %dma_start3A = arith.constant 0 : i32
      %dma_start3A_42 = arith.constant 0 : i32
      %dma_start3A_43 = tpu.memref_slice %arg7[%dma_start3A, %dma_start3A_42] : memref<128x128xf32, #tpu.memory_space<vmem>> -> memref<120x128xf32, #tpu.memory_space<vmem>>
      %dma_start3A_44 = arith.constant 0 : i32
      %dma_start3A_45 = tpu.memref_slice %arg8[%add3A_39, %dma_start3A_44] : memref<10112x128xf32, #tpu.memory_space<vmem_shared>> -> memref<120x128xf32, #tpu.memory_space<vmem_shared>>
      %dma_start3A_46 = arith.constant 0 : i32
      %dma_start3A_47 = arith.constant 0 : i32
      %dma_start3A_48 = tpu.memref_slice %arg7[%dma_start3A_46, %dma_start3A_47] : memref<128x128xf32, #tpu.memory_space<vmem>> -> memref<120x128xf32, #tpu.memory_space<vmem>>
      %dma_start3A_49 = arith.constant 0 : i32
      %dma_start3A_50 = tpu.memref_slice %arg8[%add3A_39, %dma_start3A_49] : memref<10112x128xf32, #tpu.memory_space<vmem_shared>> -> memref<120x128xf32, #tpu.memory_space<vmem_shared>>
      tpu.enqueue_dma source(%dma_start3A_50 : memref<120x128xf32, #tpu.memory_space<vmem_shared>>) target(%dma_start3A_48 : memref<120x128xf32, #tpu.memory_space<vmem>>) target_semaphore(%run_scoped3A : memref<!tpu.dma_semaphore, #tpu.memory_space<semaphore_mem>>)
      %dma_wait3A = arith.constant 0 : i32
      %dma_wait3A_51 = arith.constant 0 : i32
      %dma_wait3A_52 = tpu.memref_slice %arg7[%dma_wait3A, %dma_wait3A_51] : memref<128x128xf32, #tpu.memory_space<vmem>> -> memref<120x128xf32, #tpu.memory_space<vmem>>
      %dma_wait3A_53 = arith.constant 0 : i32
      %dma_wait3A_54 = tpu.memref_slice %arg8[%add3A_39, %dma_wait3A_53] : memref<10112x128xf32, #tpu.memory_space<vmem_shared>> -> memref<120x128xf32, #tpu.memory_space<vmem_shared>>
      %dma_wait3A_55 = arith.constant 0 : i32
      %dma_wait3A_56 = arith.constant 0 : i32
      %dma_wait3A_57 = tpu.memref_slice %arg7[%dma_wait3A_55, %dma_wait3A_56] : memref<128x128xf32, #tpu.memory_space<vmem>> -> memref<120x128xf32, #tpu.memory_space<vmem>>
      %dma_wait3A_58 = arith.constant 0 : i32
      %dma_wait3A_59 = tpu.memref_slice %arg8[%add3A_39, %dma_wait3A_58] : memref<10112x128xf32, #tpu.memory_space<vmem_shared>> -> memref<120x128xf32, #tpu.memory_space<vmem_shared>>
      tpu.wait_dma2 semaphore(%run_scoped3A : memref<!tpu.dma_semaphore, #tpu.memory_space<semaphore_mem>>) src(%dma_wait3A_59 : memref<120x128xf32, #tpu.memory_space<vmem_shared>>) dst(%dma_wait3A_57 : memref<120x128xf32, #tpu.memory_space<vmem>>)
      tpu.yield
    }) : () -> ()
    %add3A_40 = arith.constant 512 : i32
    %add3A_41 = arith.addi %add3A_21, %add3A_40 : i32
    "tpu.region"() ({
      %run_scoped3A = tpu.sem_alloc : memref<!tpu.dma_semaphore, #tpu.memory_space<semaphore_mem>>
      %dma_start3A = arith.constant 0 : i32
      %dma_start3A_42 = arith.constant 0 : i32
      %dma_start3A_43 = tpu.memref_slice %arg7[%dma_start3A, %dma_start3A_42] : memref<128x128xf32, #tpu.memory_space<vmem>> -> memref<120x128xf32, #tpu.memory_space<vmem>>
      %dma_start3A_44 = arith.constant 0 : i32
      %dma_start3A_45 = tpu.memref_slice %arg5[%add3A_41, %dma_start3A_44] : memref<20224x128xf32, #tpu.memory_space<hbm>> -> memref<120x128xf32, #tpu.memory_space<hbm>>
      %dma_start3A_46 = arith.constant 0 : i32
      %dma_start3A_47 = tpu.memref_slice %arg5[%add3A_41, %dma_start3A_46] : memref<20224x128xf32, #tpu.memory_space<hbm>> -> memref<120x128xf32, #tpu.memory_space<hbm>>
      %dma_start3A_48 = arith.constant 0 : i32
      %dma_start3A_49 = arith.constant 0 : i32
      %dma_start3A_50 = tpu.memref_slice %arg7[%dma_start3A_48, %dma_start3A_49] : memref<128x128xf32, #tpu.memory_space<vmem>> -> memref<120x128xf32, #tpu.memory_space<vmem>>
      tpu.enqueue_dma source(%dma_start3A_50 : memref<120x128xf32, #tpu.memory_space<vmem>>) target(%dma_start3A_47 : memref<120x128xf32, #tpu.memory_space<hbm>>) target_semaphore(%run_scoped3A : memref<!tpu.dma_semaphore, #tpu.memory_space<semaphore_mem>>)
      %dma_wait3A = arith.constant 0 : i32
      %dma_wait3A_51 = arith.constant 0 : i32
      %dma_wait3A_52 = tpu.memref_slice %arg7[%dma_wait3A, %dma_wait3A_51] : memref<128x128xf32, #tpu.memory_space<vmem>> -> memref<120x128xf32, #tpu.memory_space<vmem>>
      %dma_wait3A_53 = arith.constant 0 : i32
      %dma_wait3A_54 = tpu.memref_slice %arg5[%add3A_41, %dma_wait3A_53] : memref<20224x128xf32, #tpu.memory_space<hbm>> -> memref<120x128xf32, #tpu.memory_space<hbm>>
      %dma_wait3A_55 = arith.constant 0 : i32
      %dma_wait3A_56 = tpu.memref_slice %arg5[%add3A_41, %dma_wait3A_55] : memref<20224x128xf32, #tpu.memory_space<hbm>> -> memref<120x128xf32, #tpu.memory_space<hbm>>
      %dma_wait3A_57 = arith.constant 0 : i32
      %dma_wait3A_58 = arith.constant 0 : i32
      %dma_wait3A_59 = tpu.memref_slice %arg7[%dma_wait3A_57, %dma_wait3A_58] : memref<128x128xf32, #tpu.memory_space<vmem>> -> memref<120x128xf32, #tpu.memory_space<vmem>>
      tpu.wait_dma2 semaphore(%run_scoped3A : memref<!tpu.dma_semaphore, #tpu.memory_space<semaphore_mem>>) src(%dma_wait3A_59 : memref<120x128xf32, #tpu.memory_space<vmem>>) dst(%dma_wait3A_56 : memref<120x128xf32, #tpu.memory_space<hbm>>)
      tpu.yield
    }) : () -> ()
    return
  }
}

#map = affine_map<(d0, d1) -> (0, 0)>
#map1 = affine_map<(d0, d1) -> (0, 0, 0)>
module attributes {stable_mosaic.version = 14 : i64} {
  func.func @_sc_acc_body(%arg0: i32, %arg1: i32, %arg2: memref<10000x128xf32, #tpu.memory_space<hbm>>, %arg3: memref<5120x2x64xi32, #tpu.memory_space<hbm>>, %arg4: memref<64x128xf32, #tpu.memory_space<hbm>>, %arg5: memref<20224x128xf32, #tpu.memory_space<hbm>>, %arg6: memref<2x64xi32, #tpu.memory_space<vmem>>, %arg7: memref<2x64xi32, #tpu.memory_space<vmem>>, %arg8: memref<2x64xi32, #tpu.memory_space<vmem>>, %arg9: memref<2x64xi32, #tpu.memory_space<vmem>>, %arg10: memref<2x64xi32, #tpu.memory_space<vmem>>, %arg11: memref<2x64xi32, #tpu.memory_space<vmem>>, %arg12: memref<2x64xi32, #tpu.memory_space<vmem>>, %arg13: memref<2x64xi32, #tpu.memory_space<vmem>>, %arg14: memref<64x128xf32, #tpu.memory_space<vmem>>, %arg15: memref<64x128xf32, #tpu.memory_space<vmem>>, %arg16: memref<64x128xf32, #tpu.memory_space<vmem>>, %arg17: memref<64x128xf32, #tpu.memory_space<vmem>>, %arg18: memref<10112x128xf32, #tpu.memory_space<vmem_shared>>, %arg19: memref<!tpu.dma_semaphore, #tpu.memory_space<semaphore_mem>>, %arg20: memref<!tpu.dma_semaphore, #tpu.memory_space<semaphore_mem>>, %arg21: memref<!tpu.dma_semaphore, #tpu.memory_space<semaphore_mem>>, %arg22: memref<!tpu.dma_semaphore, #tpu.memory_space<semaphore_mem>>, %arg23: memref<!tpu.dma_semaphore, #tpu.memory_space<semaphore_mem>>, %arg24: memref<!tpu.dma_semaphore, #tpu.memory_space<semaphore_mem>>, %arg25: memref<!tpu.dma_semaphore, #tpu.memory_space<semaphore_mem>>, %arg26: memref<!tpu.dma_semaphore, #tpu.memory_space<semaphore_mem>>, %arg27: memref<!tpu.dma_semaphore, #tpu.memory_space<semaphore_mem>>, %arg28: memref<!tpu.dma_semaphore, #tpu.memory_space<semaphore_mem>>, %arg29: memref<!tpu.dma_semaphore, #tpu.memory_space<semaphore_mem>>, %arg30: memref<!tpu.dma_semaphore, #tpu.memory_space<semaphore_mem>>) attributes {dimension_semantics = [#tpu.dimension_semantics<core_parallel>, #tpu.dimension_semantics<subcore_parallel>], iteration_bounds = array<i64: 2, 16>, scalar_prefetch = 0 : i64, scratch_operands = 25 : i64, tpu.core_type = #tpu.core_type<sc_vector_subcore>, window_params = [{transform_indices = #map}, {transform_indices = #map1}, {transform_indices = #map}, {transform_indices = #map}]} {
    %mul3A = arith.constant 16 : i32
    %mul3A_0 = arith.muli %arg0, %mul3A : i32
    %add3A = arith.addi %mul3A_0, %arg1 : i32
    %mul3A_1 = arith.constant 632 : i32
    %mul3A_2 = arith.muli %arg1, %mul3A_1 : i32
    %mul3A_3 = arith.constant 160 : i32
    %mul3A_4 = arith.muli %add3A, %mul3A_3 : i32
    "tpu.region"() ({
      %run_scoped3A = tpu.sem_alloc : memref<!tpu.dma_semaphore, #tpu.memory_space<semaphore_mem>>
      tpu.enqueue_dma source(%arg4 : memref<64x128xf32, #tpu.memory_space<hbm>>) target(%arg14 : memref<64x128xf32, #tpu.memory_space<vmem>>) target_semaphore(%run_scoped3A : memref<!tpu.dma_semaphore, #tpu.memory_space<semaphore_mem>>)
      tpu.wait_dma2 semaphore(%run_scoped3A : memref<!tpu.dma_semaphore, #tpu.memory_space<semaphore_mem>>) src(%arg4 : memref<64x128xf32, #tpu.memory_space<hbm>>) dst(%arg14 : memref<64x128xf32, #tpu.memory_space<vmem>>)
      tpu.yield
    }) : () -> ()
    %add3A_5 = arith.constant 0 : i32
    %add3A_6 = arith.addi %mul3A_2, %add3A_5 : i32
    "tpu.region"() ({
      %run_scoped3A = tpu.sem_alloc : memref<!tpu.dma_semaphore, #tpu.memory_space<semaphore_mem>>
      %dma_start3A_208 = arith.constant 0 : i32
      %dma_start3A_209 = arith.constant 0 : i32
      %dma_start3A_210 = tpu.memref_slice %arg14[%dma_start3A_208, %dma_start3A_209] : memref<64x128xf32, #tpu.memory_space<vmem>> -> memref<64x128xf32, #tpu.memory_space<vmem>>
      %dma_start3A_211 = arith.constant 0 : i32
      %dma_start3A_212 = tpu.memref_slice %arg18[%add3A_6, %dma_start3A_211] : memref<10112x128xf32, #tpu.memory_space<vmem_shared>> -> memref<64x128xf32, #tpu.memory_space<vmem_shared>>
      %dma_start3A_213 = arith.constant 0 : i32
      %dma_start3A_214 = tpu.memref_slice %arg18[%add3A_6, %dma_start3A_213] : memref<10112x128xf32, #tpu.memory_space<vmem_shared>> -> memref<64x128xf32, #tpu.memory_space<vmem_shared>>
      %dma_start3A_215 = arith.constant 0 : i32
      %dma_start3A_216 = arith.constant 0 : i32
      %dma_start3A_217 = tpu.memref_slice %arg14[%dma_start3A_215, %dma_start3A_216] : memref<64x128xf32, #tpu.memory_space<vmem>> -> memref<64x128xf32, #tpu.memory_space<vmem>>
      tpu.enqueue_dma source(%dma_start3A_217 : memref<64x128xf32, #tpu.memory_space<vmem>>) target(%dma_start3A_214 : memref<64x128xf32, #tpu.memory_space<vmem_shared>>) target_semaphore(%run_scoped3A : memref<!tpu.dma_semaphore, #tpu.memory_space<semaphore_mem>>)
      %dma_wait3A_218 = arith.constant 0 : i32
      %dma_wait3A_219 = arith.constant 0 : i32
      %dma_wait3A_220 = tpu.memref_slice %arg14[%dma_wait3A_218, %dma_wait3A_219] : memref<64x128xf32, #tpu.memory_space<vmem>> -> memref<64x128xf32, #tpu.memory_space<vmem>>
      %dma_wait3A_221 = arith.constant 0 : i32
      %dma_wait3A_222 = tpu.memref_slice %arg18[%add3A_6, %dma_wait3A_221] : memref<10112x128xf32, #tpu.memory_space<vmem_shared>> -> memref<64x128xf32, #tpu.memory_space<vmem_shared>>
      %dma_wait3A_223 = arith.constant 0 : i32
      %dma_wait3A_224 = tpu.memref_slice %arg18[%add3A_6, %dma_wait3A_223] : memref<10112x128xf32, #tpu.memory_space<vmem_shared>> -> memref<64x128xf32, #tpu.memory_space<vmem_shared>>
      %dma_wait3A_225 = arith.constant 0 : i32
      %dma_wait3A_226 = arith.constant 0 : i32
      %dma_wait3A_227 = tpu.memref_slice %arg14[%dma_wait3A_225, %dma_wait3A_226] : memref<64x128xf32, #tpu.memory_space<vmem>> -> memref<64x128xf32, #tpu.memory_space<vmem>>
      tpu.wait_dma2 semaphore(%run_scoped3A : memref<!tpu.dma_semaphore, #tpu.memory_space<semaphore_mem>>) src(%dma_wait3A_227 : memref<64x128xf32, #tpu.memory_space<vmem>>) dst(%dma_wait3A_224 : memref<64x128xf32, #tpu.memory_space<vmem_shared>>)
      tpu.yield
    }) : () -> ()
    %add3A_7 = arith.constant 64 : i32
    %add3A_8 = arith.addi %mul3A_2, %add3A_7 : i32
    "tpu.region"() ({
      %run_scoped3A = tpu.sem_alloc : memref<!tpu.dma_semaphore, #tpu.memory_space<semaphore_mem>>
      %dma_start3A_208 = arith.constant 0 : i32
      %dma_start3A_209 = arith.constant 0 : i32
      %dma_start3A_210 = tpu.memref_slice %arg14[%dma_start3A_208, %dma_start3A_209] : memref<64x128xf32, #tpu.memory_space<vmem>> -> memref<64x128xf32, #tpu.memory_space<vmem>>
      %dma_start3A_211 = arith.constant 0 : i32
      %dma_start3A_212 = tpu.memref_slice %arg18[%add3A_8, %dma_start3A_211] : memref<10112x128xf32, #tpu.memory_space<vmem_shared>> -> memref<64x128xf32, #tpu.memory_space<vmem_shared>>
      %dma_start3A_213 = arith.constant 0 : i32
      %dma_start3A_214 = tpu.memref_slice %arg18[%add3A_8, %dma_start3A_213] : memref<10112x128xf32, #tpu.memory_space<vmem_shared>> -> memref<64x128xf32, #tpu.memory_space<vmem_shared>>
      %dma_start3A_215 = arith.constant 0 : i32
      %dma_start3A_216 = arith.constant 0 : i32
      %dma_start3A_217 = tpu.memref_slice %arg14[%dma_start3A_215, %dma_start3A_216] : memref<64x128xf32, #tpu.memory_space<vmem>> -> memref<64x128xf32, #tpu.memory_space<vmem>>
      tpu.enqueue_dma source(%dma_start3A_217 : memref<64x128xf32, #tpu.memory_space<vmem>>) target(%dma_start3A_214 : memref<64x128xf32, #tpu.memory_space<vmem_shared>>) target_semaphore(%run_scoped3A : memref<!tpu.dma_semaphore, #tpu.memory_space<semaphore_mem>>)
      %dma_wait3A_218 = arith.constant 0 : i32
      %dma_wait3A_219 = arith.constant 0 : i32
      %dma_wait3A_220 = tpu.memref_slice %arg14[%dma_wait3A_218, %dma_wait3A_219] : memref<64x128xf32, #tpu.memory_space<vmem>> -> memref<64x128xf32, #tpu.memory_space<vmem>>
      %dma_wait3A_221 = arith.constant 0 : i32
      %dma_wait3A_222 = tpu.memref_slice %arg18[%add3A_8, %dma_wait3A_221] : memref<10112x128xf32, #tpu.memory_space<vmem_shared>> -> memref<64x128xf32, #tpu.memory_space<vmem_shared>>
      %dma_wait3A_223 = arith.constant 0 : i32
      %dma_wait3A_224 = tpu.memref_slice %arg18[%add3A_8, %dma_wait3A_223] : memref<10112x128xf32, #tpu.memory_space<vmem_shared>> -> memref<64x128xf32, #tpu.memory_space<vmem_shared>>
      %dma_wait3A_225 = arith.constant 0 : i32
      %dma_wait3A_226 = arith.constant 0 : i32
      %dma_wait3A_227 = tpu.memref_slice %arg14[%dma_wait3A_225, %dma_wait3A_226] : memref<64x128xf32, #tpu.memory_space<vmem>> -> memref<64x128xf32, #tpu.memory_space<vmem>>
      tpu.wait_dma2 semaphore(%run_scoped3A : memref<!tpu.dma_semaphore, #tpu.memory_space<semaphore_mem>>) src(%dma_wait3A_227 : memref<64x128xf32, #tpu.memory_space<vmem>>) dst(%dma_wait3A_224 : memref<64x128xf32, #tpu.memory_space<vmem_shared>>)
      tpu.yield
    }) : () -> ()
    %add3A_9 = arith.constant 128 : i32
    %add3A_10 = arith.addi %mul3A_2, %add3A_9 : i32
    "tpu.region"() ({
      %run_scoped3A = tpu.sem_alloc : memref<!tpu.dma_semaphore, #tpu.memory_space<semaphore_mem>>
      %dma_start3A_208 = arith.constant 0 : i32
      %dma_start3A_209 = arith.constant 0 : i32
      %dma_start3A_210 = tpu.memref_slice %arg14[%dma_start3A_208, %dma_start3A_209] : memref<64x128xf32, #tpu.memory_space<vmem>> -> memref<64x128xf32, #tpu.memory_space<vmem>>
      %dma_start3A_211 = arith.constant 0 : i32
      %dma_start3A_212 = tpu.memref_slice %arg18[%add3A_10, %dma_start3A_211] : memref<10112x128xf32, #tpu.memory_space<vmem_shared>> -> memref<64x128xf32, #tpu.memory_space<vmem_shared>>
      %dma_start3A_213 = arith.constant 0 : i32
      %dma_start3A_214 = tpu.memref_slice %arg18[%add3A_10, %dma_start3A_213] : memref<10112x128xf32, #tpu.memory_space<vmem_shared>> -> memref<64x128xf32, #tpu.memory_space<vmem_shared>>
      %dma_start3A_215 = arith.constant 0 : i32
      %dma_start3A_216 = arith.constant 0 : i32
      %dma_start3A_217 = tpu.memref_slice %arg14[%dma_start3A_215, %dma_start3A_216] : memref<64x128xf32, #tpu.memory_space<vmem>> -> memref<64x128xf32, #tpu.memory_space<vmem>>
      tpu.enqueue_dma source(%dma_start3A_217 : memref<64x128xf32, #tpu.memory_space<vmem>>) target(%dma_start3A_214 : memref<64x128xf32, #tpu.memory_space<vmem_shared>>) target_semaphore(%run_scoped3A : memref<!tpu.dma_semaphore, #tpu.memory_space<semaphore_mem>>)
      %dma_wait3A_218 = arith.constant 0 : i32
      %dma_wait3A_219 = arith.constant 0 : i32
      %dma_wait3A_220 = tpu.memref_slice %arg14[%dma_wait3A_218, %dma_wait3A_219] : memref<64x128xf32, #tpu.memory_space<vmem>> -> memref<64x128xf32, #tpu.memory_space<vmem>>
      %dma_wait3A_221 = arith.constant 0 : i32
      %dma_wait3A_222 = tpu.memref_slice %arg18[%add3A_10, %dma_wait3A_221] : memref<10112x128xf32, #tpu.memory_space<vmem_shared>> -> memref<64x128xf32, #tpu.memory_space<vmem_shared>>
      %dma_wait3A_223 = arith.constant 0 : i32
      %dma_wait3A_224 = tpu.memref_slice %arg18[%add3A_10, %dma_wait3A_223] : memref<10112x128xf32, #tpu.memory_space<vmem_shared>> -> memref<64x128xf32, #tpu.memory_space<vmem_shared>>
      %dma_wait3A_225 = arith.constant 0 : i32
      %dma_wait3A_226 = arith.constant 0 : i32
      %dma_wait3A_227 = tpu.memref_slice %arg14[%dma_wait3A_225, %dma_wait3A_226] : memref<64x128xf32, #tpu.memory_space<vmem>> -> memref<64x128xf32, #tpu.memory_space<vmem>>
      tpu.wait_dma2 semaphore(%run_scoped3A : memref<!tpu.dma_semaphore, #tpu.memory_space<semaphore_mem>>) src(%dma_wait3A_227 : memref<64x128xf32, #tpu.memory_space<vmem>>) dst(%dma_wait3A_224 : memref<64x128xf32, #tpu.memory_space<vmem_shared>>)
      tpu.yield
    }) : () -> ()
    %add3A_11 = arith.constant 192 : i32
    %add3A_12 = arith.addi %mul3A_2, %add3A_11 : i32
    "tpu.region"() ({
      %run_scoped3A = tpu.sem_alloc : memref<!tpu.dma_semaphore, #tpu.memory_space<semaphore_mem>>
      %dma_start3A_208 = arith.constant 0 : i32
      %dma_start3A_209 = arith.constant 0 : i32
      %dma_start3A_210 = tpu.memref_slice %arg14[%dma_start3A_208, %dma_start3A_209] : memref<64x128xf32, #tpu.memory_space<vmem>> -> memref<64x128xf32, #tpu.memory_space<vmem>>
      %dma_start3A_211 = arith.constant 0 : i32
      %dma_start3A_212 = tpu.memref_slice %arg18[%add3A_12, %dma_start3A_211] : memref<10112x128xf32, #tpu.memory_space<vmem_shared>> -> memref<64x128xf32, #tpu.memory_space<vmem_shared>>
      %dma_start3A_213 = arith.constant 0 : i32
      %dma_start3A_214 = tpu.memref_slice %arg18[%add3A_12, %dma_start3A_213] : memref<10112x128xf32, #tpu.memory_space<vmem_shared>> -> memref<64x128xf32, #tpu.memory_space<vmem_shared>>
      %dma_start3A_215 = arith.constant 0 : i32
      %dma_start3A_216 = arith.constant 0 : i32
      %dma_start3A_217 = tpu.memref_slice %arg14[%dma_start3A_215, %dma_start3A_216] : memref<64x128xf32, #tpu.memory_space<vmem>> -> memref<64x128xf32, #tpu.memory_space<vmem>>
      tpu.enqueue_dma source(%dma_start3A_217 : memref<64x128xf32, #tpu.memory_space<vmem>>) target(%dma_start3A_214 : memref<64x128xf32, #tpu.memory_space<vmem_shared>>) target_semaphore(%run_scoped3A : memref<!tpu.dma_semaphore, #tpu.memory_space<semaphore_mem>>)
      %dma_wait3A_218 = arith.constant 0 : i32
      %dma_wait3A_219 = arith.constant 0 : i32
      %dma_wait3A_220 = tpu.memref_slice %arg14[%dma_wait3A_218, %dma_wait3A_219] : memref<64x128xf32, #tpu.memory_space<vmem>> -> memref<64x128xf32, #tpu.memory_space<vmem>>
      %dma_wait3A_221 = arith.constant 0 : i32
      %dma_wait3A_222 = tpu.memref_slice %arg18[%add3A_12, %dma_wait3A_221] : memref<10112x128xf32, #tpu.memory_space<vmem_shared>> -> memref<64x128xf32, #tpu.memory_space<vmem_shared>>
      %dma_wait3A_223 = arith.constant 0 : i32
      %dma_wait3A_224 = tpu.memref_slice %arg18[%add3A_12, %dma_wait3A_223] : memref<10112x128xf32, #tpu.memory_space<vmem_shared>> -> memref<64x128xf32, #tpu.memory_space<vmem_shared>>
      %dma_wait3A_225 = arith.constant 0 : i32
      %dma_wait3A_226 = arith.constant 0 : i32
      %dma_wait3A_227 = tpu.memref_slice %arg14[%dma_wait3A_225, %dma_wait3A_226] : memref<64x128xf32, #tpu.memory_space<vmem>> -> memref<64x128xf32, #tpu.memory_space<vmem>>
      tpu.wait_dma2 semaphore(%run_scoped3A : memref<!tpu.dma_semaphore, #tpu.memory_space<semaphore_mem>>) src(%dma_wait3A_227 : memref<64x128xf32, #tpu.memory_space<vmem>>) dst(%dma_wait3A_224 : memref<64x128xf32, #tpu.memory_space<vmem_shared>>)
      tpu.yield
    }) : () -> ()
    %add3A_13 = arith.constant 256 : i32
    %add3A_14 = arith.addi %mul3A_2, %add3A_13 : i32
    "tpu.region"() ({
      %run_scoped3A = tpu.sem_alloc : memref<!tpu.dma_semaphore, #tpu.memory_space<semaphore_mem>>
      %dma_start3A_208 = arith.constant 0 : i32
      %dma_start3A_209 = arith.constant 0 : i32
      %dma_start3A_210 = tpu.memref_slice %arg14[%dma_start3A_208, %dma_start3A_209] : memref<64x128xf32, #tpu.memory_space<vmem>> -> memref<64x128xf32, #tpu.memory_space<vmem>>
      %dma_start3A_211 = arith.constant 0 : i32
      %dma_start3A_212 = tpu.memref_slice %arg18[%add3A_14, %dma_start3A_211] : memref<10112x128xf32, #tpu.memory_space<vmem_shared>> -> memref<64x128xf32, #tpu.memory_space<vmem_shared>>
      %dma_start3A_213 = arith.constant 0 : i32
      %dma_start3A_214 = tpu.memref_slice %arg18[%add3A_14, %dma_start3A_213] : memref<10112x128xf32, #tpu.memory_space<vmem_shared>> -> memref<64x128xf32, #tpu.memory_space<vmem_shared>>
      %dma_start3A_215 = arith.constant 0 : i32
      %dma_start3A_216 = arith.constant 0 : i32
      %dma_start3A_217 = tpu.memref_slice %arg14[%dma_start3A_215, %dma_start3A_216] : memref<64x128xf32, #tpu.memory_space<vmem>> -> memref<64x128xf32, #tpu.memory_space<vmem>>
      tpu.enqueue_dma source(%dma_start3A_217 : memref<64x128xf32, #tpu.memory_space<vmem>>) target(%dma_start3A_214 : memref<64x128xf32, #tpu.memory_space<vmem_shared>>) target_semaphore(%run_scoped3A : memref<!tpu.dma_semaphore, #tpu.memory_space<semaphore_mem>>)
      %dma_wait3A_218 = arith.constant 0 : i32
      %dma_wait3A_219 = arith.constant 0 : i32
      %dma_wait3A_220 = tpu.memref_slice %arg14[%dma_wait3A_218, %dma_wait3A_219] : memref<64x128xf32, #tpu.memory_space<vmem>> -> memref<64x128xf32, #tpu.memory_space<vmem>>
      %dma_wait3A_221 = arith.constant 0 : i32
      %dma_wait3A_222 = tpu.memref_slice %arg18[%add3A_14, %dma_wait3A_221] : memref<10112x128xf32, #tpu.memory_space<vmem_shared>> -> memref<64x128xf32, #tpu.memory_space<vmem_shared>>
      %dma_wait3A_223 = arith.constant 0 : i32
      %dma_wait3A_224 = tpu.memref_slice %arg18[%add3A_14, %dma_wait3A_223] : memref<10112x128xf32, #tpu.memory_space<vmem_shared>> -> memref<64x128xf32, #tpu.memory_space<vmem_shared>>
      %dma_wait3A_225 = arith.constant 0 : i32
      %dma_wait3A_226 = arith.constant 0 : i32
      %dma_wait3A_227 = tpu.memref_slice %arg14[%dma_wait3A_225, %dma_wait3A_226] : memref<64x128xf32, #tpu.memory_space<vmem>> -> memref<64x128xf32, #tpu.memory_space<vmem>>
      tpu.wait_dma2 semaphore(%run_scoped3A : memref<!tpu.dma_semaphore, #tpu.memory_space<semaphore_mem>>) src(%dma_wait3A_227 : memref<64x128xf32, #tpu.memory_space<vmem>>) dst(%dma_wait3A_224 : memref<64x128xf32, #tpu.memory_space<vmem_shared>>)
      tpu.yield
    }) : () -> ()
    %add3A_15 = arith.constant 320 : i32
    %add3A_16 = arith.addi %mul3A_2, %add3A_15 : i32
    "tpu.region"() ({
      %run_scoped3A = tpu.sem_alloc : memref<!tpu.dma_semaphore, #tpu.memory_space<semaphore_mem>>
      %dma_start3A_208 = arith.constant 0 : i32
      %dma_start3A_209 = arith.constant 0 : i32
      %dma_start3A_210 = tpu.memref_slice %arg14[%dma_start3A_208, %dma_start3A_209] : memref<64x128xf32, #tpu.memory_space<vmem>> -> memref<64x128xf32, #tpu.memory_space<vmem>>
      %dma_start3A_211 = arith.constant 0 : i32
      %dma_start3A_212 = tpu.memref_slice %arg18[%add3A_16, %dma_start3A_211] : memref<10112x128xf32, #tpu.memory_space<vmem_shared>> -> memref<64x128xf32, #tpu.memory_space<vmem_shared>>
      %dma_start3A_213 = arith.constant 0 : i32
      %dma_start3A_214 = tpu.memref_slice %arg18[%add3A_16, %dma_start3A_213] : memref<10112x128xf32, #tpu.memory_space<vmem_shared>> -> memref<64x128xf32, #tpu.memory_space<vmem_shared>>
      %dma_start3A_215 = arith.constant 0 : i32
      %dma_start3A_216 = arith.constant 0 : i32
      %dma_start3A_217 = tpu.memref_slice %arg14[%dma_start3A_215, %dma_start3A_216] : memref<64x128xf32, #tpu.memory_space<vmem>> -> memref<64x128xf32, #tpu.memory_space<vmem>>
      tpu.enqueue_dma source(%dma_start3A_217 : memref<64x128xf32, #tpu.memory_space<vmem>>) target(%dma_start3A_214 : memref<64x128xf32, #tpu.memory_space<vmem_shared>>) target_semaphore(%run_scoped3A : memref<!tpu.dma_semaphore, #tpu.memory_space<semaphore_mem>>)
      %dma_wait3A_218 = arith.constant 0 : i32
      %dma_wait3A_219 = arith.constant 0 : i32
      %dma_wait3A_220 = tpu.memref_slice %arg14[%dma_wait3A_218, %dma_wait3A_219] : memref<64x128xf32, #tpu.memory_space<vmem>> -> memref<64x128xf32, #tpu.memory_space<vmem>>
      %dma_wait3A_221 = arith.constant 0 : i32
      %dma_wait3A_222 = tpu.memref_slice %arg18[%add3A_16, %dma_wait3A_221] : memref<10112x128xf32, #tpu.memory_space<vmem_shared>> -> memref<64x128xf32, #tpu.memory_space<vmem_shared>>
      %dma_wait3A_223 = arith.constant 0 : i32
      %dma_wait3A_224 = tpu.memref_slice %arg18[%add3A_16, %dma_wait3A_223] : memref<10112x128xf32, #tpu.memory_space<vmem_shared>> -> memref<64x128xf32, #tpu.memory_space<vmem_shared>>
      %dma_wait3A_225 = arith.constant 0 : i32
      %dma_wait3A_226 = arith.constant 0 : i32
      %dma_wait3A_227 = tpu.memref_slice %arg14[%dma_wait3A_225, %dma_wait3A_226] : memref<64x128xf32, #tpu.memory_space<vmem>> -> memref<64x128xf32, #tpu.memory_space<vmem>>
      tpu.wait_dma2 semaphore(%run_scoped3A : memref<!tpu.dma_semaphore, #tpu.memory_space<semaphore_mem>>) src(%dma_wait3A_227 : memref<64x128xf32, #tpu.memory_space<vmem>>) dst(%dma_wait3A_224 : memref<64x128xf32, #tpu.memory_space<vmem_shared>>)
      tpu.yield
    }) : () -> ()
    %add3A_17 = arith.constant 384 : i32
    %add3A_18 = arith.addi %mul3A_2, %add3A_17 : i32
    "tpu.region"() ({
      %run_scoped3A = tpu.sem_alloc : memref<!tpu.dma_semaphore, #tpu.memory_space<semaphore_mem>>
      %dma_start3A_208 = arith.constant 0 : i32
      %dma_start3A_209 = arith.constant 0 : i32
      %dma_start3A_210 = tpu.memref_slice %arg14[%dma_start3A_208, %dma_start3A_209] : memref<64x128xf32, #tpu.memory_space<vmem>> -> memref<64x128xf32, #tpu.memory_space<vmem>>
      %dma_start3A_211 = arith.constant 0 : i32
      %dma_start3A_212 = tpu.memref_slice %arg18[%add3A_18, %dma_start3A_211] : memref<10112x128xf32, #tpu.memory_space<vmem_shared>> -> memref<64x128xf32, #tpu.memory_space<vmem_shared>>
      %dma_start3A_213 = arith.constant 0 : i32
      %dma_start3A_214 = tpu.memref_slice %arg18[%add3A_18, %dma_start3A_213] : memref<10112x128xf32, #tpu.memory_space<vmem_shared>> -> memref<64x128xf32, #tpu.memory_space<vmem_shared>>
      %dma_start3A_215 = arith.constant 0 : i32
      %dma_start3A_216 = arith.constant 0 : i32
      %dma_start3A_217 = tpu.memref_slice %arg14[%dma_start3A_215, %dma_start3A_216] : memref<64x128xf32, #tpu.memory_space<vmem>> -> memref<64x128xf32, #tpu.memory_space<vmem>>
      tpu.enqueue_dma source(%dma_start3A_217 : memref<64x128xf32, #tpu.memory_space<vmem>>) target(%dma_start3A_214 : memref<64x128xf32, #tpu.memory_space<vmem_shared>>) target_semaphore(%run_scoped3A : memref<!tpu.dma_semaphore, #tpu.memory_space<semaphore_mem>>)
      %dma_wait3A_218 = arith.constant 0 : i32
      %dma_wait3A_219 = arith.constant 0 : i32
      %dma_wait3A_220 = tpu.memref_slice %arg14[%dma_wait3A_218, %dma_wait3A_219] : memref<64x128xf32, #tpu.memory_space<vmem>> -> memref<64x128xf32, #tpu.memory_space<vmem>>
      %dma_wait3A_221 = arith.constant 0 : i32
      %dma_wait3A_222 = tpu.memref_slice %arg18[%add3A_18, %dma_wait3A_221] : memref<10112x128xf32, #tpu.memory_space<vmem_shared>> -> memref<64x128xf32, #tpu.memory_space<vmem_shared>>
      %dma_wait3A_223 = arith.constant 0 : i32
      %dma_wait3A_224 = tpu.memref_slice %arg18[%add3A_18, %dma_wait3A_223] : memref<10112x128xf32, #tpu.memory_space<vmem_shared>> -> memref<64x128xf32, #tpu.memory_space<vmem_shared>>
      %dma_wait3A_225 = arith.constant 0 : i32
      %dma_wait3A_226 = arith.constant 0 : i32
      %dma_wait3A_227 = tpu.memref_slice %arg14[%dma_wait3A_225, %dma_wait3A_226] : memref<64x128xf32, #tpu.memory_space<vmem>> -> memref<64x128xf32, #tpu.memory_space<vmem>>
      tpu.wait_dma2 semaphore(%run_scoped3A : memref<!tpu.dma_semaphore, #tpu.memory_space<semaphore_mem>>) src(%dma_wait3A_227 : memref<64x128xf32, #tpu.memory_space<vmem>>) dst(%dma_wait3A_224 : memref<64x128xf32, #tpu.memory_space<vmem_shared>>)
      tpu.yield
    }) : () -> ()
    %add3A_19 = arith.constant 448 : i32
    %add3A_20 = arith.addi %mul3A_2, %add3A_19 : i32
    "tpu.region"() ({
      %run_scoped3A = tpu.sem_alloc : memref<!tpu.dma_semaphore, #tpu.memory_space<semaphore_mem>>
      %dma_start3A_208 = arith.constant 0 : i32
      %dma_start3A_209 = arith.constant 0 : i32
      %dma_start3A_210 = tpu.memref_slice %arg14[%dma_start3A_208, %dma_start3A_209] : memref<64x128xf32, #tpu.memory_space<vmem>> -> memref<64x128xf32, #tpu.memory_space<vmem>>
      %dma_start3A_211 = arith.constant 0 : i32
      %dma_start3A_212 = tpu.memref_slice %arg18[%add3A_20, %dma_start3A_211] : memref<10112x128xf32, #tpu.memory_space<vmem_shared>> -> memref<64x128xf32, #tpu.memory_space<vmem_shared>>
      %dma_start3A_213 = arith.constant 0 : i32
      %dma_start3A_214 = tpu.memref_slice %arg18[%add3A_20, %dma_start3A_213] : memref<10112x128xf32, #tpu.memory_space<vmem_shared>> -> memref<64x128xf32, #tpu.memory_space<vmem_shared>>
      %dma_start3A_215 = arith.constant 0 : i32
      %dma_start3A_216 = arith.constant 0 : i32
      %dma_start3A_217 = tpu.memref_slice %arg14[%dma_start3A_215, %dma_start3A_216] : memref<64x128xf32, #tpu.memory_space<vmem>> -> memref<64x128xf32, #tpu.memory_space<vmem>>
      tpu.enqueue_dma source(%dma_start3A_217 : memref<64x128xf32, #tpu.memory_space<vmem>>) target(%dma_start3A_214 : memref<64x128xf32, #tpu.memory_space<vmem_shared>>) target_semaphore(%run_scoped3A : memref<!tpu.dma_semaphore, #tpu.memory_space<semaphore_mem>>)
      %dma_wait3A_218 = arith.constant 0 : i32
      %dma_wait3A_219 = arith.constant 0 : i32
      %dma_wait3A_220 = tpu.memref_slice %arg14[%dma_wait3A_218, %dma_wait3A_219] : memref<64x128xf32, #tpu.memory_space<vmem>> -> memref<64x128xf32, #tpu.memory_space<vmem>>
      %dma_wait3A_221 = arith.constant 0 : i32
      %dma_wait3A_222 = tpu.memref_slice %arg18[%add3A_20, %dma_wait3A_221] : memref<10112x128xf32, #tpu.memory_space<vmem_shared>> -> memref<64x128xf32, #tpu.memory_space<vmem_shared>>
      %dma_wait3A_223 = arith.constant 0 : i32
      %dma_wait3A_224 = tpu.memref_slice %arg18[%add3A_20, %dma_wait3A_223] : memref<10112x128xf32, #tpu.memory_space<vmem_shared>> -> memref<64x128xf32, #tpu.memory_space<vmem_shared>>
      %dma_wait3A_225 = arith.constant 0 : i32
      %dma_wait3A_226 = arith.constant 0 : i32
      %dma_wait3A_227 = tpu.memref_slice %arg14[%dma_wait3A_225, %dma_wait3A_226] : memref<64x128xf32, #tpu.memory_space<vmem>> -> memref<64x128xf32, #tpu.memory_space<vmem>>
      tpu.wait_dma2 semaphore(%run_scoped3A : memref<!tpu.dma_semaphore, #tpu.memory_space<semaphore_mem>>) src(%dma_wait3A_227 : memref<64x128xf32, #tpu.memory_space<vmem>>) dst(%dma_wait3A_224 : memref<64x128xf32, #tpu.memory_space<vmem_shared>>)
      tpu.yield
    }) : () -> ()
    %add3A_21 = arith.constant 512 : i32
    %add3A_22 = arith.addi %mul3A_2, %add3A_21 : i32
    "tpu.region"() ({
      %run_scoped3A = tpu.sem_alloc : memref<!tpu.dma_semaphore, #tpu.memory_space<semaphore_mem>>
      %dma_start3A_208 = arith.constant 0 : i32
      %dma_start3A_209 = arith.constant 0 : i32
      %dma_start3A_210 = tpu.memref_slice %arg14[%dma_start3A_208, %dma_start3A_209] : memref<64x128xf32, #tpu.memory_space<vmem>> -> memref<64x128xf32, #tpu.memory_space<vmem>>
      %dma_start3A_211 = arith.constant 0 : i32
      %dma_start3A_212 = tpu.memref_slice %arg18[%add3A_22, %dma_start3A_211] : memref<10112x128xf32, #tpu.memory_space<vmem_shared>> -> memref<64x128xf32, #tpu.memory_space<vmem_shared>>
      %dma_start3A_213 = arith.constant 0 : i32
      %dma_start3A_214 = tpu.memref_slice %arg18[%add3A_22, %dma_start3A_213] : memref<10112x128xf32, #tpu.memory_space<vmem_shared>> -> memref<64x128xf32, #tpu.memory_space<vmem_shared>>
      %dma_start3A_215 = arith.constant 0 : i32
      %dma_start3A_216 = arith.constant 0 : i32
      %dma_start3A_217 = tpu.memref_slice %arg14[%dma_start3A_215, %dma_start3A_216] : memref<64x128xf32, #tpu.memory_space<vmem>> -> memref<64x128xf32, #tpu.memory_space<vmem>>
      tpu.enqueue_dma source(%dma_start3A_217 : memref<64x128xf32, #tpu.memory_space<vmem>>) target(%dma_start3A_214 : memref<64x128xf32, #tpu.memory_space<vmem_shared>>) target_semaphore(%run_scoped3A : memref<!tpu.dma_semaphore, #tpu.memory_space<semaphore_mem>>)
      %dma_wait3A_218 = arith.constant 0 : i32
      %dma_wait3A_219 = arith.constant 0 : i32
      %dma_wait3A_220 = tpu.memref_slice %arg14[%dma_wait3A_218, %dma_wait3A_219] : memref<64x128xf32, #tpu.memory_space<vmem>> -> memref<64x128xf32, #tpu.memory_space<vmem>>
      %dma_wait3A_221 = arith.constant 0 : i32
      %dma_wait3A_222 = tpu.memref_slice %arg18[%add3A_22, %dma_wait3A_221] : memref<10112x128xf32, #tpu.memory_space<vmem_shared>> -> memref<64x128xf32, #tpu.memory_space<vmem_shared>>
      %dma_wait3A_223 = arith.constant 0 : i32
      %dma_wait3A_224 = tpu.memref_slice %arg18[%add3A_22, %dma_wait3A_223] : memref<10112x128xf32, #tpu.memory_space<vmem_shared>> -> memref<64x128xf32, #tpu.memory_space<vmem_shared>>
      %dma_wait3A_225 = arith.constant 0 : i32
      %dma_wait3A_226 = arith.constant 0 : i32
      %dma_wait3A_227 = tpu.memref_slice %arg14[%dma_wait3A_225, %dma_wait3A_226] : memref<64x128xf32, #tpu.memory_space<vmem>> -> memref<64x128xf32, #tpu.memory_space<vmem>>
      tpu.wait_dma2 semaphore(%run_scoped3A : memref<!tpu.dma_semaphore, #tpu.memory_space<semaphore_mem>>) src(%dma_wait3A_227 : memref<64x128xf32, #tpu.memory_space<vmem>>) dst(%dma_wait3A_224 : memref<64x128xf32, #tpu.memory_space<vmem_shared>>)
      tpu.yield
    }) : () -> ()
    %add3A_23 = arith.constant 576 : i32
    %add3A_24 = arith.addi %mul3A_2, %add3A_23 : i32
    "tpu.region"() ({
      %run_scoped3A = tpu.sem_alloc : memref<!tpu.dma_semaphore, #tpu.memory_space<semaphore_mem>>
      %dma_start3A_208 = arith.constant 0 : i32
      %dma_start3A_209 = arith.constant 0 : i32
      %dma_start3A_210 = tpu.memref_slice %arg14[%dma_start3A_208, %dma_start3A_209] : memref<64x128xf32, #tpu.memory_space<vmem>> -> memref<56x128xf32, #tpu.memory_space<vmem>>
      %dma_start3A_211 = arith.constant 0 : i32
      %dma_start3A_212 = tpu.memref_slice %arg18[%add3A_24, %dma_start3A_211] : memref<10112x128xf32, #tpu.memory_space<vmem_shared>> -> memref<56x128xf32, #tpu.memory_space<vmem_shared>>
      %dma_start3A_213 = arith.constant 0 : i32
      %dma_start3A_214 = tpu.memref_slice %arg18[%add3A_24, %dma_start3A_213] : memref<10112x128xf32, #tpu.memory_space<vmem_shared>> -> memref<56x128xf32, #tpu.memory_space<vmem_shared>>
      %dma_start3A_215 = arith.constant 0 : i32
      %dma_start3A_216 = arith.constant 0 : i32
      %dma_start3A_217 = tpu.memref_slice %arg14[%dma_start3A_215, %dma_start3A_216] : memref<64x128xf32, #tpu.memory_space<vmem>> -> memref<56x128xf32, #tpu.memory_space<vmem>>
      tpu.enqueue_dma source(%dma_start3A_217 : memref<56x128xf32, #tpu.memory_space<vmem>>) target(%dma_start3A_214 : memref<56x128xf32, #tpu.memory_space<vmem_shared>>) target_semaphore(%run_scoped3A : memref<!tpu.dma_semaphore, #tpu.memory_space<semaphore_mem>>)
      %dma_wait3A_218 = arith.constant 0 : i32
      %dma_wait3A_219 = arith.constant 0 : i32
      %dma_wait3A_220 = tpu.memref_slice %arg14[%dma_wait3A_218, %dma_wait3A_219] : memref<64x128xf32, #tpu.memory_space<vmem>> -> memref<56x128xf32, #tpu.memory_space<vmem>>
      %dma_wait3A_221 = arith.constant 0 : i32
      %dma_wait3A_222 = tpu.memref_slice %arg18[%add3A_24, %dma_wait3A_221] : memref<10112x128xf32, #tpu.memory_space<vmem_shared>> -> memref<56x128xf32, #tpu.memory_space<vmem_shared>>
      %dma_wait3A_223 = arith.constant 0 : i32
      %dma_wait3A_224 = tpu.memref_slice %arg18[%add3A_24, %dma_wait3A_223] : memref<10112x128xf32, #tpu.memory_space<vmem_shared>> -> memref<56x128xf32, #tpu.memory_space<vmem_shared>>
      %dma_wait3A_225 = arith.constant 0 : i32
      %dma_wait3A_226 = arith.constant 0 : i32
      %dma_wait3A_227 = tpu.memref_slice %arg14[%dma_wait3A_225, %dma_wait3A_226] : memref<64x128xf32, #tpu.memory_space<vmem>> -> memref<56x128xf32, #tpu.memory_space<vmem>>
      tpu.wait_dma2 semaphore(%run_scoped3A : memref<!tpu.dma_semaphore, #tpu.memory_space<semaphore_mem>>) src(%dma_wait3A_227 : memref<56x128xf32, #tpu.memory_space<vmem>>) dst(%dma_wait3A_224 : memref<56x128xf32, #tpu.memory_space<vmem_shared>>)
      tpu.yield
    }) : () -> ()
    %barrier3A = arith.constant 0 : index
    tpu.barrier barrier_id(%barrier3A)
    %add3A_25 = arith.constant 0 : i32
    %add3A_26 = arith.addi %mul3A_4, %add3A_25 : i32
    "tpu.region"() ({
      %run_scoped3A = tpu.sem_alloc : memref<!tpu.dma_semaphore, #tpu.memory_space<semaphore_mem>>
      %dma_start3A_208 = arith.constant 0 : i32
      %dma_start3A_209 = arith.constant 0 : i32
      %dma_start3A_210 = tpu.memref_slice %arg3[%add3A_26, %dma_start3A_208, %dma_start3A_209] : memref<5120x2x64xi32, #tpu.memory_space<hbm>> -> memref<1x2x64xi32, #tpu.memory_space<hbm>>
      %dma_start3A_211 = tpu.memref_squeeze %dma_start3A_210 : memref<1x2x64xi32, #tpu.memory_space<hbm>> -> memref<2x64xi32, #tpu.memory_space<hbm>>
      %dma_start3A_212 = arith.constant 0 : i32
      %dma_start3A_213 = arith.constant 0 : i32
      %dma_start3A_214 = tpu.memref_slice %arg3[%add3A_26, %dma_start3A_212, %dma_start3A_213] : memref<5120x2x64xi32, #tpu.memory_space<hbm>> -> memref<1x2x64xi32, #tpu.memory_space<hbm>>
      %dma_start3A_215 = tpu.memref_squeeze %dma_start3A_214 : memref<1x2x64xi32, #tpu.memory_space<hbm>> -> memref<2x64xi32, #tpu.memory_space<hbm>>
      tpu.enqueue_dma source(%dma_start3A_215 : memref<2x64xi32, #tpu.memory_space<hbm>>) target(%arg6 : memref<2x64xi32, #tpu.memory_space<vmem>>) target_semaphore(%run_scoped3A : memref<!tpu.dma_semaphore, #tpu.memory_space<semaphore_mem>>)
      %dma_wait3A_216 = arith.constant 0 : i32
      %dma_wait3A_217 = arith.constant 0 : i32
      %dma_wait3A_218 = tpu.memref_slice %arg3[%add3A_26, %dma_wait3A_216, %dma_wait3A_217] : memref<5120x2x64xi32, #tpu.memory_space<hbm>> -> memref<1x2x64xi32, #tpu.memory_space<hbm>>
      %dma_wait3A_219 = tpu.memref_squeeze %dma_wait3A_218 : memref<1x2x64xi32, #tpu.memory_space<hbm>> -> memref<2x64xi32, #tpu.memory_space<hbm>>
      %dma_wait3A_220 = arith.constant 0 : i32
      %dma_wait3A_221 = arith.constant 0 : i32
      %dma_wait3A_222 = tpu.memref_slice %arg3[%add3A_26, %dma_wait3A_220, %dma_wait3A_221] : memref<5120x2x64xi32, #tpu.memory_space<hbm>> -> memref<1x2x64xi32, #tpu.memory_space<hbm>>
      %dma_wait3A_223 = tpu.memref_squeeze %dma_wait3A_222 : memref<1x2x64xi32, #tpu.memory_space<hbm>> -> memref<2x64xi32, #tpu.memory_space<hbm>>
      tpu.wait_dma2 semaphore(%run_scoped3A : memref<!tpu.dma_semaphore, #tpu.memory_space<semaphore_mem>>) src(%dma_wait3A_223 : memref<2x64xi32, #tpu.memory_space<hbm>>) dst(%arg6 : memref<2x64xi32, #tpu.memory_space<vmem>>)
      tpu.yield
    }) : () -> ()
    %add3A_27 = arith.constant 1 : i32
    %add3A_28 = arith.addi %mul3A_4, %add3A_27 : i32
    "tpu.region"() ({
      %run_scoped3A = tpu.sem_alloc : memref<!tpu.dma_semaphore, #tpu.memory_space<semaphore_mem>>
      %dma_start3A_208 = arith.constant 0 : i32
      %dma_start3A_209 = arith.constant 0 : i32
      %dma_start3A_210 = tpu.memref_slice %arg3[%add3A_28, %dma_start3A_208, %dma_start3A_209] : memref<5120x2x64xi32, #tpu.memory_space<hbm>> -> memref<1x2x64xi32, #tpu.memory_space<hbm>>
      %dma_start3A_211 = tpu.memref_squeeze %dma_start3A_210 : memref<1x2x64xi32, #tpu.memory_space<hbm>> -> memref<2x64xi32, #tpu.memory_space<hbm>>
      %dma_start3A_212 = arith.constant 0 : i32
      %dma_start3A_213 = arith.constant 0 : i32
      %dma_start3A_214 = tpu.memref_slice %arg3[%add3A_28, %dma_start3A_212, %dma_start3A_213] : memref<5120x2x64xi32, #tpu.memory_space<hbm>> -> memref<1x2x64xi32, #tpu.memory_space<hbm>>
      %dma_start3A_215 = tpu.memref_squeeze %dma_start3A_214 : memref<1x2x64xi32, #tpu.memory_space<hbm>> -> memref<2x64xi32, #tpu.memory_space<hbm>>
      tpu.enqueue_dma source(%dma_start3A_215 : memref<2x64xi32, #tpu.memory_space<hbm>>) target(%arg7 : memref<2x64xi32, #tpu.memory_space<vmem>>) target_semaphore(%run_scoped3A : memref<!tpu.dma_semaphore, #tpu.memory_space<semaphore_mem>>)
      %dma_wait3A_216 = arith.constant 0 : i32
      %dma_wait3A_217 = arith.constant 0 : i32
      %dma_wait3A_218 = tpu.memref_slice %arg3[%add3A_28, %dma_wait3A_216, %dma_wait3A_217] : memref<5120x2x64xi32, #tpu.memory_space<hbm>> -> memref<1x2x64xi32, #tpu.memory_space<hbm>>
      %dma_wait3A_219 = tpu.memref_squeeze %dma_wait3A_218 : memref<1x2x64xi32, #tpu.memory_space<hbm>> -> memref<2x64xi32, #tpu.memory_space<hbm>>
      %dma_wait3A_220 = arith.constant 0 : i32
      %dma_wait3A_221 = arith.constant 0 : i32
      %dma_wait3A_222 = tpu.memref_slice %arg3[%add3A_28, %dma_wait3A_220, %dma_wait3A_221] : memref<5120x2x64xi32, #tpu.memory_space<hbm>> -> memref<1x2x64xi32, #tpu.memory_space<hbm>>
      %dma_wait3A_223 = tpu.memref_squeeze %dma_wait3A_222 : memref<1x2x64xi32, #tpu.memory_space<hbm>> -> memref<2x64xi32, #tpu.memory_space<hbm>>
      tpu.wait_dma2 semaphore(%run_scoped3A : memref<!tpu.dma_semaphore, #tpu.memory_space<semaphore_mem>>) src(%dma_wait3A_223 : memref<2x64xi32, #tpu.memory_space<hbm>>) dst(%arg7 : memref<2x64xi32, #tpu.memory_space<vmem>>)
      tpu.yield
    }) : () -> ()
    %add3A_29 = arith.constant 2 : i32
    %add3A_30 = arith.addi %mul3A_4, %add3A_29 : i32
    "tpu.region"() ({
      %run_scoped3A = tpu.sem_alloc : memref<!tpu.dma_semaphore, #tpu.memory_space<semaphore_mem>>
      %dma_start3A_208 = arith.constant 0 : i32
      %dma_start3A_209 = arith.constant 0 : i32
      %dma_start3A_210 = tpu.memref_slice %arg3[%add3A_30, %dma_start3A_208, %dma_start3A_209] : memref<5120x2x64xi32, #tpu.memory_space<hbm>> -> memref<1x2x64xi32, #tpu.memory_space<hbm>>
      %dma_start3A_211 = tpu.memref_squeeze %dma_start3A_210 : memref<1x2x64xi32, #tpu.memory_space<hbm>> -> memref<2x64xi32, #tpu.memory_space<hbm>>
      %dma_start3A_212 = arith.constant 0 : i32
      %dma_start3A_213 = arith.constant 0 : i32
      %dma_start3A_214 = tpu.memref_slice %arg3[%add3A_30, %dma_start3A_212, %dma_start3A_213] : memref<5120x2x64xi32, #tpu.memory_space<hbm>> -> memref<1x2x64xi32, #tpu.memory_space<hbm>>
      %dma_start3A_215 = tpu.memref_squeeze %dma_start3A_214 : memref<1x2x64xi32, #tpu.memory_space<hbm>> -> memref<2x64xi32, #tpu.memory_space<hbm>>
      tpu.enqueue_dma source(%dma_start3A_215 : memref<2x64xi32, #tpu.memory_space<hbm>>) target(%arg8 : memref<2x64xi32, #tpu.memory_space<vmem>>) target_semaphore(%run_scoped3A : memref<!tpu.dma_semaphore, #tpu.memory_space<semaphore_mem>>)
      %dma_wait3A_216 = arith.constant 0 : i32
      %dma_wait3A_217 = arith.constant 0 : i32
      %dma_wait3A_218 = tpu.memref_slice %arg3[%add3A_30, %dma_wait3A_216, %dma_wait3A_217] : memref<5120x2x64xi32, #tpu.memory_space<hbm>> -> memref<1x2x64xi32, #tpu.memory_space<hbm>>
      %dma_wait3A_219 = tpu.memref_squeeze %dma_wait3A_218 : memref<1x2x64xi32, #tpu.memory_space<hbm>> -> memref<2x64xi32, #tpu.memory_space<hbm>>
      %dma_wait3A_220 = arith.constant 0 : i32
      %dma_wait3A_221 = arith.constant 0 : i32
      %dma_wait3A_222 = tpu.memref_slice %arg3[%add3A_30, %dma_wait3A_220, %dma_wait3A_221] : memref<5120x2x64xi32, #tpu.memory_space<hbm>> -> memref<1x2x64xi32, #tpu.memory_space<hbm>>
      %dma_wait3A_223 = tpu.memref_squeeze %dma_wait3A_222 : memref<1x2x64xi32, #tpu.memory_space<hbm>> -> memref<2x64xi32, #tpu.memory_space<hbm>>
      tpu.wait_dma2 semaphore(%run_scoped3A : memref<!tpu.dma_semaphore, #tpu.memory_space<semaphore_mem>>) src(%dma_wait3A_223 : memref<2x64xi32, #tpu.memory_space<hbm>>) dst(%arg8 : memref<2x64xi32, #tpu.memory_space<vmem>>)
      tpu.yield
    }) : () -> ()
    %add3A_31 = arith.constant 3 : i32
    %add3A_32 = arith.addi %mul3A_4, %add3A_31 : i32
    "tpu.region"() ({
      %run_scoped3A = tpu.sem_alloc : memref<!tpu.dma_semaphore, #tpu.memory_space<semaphore_mem>>
      %dma_start3A_208 = arith.constant 0 : i32
      %dma_start3A_209 = arith.constant 0 : i32
      %dma_start3A_210 = tpu.memref_slice %arg3[%add3A_32, %dma_start3A_208, %dma_start3A_209] : memref<5120x2x64xi32, #tpu.memory_space<hbm>> -> memref<1x2x64xi32, #tpu.memory_space<hbm>>
      %dma_start3A_211 = tpu.memref_squeeze %dma_start3A_210 : memref<1x2x64xi32, #tpu.memory_space<hbm>> -> memref<2x64xi32, #tpu.memory_space<hbm>>
      %dma_start3A_212 = arith.constant 0 : i32
      %dma_start3A_213 = arith.constant 0 : i32
      %dma_start3A_214 = tpu.memref_slice %arg3[%add3A_32, %dma_start3A_212, %dma_start3A_213] : memref<5120x2x64xi32, #tpu.memory_space<hbm>> -> memref<1x2x64xi32, #tpu.memory_space<hbm>>
      %dma_start3A_215 = tpu.memref_squeeze %dma_start3A_214 : memref<1x2x64xi32, #tpu.memory_space<hbm>> -> memref<2x64xi32, #tpu.memory_space<hbm>>
      tpu.enqueue_dma source(%dma_start3A_215 : memref<2x64xi32, #tpu.memory_space<hbm>>) target(%arg9 : memref<2x64xi32, #tpu.memory_space<vmem>>) target_semaphore(%run_scoped3A : memref<!tpu.dma_semaphore, #tpu.memory_space<semaphore_mem>>)
      %dma_wait3A_216 = arith.constant 0 : i32
      %dma_wait3A_217 = arith.constant 0 : i32
      %dma_wait3A_218 = tpu.memref_slice %arg3[%add3A_32, %dma_wait3A_216, %dma_wait3A_217] : memref<5120x2x64xi32, #tpu.memory_space<hbm>> -> memref<1x2x64xi32, #tpu.memory_space<hbm>>
      %dma_wait3A_219 = tpu.memref_squeeze %dma_wait3A_218 : memref<1x2x64xi32, #tpu.memory_space<hbm>> -> memref<2x64xi32, #tpu.memory_space<hbm>>
      %dma_wait3A_220 = arith.constant 0 : i32
      %dma_wait3A_221 = arith.constant 0 : i32
      %dma_wait3A_222 = tpu.memref_slice %arg3[%add3A_32, %dma_wait3A_220, %dma_wait3A_221] : memref<5120x2x64xi32, #tpu.memory_space<hbm>> -> memref<1x2x64xi32, #tpu.memory_space<hbm>>
      %dma_wait3A_223 = tpu.memref_squeeze %dma_wait3A_222 : memref<1x2x64xi32, #tpu.memory_space<hbm>> -> memref<2x64xi32, #tpu.memory_space<hbm>>
      tpu.wait_dma2 semaphore(%run_scoped3A : memref<!tpu.dma_semaphore, #tpu.memory_space<semaphore_mem>>) src(%dma_wait3A_223 : memref<2x64xi32, #tpu.memory_space<hbm>>) dst(%arg9 : memref<2x64xi32, #tpu.memory_space<vmem>>)
      tpu.yield
    }) : () -> ()
    %add3A_33 = arith.constant 4 : i32
    %add3A_34 = arith.addi %mul3A_4, %add3A_33 : i32
    %dma_start3A = arith.constant 0 : i32
    %dma_start3A_35 = arith.constant 0 : i32
    %dma_start3A_36 = tpu.memref_slice %arg3[%add3A_34, %dma_start3A, %dma_start3A_35] : memref<5120x2x64xi32, #tpu.memory_space<hbm>> -> memref<1x2x64xi32, #tpu.memory_space<hbm>>
    %dma_start3A_37 = tpu.memref_squeeze %dma_start3A_36 : memref<1x2x64xi32, #tpu.memory_space<hbm>> -> memref<2x64xi32, #tpu.memory_space<hbm>>
    %dma_start3A_38 = arith.constant 0 : i32
    %dma_start3A_39 = arith.constant 0 : i32
    %dma_start3A_40 = tpu.memref_slice %arg3[%add3A_34, %dma_start3A_38, %dma_start3A_39] : memref<5120x2x64xi32, #tpu.memory_space<hbm>> -> memref<1x2x64xi32, #tpu.memory_space<hbm>>
    %dma_start3A_41 = tpu.memref_squeeze %dma_start3A_40 : memref<1x2x64xi32, #tpu.memory_space<hbm>> -> memref<2x64xi32, #tpu.memory_space<hbm>>
    tpu.enqueue_dma source(%dma_start3A_41 : memref<2x64xi32, #tpu.memory_space<hbm>>) target(%arg10 : memref<2x64xi32, #tpu.memory_space<vmem>>) target_semaphore(%arg27 : memref<!tpu.dma_semaphore, #tpu.memory_space<semaphore_mem>>)
    %add3A_42 = arith.constant 5 : i32
    %add3A_43 = arith.addi %mul3A_4, %add3A_42 : i32
    %dma_start3A_44 = arith.constant 0 : i32
    %dma_start3A_45 = arith.constant 0 : i32
    %dma_start3A_46 = tpu.memref_slice %arg3[%add3A_43, %dma_start3A_44, %dma_start3A_45] : memref<5120x2x64xi32, #tpu.memory_space<hbm>> -> memref<1x2x64xi32, #tpu.memory_space<hbm>>
    %dma_start3A_47 = tpu.memref_squeeze %dma_start3A_46 : memref<1x2x64xi32, #tpu.memory_space<hbm>> -> memref<2x64xi32, #tpu.memory_space<hbm>>
    %dma_start3A_48 = arith.constant 0 : i32
    %dma_start3A_49 = arith.constant 0 : i32
    %dma_start3A_50 = tpu.memref_slice %arg3[%add3A_43, %dma_start3A_48, %dma_start3A_49] : memref<5120x2x64xi32, #tpu.memory_space<hbm>> -> memref<1x2x64xi32, #tpu.memory_space<hbm>>
    %dma_start3A_51 = tpu.memref_squeeze %dma_start3A_50 : memref<1x2x64xi32, #tpu.memory_space<hbm>> -> memref<2x64xi32, #tpu.memory_space<hbm>>
    tpu.enqueue_dma source(%dma_start3A_51 : memref<2x64xi32, #tpu.memory_space<hbm>>) target(%arg11 : memref<2x64xi32, #tpu.memory_space<vmem>>) target_semaphore(%arg28 : memref<!tpu.dma_semaphore, #tpu.memory_space<semaphore_mem>>)
    %add3A_52 = arith.constant 6 : i32
    %add3A_53 = arith.addi %mul3A_4, %add3A_52 : i32
    %dma_start3A_54 = arith.constant 0 : i32
    %dma_start3A_55 = arith.constant 0 : i32
    %dma_start3A_56 = tpu.memref_slice %arg3[%add3A_53, %dma_start3A_54, %dma_start3A_55] : memref<5120x2x64xi32, #tpu.memory_space<hbm>> -> memref<1x2x64xi32, #tpu.memory_space<hbm>>
    %dma_start3A_57 = tpu.memref_squeeze %dma_start3A_56 : memref<1x2x64xi32, #tpu.memory_space<hbm>> -> memref<2x64xi32, #tpu.memory_space<hbm>>
    %dma_start3A_58 = arith.constant 0 : i32
    %dma_start3A_59 = arith.constant 0 : i32
    %dma_start3A_60 = tpu.memref_slice %arg3[%add3A_53, %dma_start3A_58, %dma_start3A_59] : memref<5120x2x64xi32, #tpu.memory_space<hbm>> -> memref<1x2x64xi32, #tpu.memory_space<hbm>>
    %dma_start3A_61 = tpu.memref_squeeze %dma_start3A_60 : memref<1x2x64xi32, #tpu.memory_space<hbm>> -> memref<2x64xi32, #tpu.memory_space<hbm>>
    tpu.enqueue_dma source(%dma_start3A_61 : memref<2x64xi32, #tpu.memory_space<hbm>>) target(%arg12 : memref<2x64xi32, #tpu.memory_space<vmem>>) target_semaphore(%arg29 : memref<!tpu.dma_semaphore, #tpu.memory_space<semaphore_mem>>)
    %add3A_62 = arith.constant 7 : i32
    %add3A_63 = arith.addi %mul3A_4, %add3A_62 : i32
    %dma_start3A_64 = arith.constant 0 : i32
    %dma_start3A_65 = arith.constant 0 : i32
    %dma_start3A_66 = tpu.memref_slice %arg3[%add3A_63, %dma_start3A_64, %dma_start3A_65] : memref<5120x2x64xi32, #tpu.memory_space<hbm>> -> memref<1x2x64xi32, #tpu.memory_space<hbm>>
    %dma_start3A_67 = tpu.memref_squeeze %dma_start3A_66 : memref<1x2x64xi32, #tpu.memory_space<hbm>> -> memref<2x64xi32, #tpu.memory_space<hbm>>
    %dma_start3A_68 = arith.constant 0 : i32
    %dma_start3A_69 = arith.constant 0 : i32
    %dma_start3A_70 = tpu.memref_slice %arg3[%add3A_63, %dma_start3A_68, %dma_start3A_69] : memref<5120x2x64xi32, #tpu.memory_space<hbm>> -> memref<1x2x64xi32, #tpu.memory_space<hbm>>
    %dma_start3A_71 = tpu.memref_squeeze %dma_start3A_70 : memref<1x2x64xi32, #tpu.memory_space<hbm>> -> memref<2x64xi32, #tpu.memory_space<hbm>>
    tpu.enqueue_dma source(%dma_start3A_71 : memref<2x64xi32, #tpu.memory_space<hbm>>) target(%arg13 : memref<2x64xi32, #tpu.memory_space<vmem>>) target_semaphore(%arg30 : memref<!tpu.dma_semaphore, #tpu.memory_space<semaphore_mem>>)
    %dma_start3A_72 = arith.constant 0 : i32
    %dma_start3A_73 = arith.constant 0 : i32
    %dma_start3A_74 = tpu.memref_slice %arg6[%dma_start3A_72, %dma_start3A_73] : memref<2x64xi32, #tpu.memory_space<vmem>> -> memref<1x64xi32, #tpu.memory_space<vmem>>
    %dma_start3A_75 = tpu.memref_squeeze %dma_start3A_74 : memref<1x64xi32, #tpu.memory_space<vmem>> -> memref<64xi32, #tpu.memory_space<vmem>>
    %dma_start3A_76 = arith.constant 0 : i32
    %dma_start3A_77 = arith.constant 0 : i32
    %dma_start3A_78 = tpu.memref_slice %arg2[%dma_start3A_76, %dma_start3A_77] : memref<10000x128xf32, #tpu.memory_space<hbm>> -> memref<10000x128xf32, #tpu.memory_space<hbm>>
    tpu.enqueue_indirect_dma source(%dma_start3A_78 : memref<10000x128xf32, #tpu.memory_space<hbm>>) target(%arg14 : memref<64x128xf32, #tpu.memory_space<vmem>>) offsets(%dma_start3A_75 : memref<64xi32, #tpu.memory_space<vmem>>) semaphore(%arg19 : memref<!tpu.dma_semaphore, #tpu.memory_space<semaphore_mem>>)
    %dma_start3A_79 = arith.constant 0 : i32
    %dma_start3A_80 = arith.constant 0 : i32
    %dma_start3A_81 = tpu.memref_slice %arg7[%dma_start3A_79, %dma_start3A_80] : memref<2x64xi32, #tpu.memory_space<vmem>> -> memref<1x64xi32, #tpu.memory_space<vmem>>
    %dma_start3A_82 = tpu.memref_squeeze %dma_start3A_81 : memref<1x64xi32, #tpu.memory_space<vmem>> -> memref<64xi32, #tpu.memory_space<vmem>>
    %dma_start3A_83 = arith.constant 0 : i32
    %dma_start3A_84 = arith.constant 0 : i32
    %dma_start3A_85 = tpu.memref_slice %arg2[%dma_start3A_83, %dma_start3A_84] : memref<10000x128xf32, #tpu.memory_space<hbm>> -> memref<10000x128xf32, #tpu.memory_space<hbm>>
    tpu.enqueue_indirect_dma source(%dma_start3A_85 : memref<10000x128xf32, #tpu.memory_space<hbm>>) target(%arg15 : memref<64x128xf32, #tpu.memory_space<vmem>>) offsets(%dma_start3A_82 : memref<64xi32, #tpu.memory_space<vmem>>) semaphore(%arg20 : memref<!tpu.dma_semaphore, #tpu.memory_space<semaphore_mem>>)
    %dma_start3A_86 = arith.constant 0 : i32
    %dma_start3A_87 = arith.constant 0 : i32
    %dma_start3A_88 = tpu.memref_slice %arg8[%dma_start3A_86, %dma_start3A_87] : memref<2x64xi32, #tpu.memory_space<vmem>> -> memref<1x64xi32, #tpu.memory_space<vmem>>
    %dma_start3A_89 = tpu.memref_squeeze %dma_start3A_88 : memref<1x64xi32, #tpu.memory_space<vmem>> -> memref<64xi32, #tpu.memory_space<vmem>>
    %dma_start3A_90 = arith.constant 0 : i32
    %dma_start3A_91 = arith.constant 0 : i32
    %dma_start3A_92 = tpu.memref_slice %arg2[%dma_start3A_90, %dma_start3A_91] : memref<10000x128xf32, #tpu.memory_space<hbm>> -> memref<10000x128xf32, #tpu.memory_space<hbm>>
    tpu.enqueue_indirect_dma source(%dma_start3A_92 : memref<10000x128xf32, #tpu.memory_space<hbm>>) target(%arg16 : memref<64x128xf32, #tpu.memory_space<vmem>>) offsets(%dma_start3A_89 : memref<64xi32, #tpu.memory_space<vmem>>) semaphore(%arg21 : memref<!tpu.dma_semaphore, #tpu.memory_space<semaphore_mem>>)
    %dma_start3A_93 = arith.constant 0 : i32
    %dma_start3A_94 = arith.constant 0 : i32
    %dma_start3A_95 = tpu.memref_slice %arg9[%dma_start3A_93, %dma_start3A_94] : memref<2x64xi32, #tpu.memory_space<vmem>> -> memref<1x64xi32, #tpu.memory_space<vmem>>
    %dma_start3A_96 = tpu.memref_squeeze %dma_start3A_95 : memref<1x64xi32, #tpu.memory_space<vmem>> -> memref<64xi32, #tpu.memory_space<vmem>>
    %dma_start3A_97 = arith.constant 0 : i32
    %dma_start3A_98 = arith.constant 0 : i32
    %dma_start3A_99 = tpu.memref_slice %arg2[%dma_start3A_97, %dma_start3A_98] : memref<10000x128xf32, #tpu.memory_space<hbm>> -> memref<10000x128xf32, #tpu.memory_space<hbm>>
    tpu.enqueue_indirect_dma source(%dma_start3A_99 : memref<10000x128xf32, #tpu.memory_space<hbm>>) target(%arg17 : memref<64x128xf32, #tpu.memory_space<vmem>>) offsets(%dma_start3A_96 : memref<64xi32, #tpu.memory_space<vmem>>) semaphore(%arg22 : memref<!tpu.dma_semaphore, #tpu.memory_space<semaphore_mem>>)
    %scan3A = arith.constant 0 : i32
    %scan3A_100 = arith.constant 0 : i32
    %scan3A_101 = arith.constant 20 : i32
    %scan3A_102 = arith.addi %scan3A_100, %scan3A_101 : i32
    %scan3A_103 = arith.constant 1 : i32
    scf.for %scan3A_208 = %scan3A_100 to %scan3A_102 step %scan3A_103  : i32 {
      %mul3A_209 = arith.constant 8 : i32
      %mul3A_210 = arith.muli %mul3A_209, %scan3A_208 : i32
      %add3A_211 = arith.constant 0 : i32
      %add3A_212 = arith.addi %mul3A_210, %add3A_211 : i32
      %dma_wait3A_213 = arith.constant 0 : i32
      %dma_wait3A_214 = arith.constant 0 : i32
      %dma_wait3A_215 = tpu.memref_slice %arg6[%dma_wait3A_213, %dma_wait3A_214] : memref<2x64xi32, #tpu.memory_space<vmem>> -> memref<1x64xi32, #tpu.memory_space<vmem>>
      %dma_wait3A_216 = tpu.memref_squeeze %dma_wait3A_215 : memref<1x64xi32, #tpu.memory_space<vmem>> -> memref<64xi32, #tpu.memory_space<vmem>>
      %dma_wait3A_217 = arith.constant 0 : i32
      %dma_wait3A_218 = arith.constant 0 : i32
      %dma_wait3A_219 = tpu.memref_slice %arg2[%dma_wait3A_217, %dma_wait3A_218] : memref<10000x128xf32, #tpu.memory_space<hbm>> -> memref<10000x128xf32, #tpu.memory_space<hbm>>
      tpu.wait_indirect_dma semaphore(%arg19 : memref<!tpu.dma_semaphore, #tpu.memory_space<semaphore_mem>>) src(%dma_wait3A_219 : memref<10000x128xf32, #tpu.memory_space<hbm>>) dst(%arg14 : memref<64x128xf32, #tpu.memory_space<vmem>>)
      %run_scoped3A = arith.constant 1 : i32
      "tpu.region"() ({
        %run_scoped3A_527 = tpu.sem_alloc : memref<!tpu.dma_semaphore, #tpu.memory_space<semaphore_mem>>
        %dma_start3A_528 = arith.constant 0 : i32
        %dma_start3A_529 = tpu.memref_slice %arg6[%run_scoped3A, %dma_start3A_528] : memref<2x64xi32, #tpu.memory_space<vmem>> -> memref<1x64xi32, #tpu.memory_space<vmem>>
        %dma_start3A_530 = tpu.memref_squeeze %dma_start3A_529 : memref<1x64xi32, #tpu.memory_space<vmem>> -> memref<64xi32, #tpu.memory_space<vmem>>
        %dma_start3A_531 = arith.constant 0 : i32
        %dma_start3A_532 = arith.constant 0 : i32
        %dma_start3A_533 = tpu.memref_slice %arg18[%dma_start3A_531, %dma_start3A_532] : memref<10112x128xf32, #tpu.memory_space<vmem_shared>> -> memref<10112x128xf32, #tpu.memory_space<vmem_shared>>
        tpu.enqueue_indirect_dma source(%arg14 : memref<64x128xf32, #tpu.memory_space<vmem>>) target(%dma_start3A_533 : memref<10112x128xf32, #tpu.memory_space<vmem_shared>>) offsets(%dma_start3A_530 : memref<64xi32, #tpu.memory_space<vmem>>) semaphore(%run_scoped3A_527 : memref<!tpu.dma_semaphore, #tpu.memory_space<semaphore_mem>>) {add = true}
        %dma_wait3A_534 = arith.constant 0 : i32
        %dma_wait3A_535 = tpu.memref_slice %arg6[%run_scoped3A, %dma_wait3A_534] : memref<2x64xi32, #tpu.memory_space<vmem>> -> memref<1x64xi32, #tpu.memory_space<vmem>>
        %dma_wait3A_536 = tpu.memref_squeeze %dma_wait3A_535 : memref<1x64xi32, #tpu.memory_space<vmem>> -> memref<64xi32, #tpu.memory_space<vmem>>
        %dma_wait3A_537 = arith.constant 0 : i32
        %dma_wait3A_538 = arith.constant 0 : i32
        %dma_wait3A_539 = tpu.memref_slice %arg18[%dma_wait3A_537, %dma_wait3A_538] : memref<10112x128xf32, #tpu.memory_space<vmem_shared>> -> memref<10112x128xf32, #tpu.memory_space<vmem_shared>>
        tpu.wait_indirect_dma semaphore(%run_scoped3A_527 : memref<!tpu.dma_semaphore, #tpu.memory_space<semaphore_mem>>) src(%arg14 : memref<64x128xf32, #tpu.memory_space<vmem>>) dst(%dma_wait3A_539 : memref<10112x128xf32, #tpu.memory_space<vmem_shared>>)
        tpu.yield
      }) : () -> ()
      %add3A_220 = arith.constant 8 : i32
      %add3A_221 = arith.addi %add3A_212, %add3A_220 : i32
      %min3A = arith.constant 159 : i32
      %min3A_222 = arith.minsi %add3A_221, %min3A : i32
      %add3A_223 = arith.addi %mul3A_4, %min3A_222 : i32
      %dma_start3A_224 = arith.constant 0 : i32
      %dma_start3A_225 = arith.constant 0 : i32
      %dma_start3A_226 = tpu.memref_slice %arg3[%add3A_223, %dma_start3A_224, %dma_start3A_225] : memref<5120x2x64xi32, #tpu.memory_space<hbm>> -> memref<1x2x64xi32, #tpu.memory_space<hbm>>
      %dma_start3A_227 = tpu.memref_squeeze %dma_start3A_226 : memref<1x2x64xi32, #tpu.memory_space<hbm>> -> memref<2x64xi32, #tpu.memory_space<hbm>>
      %dma_start3A_228 = arith.constant 0 : i32
      %dma_start3A_229 = arith.constant 0 : i32
      %dma_start3A_230 = tpu.memref_slice %arg3[%add3A_223, %dma_start3A_228, %dma_start3A_229] : memref<5120x2x64xi32, #tpu.memory_space<hbm>> -> memref<1x2x64xi32, #tpu.memory_space<hbm>>
      %dma_start3A_231 = tpu.memref_squeeze %dma_start3A_230 : memref<1x2x64xi32, #tpu.memory_space<hbm>> -> memref<2x64xi32, #tpu.memory_space<hbm>>
      tpu.enqueue_dma source(%dma_start3A_231 : memref<2x64xi32, #tpu.memory_space<hbm>>) target(%arg6 : memref<2x64xi32, #tpu.memory_space<vmem>>) target_semaphore(%arg23 : memref<!tpu.dma_semaphore, #tpu.memory_space<semaphore_mem>>)
      %dma_wait3A_232 = arith.constant 0 : i32
      %dma_wait3A_233 = arith.constant 0 : i32
      %dma_wait3A_234 = tpu.memref_slice %arg3[%mul3A_4, %dma_wait3A_232, %dma_wait3A_233] : memref<5120x2x64xi32, #tpu.memory_space<hbm>> -> memref<1x2x64xi32, #tpu.memory_space<hbm>>
      %dma_wait3A_235 = tpu.memref_squeeze %dma_wait3A_234 : memref<1x2x64xi32, #tpu.memory_space<hbm>> -> memref<2x64xi32, #tpu.memory_space<hbm>>
      %dma_wait3A_236 = arith.constant 0 : i32
      %dma_wait3A_237 = arith.constant 0 : i32
      %dma_wait3A_238 = tpu.memref_slice %arg3[%mul3A_4, %dma_wait3A_236, %dma_wait3A_237] : memref<5120x2x64xi32, #tpu.memory_space<hbm>> -> memref<1x2x64xi32, #tpu.memory_space<hbm>>
      %dma_wait3A_239 = tpu.memref_squeeze %dma_wait3A_238 : memref<1x2x64xi32, #tpu.memory_space<hbm>> -> memref<2x64xi32, #tpu.memory_space<hbm>>
      tpu.wait_dma2 semaphore(%arg27 : memref<!tpu.dma_semaphore, #tpu.memory_space<semaphore_mem>>) src(%dma_wait3A_239 : memref<2x64xi32, #tpu.memory_space<hbm>>) dst(%arg10 : memref<2x64xi32, #tpu.memory_space<vmem>>)
      %dma_start3A_240 = arith.constant 0 : i32
      %dma_start3A_241 = arith.constant 0 : i32
      %dma_start3A_242 = tpu.memref_slice %arg10[%dma_start3A_240, %dma_start3A_241] : memref<2x64xi32, #tpu.memory_space<vmem>> -> memref<1x64xi32, #tpu.memory_space<vmem>>
      %dma_start3A_243 = tpu.memref_squeeze %dma_start3A_242 : memref<1x64xi32, #tpu.memory_space<vmem>> -> memref<64xi32, #tpu.memory_space<vmem>>
      %dma_start3A_244 = arith.constant 0 : i32
      %dma_start3A_245 = arith.constant 0 : i32
      %dma_start3A_246 = tpu.memref_slice %arg2[%dma_start3A_244, %dma_start3A_245] : memref<10000x128xf32, #tpu.memory_space<hbm>> -> memref<10000x128xf32, #tpu.memory_space<hbm>>
      tpu.enqueue_indirect_dma source(%dma_start3A_246 : memref<10000x128xf32, #tpu.memory_space<hbm>>) target(%arg14 : memref<64x128xf32, #tpu.memory_space<vmem>>) offsets(%dma_start3A_243 : memref<64xi32, #tpu.memory_space<vmem>>) semaphore(%arg19 : memref<!tpu.dma_semaphore, #tpu.memory_space<semaphore_mem>>)
      %mul3A_247 = arith.constant 8 : i32
      %mul3A_248 = arith.muli %mul3A_247, %scan3A_208 : i32
      %add3A_249 = arith.constant 1 : i32
      %add3A_250 = arith.addi %mul3A_248, %add3A_249 : i32
      %dma_wait3A_251 = arith.constant 0 : i32
      %dma_wait3A_252 = arith.constant 0 : i32
      %dma_wait3A_253 = tpu.memref_slice %arg7[%dma_wait3A_251, %dma_wait3A_252] : memref<2x64xi32, #tpu.memory_space<vmem>> -> memref<1x64xi32, #tpu.memory_space<vmem>>
      %dma_wait3A_254 = tpu.memref_squeeze %dma_wait3A_253 : memref<1x64xi32, #tpu.memory_space<vmem>> -> memref<64xi32, #tpu.memory_space<vmem>>
      %dma_wait3A_255 = arith.constant 0 : i32
      %dma_wait3A_256 = arith.constant 0 : i32
      %dma_wait3A_257 = tpu.memref_slice %arg2[%dma_wait3A_255, %dma_wait3A_256] : memref<10000x128xf32, #tpu.memory_space<hbm>> -> memref<10000x128xf32, #tpu.memory_space<hbm>>
      tpu.wait_indirect_dma semaphore(%arg20 : memref<!tpu.dma_semaphore, #tpu.memory_space<semaphore_mem>>) src(%dma_wait3A_257 : memref<10000x128xf32, #tpu.memory_space<hbm>>) dst(%arg15 : memref<64x128xf32, #tpu.memory_space<vmem>>)
      %run_scoped3A_258 = arith.constant 1 : i32
      "tpu.region"() ({
        %run_scoped3A_527 = tpu.sem_alloc : memref<!tpu.dma_semaphore, #tpu.memory_space<semaphore_mem>>
        %dma_start3A_528 = arith.constant 0 : i32
        %dma_start3A_529 = tpu.memref_slice %arg7[%run_scoped3A_258, %dma_start3A_528] : memref<2x64xi32, #tpu.memory_space<vmem>> -> memref<1x64xi32, #tpu.memory_space<vmem>>
        %dma_start3A_530 = tpu.memref_squeeze %dma_start3A_529 : memref<1x64xi32, #tpu.memory_space<vmem>> -> memref<64xi32, #tpu.memory_space<vmem>>
        %dma_start3A_531 = arith.constant 0 : i32
        %dma_start3A_532 = arith.constant 0 : i32
        %dma_start3A_533 = tpu.memref_slice %arg18[%dma_start3A_531, %dma_start3A_532] : memref<10112x128xf32, #tpu.memory_space<vmem_shared>> -> memref<10112x128xf32, #tpu.memory_space<vmem_shared>>
        tpu.enqueue_indirect_dma source(%arg15 : memref<64x128xf32, #tpu.memory_space<vmem>>) target(%dma_start3A_533 : memref<10112x128xf32, #tpu.memory_space<vmem_shared>>) offsets(%dma_start3A_530 : memref<64xi32, #tpu.memory_space<vmem>>) semaphore(%run_scoped3A_527 : memref<!tpu.dma_semaphore, #tpu.memory_space<semaphore_mem>>) {add = true}
        %dma_wait3A_534 = arith.constant 0 : i32
        %dma_wait3A_535 = tpu.memref_slice %arg7[%run_scoped3A_258, %dma_wait3A_534] : memref<2x64xi32, #tpu.memory_space<vmem>> -> memref<1x64xi32, #tpu.memory_space<vmem>>
        %dma_wait3A_536 = tpu.memref_squeeze %dma_wait3A_535 : memref<1x64xi32, #tpu.memory_space<vmem>> -> memref<64xi32, #tpu.memory_space<vmem>>
        %dma_wait3A_537 = arith.constant 0 : i32
        %dma_wait3A_538 = arith.constant 0 : i32
        %dma_wait3A_539 = tpu.memref_slice %arg18[%dma_wait3A_537, %dma_wait3A_538] : memref<10112x128xf32, #tpu.memory_space<vmem_shared>> -> memref<10112x128xf32, #tpu.memory_space<vmem_shared>>
        tpu.wait_indirect_dma semaphore(%run_scoped3A_527 : memref<!tpu.dma_semaphore, #tpu.memory_space<semaphore_mem>>) src(%arg15 : memref<64x128xf32, #tpu.memory_space<vmem>>) dst(%dma_wait3A_539 : memref<10112x128xf32, #tpu.memory_space<vmem_shared>>)
        tpu.yield
      }) : () -> ()
      %add3A_259 = arith.constant 8 : i32
      %add3A_260 = arith.addi %add3A_250, %add3A_259 : i32
      %min3A_261 = arith.constant 159 : i32
      %min3A_262 = arith.minsi %add3A_260, %min3A_261 : i32
      %add3A_263 = arith.addi %mul3A_4, %min3A_262 : i32
      %dma_start3A_264 = arith.constant 0 : i32
      %dma_start3A_265 = arith.constant 0 : i32
      %dma_start3A_266 = tpu.memref_slice %arg3[%add3A_263, %dma_start3A_264, %dma_start3A_265] : memref<5120x2x64xi32, #tpu.memory_space<hbm>> -> memref<1x2x64xi32, #tpu.memory_space<hbm>>
      %dma_start3A_267 = tpu.memref_squeeze %dma_start3A_266 : memref<1x2x64xi32, #tpu.memory_space<hbm>> -> memref<2x64xi32, #tpu.memory_space<hbm>>
      %dma_start3A_268 = arith.constant 0 : i32
      %dma_start3A_269 = arith.constant 0 : i32
      %dma_start3A_270 = tpu.memref_slice %arg3[%add3A_263, %dma_start3A_268, %dma_start3A_269] : memref<5120x2x64xi32, #tpu.memory_space<hbm>> -> memref<1x2x64xi32, #tpu.memory_space<hbm>>
      %dma_start3A_271 = tpu.memref_squeeze %dma_start3A_270 : memref<1x2x64xi32, #tpu.memory_space<hbm>> -> memref<2x64xi32, #tpu.memory_space<hbm>>
      tpu.enqueue_dma source(%dma_start3A_271 : memref<2x64xi32, #tpu.memory_space<hbm>>) target(%arg7 : memref<2x64xi32, #tpu.memory_space<vmem>>) target_semaphore(%arg24 : memref<!tpu.dma_semaphore, #tpu.memory_space<semaphore_mem>>)
      %dma_wait3A_272 = arith.constant 0 : i32
      %dma_wait3A_273 = arith.constant 0 : i32
      %dma_wait3A_274 = tpu.memref_slice %arg3[%mul3A_4, %dma_wait3A_272, %dma_wait3A_273] : memref<5120x2x64xi32, #tpu.memory_space<hbm>> -> memref<1x2x64xi32, #tpu.memory_space<hbm>>
      %dma_wait3A_275 = tpu.memref_squeeze %dma_wait3A_274 : memref<1x2x64xi32, #tpu.memory_space<hbm>> -> memref<2x64xi32, #tpu.memory_space<hbm>>
      %dma_wait3A_276 = arith.constant 0 : i32
      %dma_wait3A_277 = arith.constant 0 : i32
      %dma_wait3A_278 = tpu.memref_slice %arg3[%mul3A_4, %dma_wait3A_276, %dma_wait3A_277] : memref<5120x2x64xi32, #tpu.memory_space<hbm>> -> memref<1x2x64xi32, #tpu.memory_space<hbm>>
      %dma_wait3A_279 = tpu.memref_squeeze %dma_wait3A_278 : memref<1x2x64xi32, #tpu.memory_space<hbm>> -> memref<2x64xi32, #tpu.memory_space<hbm>>
      tpu.wait_dma2 semaphore(%arg28 : memref<!tpu.dma_semaphore, #tpu.memory_space<semaphore_mem>>) src(%dma_wait3A_279 : memref<2x64xi32, #tpu.memory_space<hbm>>) dst(%arg11 : memref<2x64xi32, #tpu.memory_space<vmem>>)
      %dma_start3A_280 = arith.constant 0 : i32
      %dma_start3A_281 = arith.constant 0 : i32
      %dma_start3A_282 = tpu.memref_slice %arg11[%dma_start3A_280, %dma_start3A_281] : memref<2x64xi32, #tpu.memory_space<vmem>> -> memref<1x64xi32, #tpu.memory_space<vmem>>
      %dma_start3A_283 = tpu.memref_squeeze %dma_start3A_282 : memref<1x64xi32, #tpu.memory_space<vmem>> -> memref<64xi32, #tpu.memory_space<vmem>>
      %dma_start3A_284 = arith.constant 0 : i32
      %dma_start3A_285 = arith.constant 0 : i32
      %dma_start3A_286 = tpu.memref_slice %arg2[%dma_start3A_284, %dma_start3A_285] : memref<10000x128xf32, #tpu.memory_space<hbm>> -> memref<10000x128xf32, #tpu.memory_space<hbm>>
      tpu.enqueue_indirect_dma source(%dma_start3A_286 : memref<10000x128xf32, #tpu.memory_space<hbm>>) target(%arg15 : memref<64x128xf32, #tpu.memory_space<vmem>>) offsets(%dma_start3A_283 : memref<64xi32, #tpu.memory_space<vmem>>) semaphore(%arg20 : memref<!tpu.dma_semaphore, #tpu.memory_space<semaphore_mem>>)
      %mul3A_287 = arith.constant 8 : i32
      %mul3A_288 = arith.muli %mul3A_287, %scan3A_208 : i32
      %add3A_289 = arith.constant 2 : i32
      %add3A_290 = arith.addi %mul3A_288, %add3A_289 : i32
      %dma_wait3A_291 = arith.constant 0 : i32
      %dma_wait3A_292 = arith.constant 0 : i32
      %dma_wait3A_293 = tpu.memref_slice %arg8[%dma_wait3A_291, %dma_wait3A_292] : memref<2x64xi32, #tpu.memory_space<vmem>> -> memref<1x64xi32, #tpu.memory_space<vmem>>
      %dma_wait3A_294 = tpu.memref_squeeze %dma_wait3A_293 : memref<1x64xi32, #tpu.memory_space<vmem>> -> memref<64xi32, #tpu.memory_space<vmem>>
      %dma_wait3A_295 = arith.constant 0 : i32
      %dma_wait3A_296 = arith.constant 0 : i32
      %dma_wait3A_297 = tpu.memref_slice %arg2[%dma_wait3A_295, %dma_wait3A_296] : memref<10000x128xf32, #tpu.memory_space<hbm>> -> memref<10000x128xf32, #tpu.memory_space<hbm>>
      tpu.wait_indirect_dma semaphore(%arg21 : memref<!tpu.dma_semaphore, #tpu.memory_space<semaphore_mem>>) src(%dma_wait3A_297 : memref<10000x128xf32, #tpu.memory_space<hbm>>) dst(%arg16 : memref<64x128xf32, #tpu.memory_space<vmem>>)
      %run_scoped3A_298 = arith.constant 1 : i32
      "tpu.region"() ({
        %run_scoped3A_527 = tpu.sem_alloc : memref<!tpu.dma_semaphore, #tpu.memory_space<semaphore_mem>>
        %dma_start3A_528 = arith.constant 0 : i32
        %dma_start3A_529 = tpu.memref_slice %arg8[%run_scoped3A_298, %dma_start3A_528] : memref<2x64xi32, #tpu.memory_space<vmem>> -> memref<1x64xi32, #tpu.memory_space<vmem>>
        %dma_start3A_530 = tpu.memref_squeeze %dma_start3A_529 : memref<1x64xi32, #tpu.memory_space<vmem>> -> memref<64xi32, #tpu.memory_space<vmem>>
        %dma_start3A_531 = arith.constant 0 : i32
        %dma_start3A_532 = arith.constant 0 : i32
        %dma_start3A_533 = tpu.memref_slice %arg18[%dma_start3A_531, %dma_start3A_532] : memref<10112x128xf32, #tpu.memory_space<vmem_shared>> -> memref<10112x128xf32, #tpu.memory_space<vmem_shared>>
        tpu.enqueue_indirect_dma source(%arg16 : memref<64x128xf32, #tpu.memory_space<vmem>>) target(%dma_start3A_533 : memref<10112x128xf32, #tpu.memory_space<vmem_shared>>) offsets(%dma_start3A_530 : memref<64xi32, #tpu.memory_space<vmem>>) semaphore(%run_scoped3A_527 : memref<!tpu.dma_semaphore, #tpu.memory_space<semaphore_mem>>) {add = true}
        %dma_wait3A_534 = arith.constant 0 : i32
        %dma_wait3A_535 = tpu.memref_slice %arg8[%run_scoped3A_298, %dma_wait3A_534] : memref<2x64xi32, #tpu.memory_space<vmem>> -> memref<1x64xi32, #tpu.memory_space<vmem>>
        %dma_wait3A_536 = tpu.memref_squeeze %dma_wait3A_535 : memref<1x64xi32, #tpu.memory_space<vmem>> -> memref<64xi32, #tpu.memory_space<vmem>>
        %dma_wait3A_537 = arith.constant 0 : i32
        %dma_wait3A_538 = arith.constant 0 : i32
        %dma_wait3A_539 = tpu.memref_slice %arg18[%dma_wait3A_537, %dma_wait3A_538] : memref<10112x128xf32, #tpu.memory_space<vmem_shared>> -> memref<10112x128xf32, #tpu.memory_space<vmem_shared>>
        tpu.wait_indirect_dma semaphore(%run_scoped3A_527 : memref<!tpu.dma_semaphore, #tpu.memory_space<semaphore_mem>>) src(%arg16 : memref<64x128xf32, #tpu.memory_space<vmem>>) dst(%dma_wait3A_539 : memref<10112x128xf32, #tpu.memory_space<vmem_shared>>)
        tpu.yield
      }) : () -> ()
      %add3A_299 = arith.constant 8 : i32
      %add3A_300 = arith.addi %add3A_290, %add3A_299 : i32
      %min3A_301 = arith.constant 159 : i32
      %min3A_302 = arith.minsi %add3A_300, %min3A_301 : i32
      %add3A_303 = arith.addi %mul3A_4, %min3A_302 : i32
      %dma_start3A_304 = arith.constant 0 : i32
      %dma_start3A_305 = arith.constant 0 : i32
      %dma_start3A_306 = tpu.memref_slice %arg3[%add3A_303, %dma_start3A_304, %dma_start3A_305] : memref<5120x2x64xi32, #tpu.memory_space<hbm>> -> memref<1x2x64xi32, #tpu.memory_space<hbm>>
      %dma_start3A_307 = tpu.memref_squeeze %dma_start3A_306 : memref<1x2x64xi32, #tpu.memory_space<hbm>> -> memref<2x64xi32, #tpu.memory_space<hbm>>
      %dma_start3A_308 = arith.constant 0 : i32
      %dma_start3A_309 = arith.constant 0 : i32
      %dma_start3A_310 = tpu.memref_slice %arg3[%add3A_303, %dma_start3A_308, %dma_start3A_309] : memref<5120x2x64xi32, #tpu.memory_space<hbm>> -> memref<1x2x64xi32, #tpu.memory_space<hbm>>
      %dma_start3A_311 = tpu.memref_squeeze %dma_start3A_310 : memref<1x2x64xi32, #tpu.memory_space<hbm>> -> memref<2x64xi32, #tpu.memory_space<hbm>>
      tpu.enqueue_dma source(%dma_start3A_311 : memref<2x64xi32, #tpu.memory_space<hbm>>) target(%arg8 : memref<2x64xi32, #tpu.memory_space<vmem>>) target_semaphore(%arg25 : memref<!tpu.dma_semaphore, #tpu.memory_space<semaphore_mem>>)
      %dma_wait3A_312 = arith.constant 0 : i32
      %dma_wait3A_313 = arith.constant 0 : i32
      %dma_wait3A_314 = tpu.memref_slice %arg3[%mul3A_4, %dma_wait3A_312, %dma_wait3A_313] : memref<5120x2x64xi32, #tpu.memory_space<hbm>> -> memref<1x2x64xi32, #tpu.memory_space<hbm>>
      %dma_wait3A_315 = tpu.memref_squeeze %dma_wait3A_314 : memref<1x2x64xi32, #tpu.memory_space<hbm>> -> memref<2x64xi32, #tpu.memory_space<hbm>>
      %dma_wait3A_316 = arith.constant 0 : i32
      %dma_wait3A_317 = arith.constant 0 : i32
      %dma_wait3A_318 = tpu.memref_slice %arg3[%mul3A_4, %dma_wait3A_316, %dma_wait3A_317] : memref<5120x2x64xi32, #tpu.memory_space<hbm>> -> memref<1x2x64xi32, #tpu.memory_space<hbm>>
      %dma_wait3A_319 = tpu.memref_squeeze %dma_wait3A_318 : memref<1x2x64xi32, #tpu.memory_space<hbm>> -> memref<2x64xi32, #tpu.memory_space<hbm>>
      tpu.wait_dma2 semaphore(%arg29 : memref<!tpu.dma_semaphore, #tpu.memory_space<semaphore_mem>>) src(%dma_wait3A_319 : memref<2x64xi32, #tpu.memory_space<hbm>>) dst(%arg12 : memref<2x64xi32, #tpu.memory_space<vmem>>)
      %dma_start3A_320 = arith.constant 0 : i32
      %dma_start3A_321 = arith.constant 0 : i32
      %dma_start3A_322 = tpu.memref_slice %arg12[%dma_start3A_320, %dma_start3A_321] : memref<2x64xi32, #tpu.memory_space<vmem>> -> memref<1x64xi32, #tpu.memory_space<vmem>>
      %dma_start3A_323 = tpu.memref_squeeze %dma_start3A_322 : memref<1x64xi32, #tpu.memory_space<vmem>> -> memref<64xi32, #tpu.memory_space<vmem>>
      %dma_start3A_324 = arith.constant 0 : i32
      %dma_start3A_325 = arith.constant 0 : i32
      %dma_start3A_326 = tpu.memref_slice %arg2[%dma_start3A_324, %dma_start3A_325] : memref<10000x128xf32, #tpu.memory_space<hbm>> -> memref<10000x128xf32, #tpu.memory_space<hbm>>
      tpu.enqueue_indirect_dma source(%dma_start3A_326 : memref<10000x128xf32, #tpu.memory_space<hbm>>) target(%arg16 : memref<64x128xf32, #tpu.memory_space<vmem>>) offsets(%dma_start3A_323 : memref<64xi32, #tpu.memory_space<vmem>>) semaphore(%arg21 : memref<!tpu.dma_semaphore, #tpu.memory_space<semaphore_mem>>)
      %mul3A_327 = arith.constant 8 : i32
      %mul3A_328 = arith.muli %mul3A_327, %scan3A_208 : i32
      %add3A_329 = arith.constant 3 : i32
      %add3A_330 = arith.addi %mul3A_328, %add3A_329 : i32
      %dma_wait3A_331 = arith.constant 0 : i32
      %dma_wait3A_332 = arith.constant 0 : i32
      %dma_wait3A_333 = tpu.memref_slice %arg9[%dma_wait3A_331, %dma_wait3A_332] : memref<2x64xi32, #tpu.memory_space<vmem>> -> memref<1x64xi32, #tpu.memory_space<vmem>>
      %dma_wait3A_334 = tpu.memref_squeeze %dma_wait3A_333 : memref<1x64xi32, #tpu.memory_space<vmem>> -> memref<64xi32, #tpu.memory_space<vmem>>
      %dma_wait3A_335 = arith.constant 0 : i32
      %dma_wait3A_336 = arith.constant 0 : i32
      %dma_wait3A_337 = tpu.memref_slice %arg2[%dma_wait3A_335, %dma_wait3A_336] : memref<10000x128xf32, #tpu.memory_space<hbm>> -> memref<10000x128xf32, #tpu.memory_space<hbm>>
      tpu.wait_indirect_dma semaphore(%arg22 : memref<!tpu.dma_semaphore, #tpu.memory_space<semaphore_mem>>) src(%dma_wait3A_337 : memref<10000x128xf32, #tpu.memory_space<hbm>>) dst(%arg17 : memref<64x128xf32, #tpu.memory_space<vmem>>)
      %run_scoped3A_338 = arith.constant 1 : i32
      "tpu.region"() ({
        %run_scoped3A_527 = tpu.sem_alloc : memref<!tpu.dma_semaphore, #tpu.memory_space<semaphore_mem>>
        %dma_start3A_528 = arith.constant 0 : i32
        %dma_start3A_529 = tpu.memref_slice %arg9[%run_scoped3A_338, %dma_start3A_528] : memref<2x64xi32, #tpu.memory_space<vmem>> -> memref<1x64xi32, #tpu.memory_space<vmem>>
        %dma_start3A_530 = tpu.memref_squeeze %dma_start3A_529 : memref<1x64xi32, #tpu.memory_space<vmem>> -> memref<64xi32, #tpu.memory_space<vmem>>
        %dma_start3A_531 = arith.constant 0 : i32
        %dma_start3A_532 = arith.constant 0 : i32
        %dma_start3A_533 = tpu.memref_slice %arg18[%dma_start3A_531, %dma_start3A_532] : memref<10112x128xf32, #tpu.memory_space<vmem_shared>> -> memref<10112x128xf32, #tpu.memory_space<vmem_shared>>
        tpu.enqueue_indirect_dma source(%arg17 : memref<64x128xf32, #tpu.memory_space<vmem>>) target(%dma_start3A_533 : memref<10112x128xf32, #tpu.memory_space<vmem_shared>>) offsets(%dma_start3A_530 : memref<64xi32, #tpu.memory_space<vmem>>) semaphore(%run_scoped3A_527 : memref<!tpu.dma_semaphore, #tpu.memory_space<semaphore_mem>>) {add = true}
        %dma_wait3A_534 = arith.constant 0 : i32
        %dma_wait3A_535 = tpu.memref_slice %arg9[%run_scoped3A_338, %dma_wait3A_534] : memref<2x64xi32, #tpu.memory_space<vmem>> -> memref<1x64xi32, #tpu.memory_space<vmem>>
        %dma_wait3A_536 = tpu.memref_squeeze %dma_wait3A_535 : memref<1x64xi32, #tpu.memory_space<vmem>> -> memref<64xi32, #tpu.memory_space<vmem>>
        %dma_wait3A_537 = arith.constant 0 : i32
        %dma_wait3A_538 = arith.constant 0 : i32
        %dma_wait3A_539 = tpu.memref_slice %arg18[%dma_wait3A_537, %dma_wait3A_538] : memref<10112x128xf32, #tpu.memory_space<vmem_shared>> -> memref<10112x128xf32, #tpu.memory_space<vmem_shared>>
        tpu.wait_indirect_dma semaphore(%run_scoped3A_527 : memref<!tpu.dma_semaphore, #tpu.memory_space<semaphore_mem>>) src(%arg17 : memref<64x128xf32, #tpu.memory_space<vmem>>) dst(%dma_wait3A_539 : memref<10112x128xf32, #tpu.memory_space<vmem_shared>>)
        tpu.yield
      }) : () -> ()
      %add3A_339 = arith.constant 8 : i32
      %add3A_340 = arith.addi %add3A_330, %add3A_339 : i32
      %min3A_341 = arith.constant 159 : i32
      %min3A_342 = arith.minsi %add3A_340, %min3A_341 : i32
      %add3A_343 = arith.addi %mul3A_4, %min3A_342 : i32
      %dma_start3A_344 = arith.constant 0 : i32
      %dma_start3A_345 = arith.constant 0 : i32
      %dma_start3A_346 = tpu.memref_slice %arg3[%add3A_343, %dma_start3A_344, %dma_start3A_345] : memref<5120x2x64xi32, #tpu.memory_space<hbm>> -> memref<1x2x64xi32, #tpu.memory_space<hbm>>
      %dma_start3A_347 = tpu.memref_squeeze %dma_start3A_346 : memref<1x2x64xi32, #tpu.memory_space<hbm>> -> memref<2x64xi32, #tpu.memory_space<hbm>>
      %dma_start3A_348 = arith.constant 0 : i32
      %dma_start3A_349 = arith.constant 0 : i32
      %dma_start3A_350 = tpu.memref_slice %arg3[%add3A_343, %dma_start3A_348, %dma_start3A_349] : memref<5120x2x64xi32, #tpu.memory_space<hbm>> -> memref<1x2x64xi32, #tpu.memory_space<hbm>>
      %dma_start3A_351 = tpu.memref_squeeze %dma_start3A_350 : memref<1x2x64xi32, #tpu.memory_space<hbm>> -> memref<2x64xi32, #tpu.memory_space<hbm>>
      tpu.enqueue_dma source(%dma_start3A_351 : memref<2x64xi32, #tpu.memory_space<hbm>>) target(%arg9 : memref<2x64xi32, #tpu.memory_space<vmem>>) target_semaphore(%arg26 : memref<!tpu.dma_semaphore, #tpu.memory_space<semaphore_mem>>)
      %dma_wait3A_352 = arith.constant 0 : i32
      %dma_wait3A_353 = arith.constant 0 : i32
      %dma_wait3A_354 = tpu.memref_slice %arg3[%mul3A_4, %dma_wait3A_352, %dma_wait3A_353] : memref<5120x2x64xi32, #tpu.memory_space<hbm>> -> memref<1x2x64xi32, #tpu.memory_space<hbm>>
      %dma_wait3A_355 = tpu.memref_squeeze %dma_wait3A_354 : memref<1x2x64xi32, #tpu.memory_space<hbm>> -> memref<2x64xi32, #tpu.memory_space<hbm>>
      %dma_wait3A_356 = arith.constant 0 : i32
      %dma_wait3A_357 = arith.constant 0 : i32
      %dma_wait3A_358 = tpu.memref_slice %arg3[%mul3A_4, %dma_wait3A_356, %dma_wait3A_357] : memref<5120x2x64xi32, #tpu.memory_space<hbm>> -> memref<1x2x64xi32, #tpu.memory_space<hbm>>
      %dma_wait3A_359 = tpu.memref_squeeze %dma_wait3A_358 : memref<1x2x64xi32, #tpu.memory_space<hbm>> -> memref<2x64xi32, #tpu.memory_space<hbm>>
      tpu.wait_dma2 semaphore(%arg30 : memref<!tpu.dma_semaphore, #tpu.memory_space<semaphore_mem>>) src(%dma_wait3A_359 : memref<2x64xi32, #tpu.memory_space<hbm>>) dst(%arg13 : memref<2x64xi32, #tpu.memory_space<vmem>>)
      %dma_start3A_360 = arith.constant 0 : i32
      %dma_start3A_361 = arith.constant 0 : i32
      %dma_start3A_362 = tpu.memref_slice %arg13[%dma_start3A_360, %dma_start3A_361] : memref<2x64xi32, #tpu.memory_space<vmem>> -> memref<1x64xi32, #tpu.memory_space<vmem>>
      %dma_start3A_363 = tpu.memref_squeeze %dma_start3A_362 : memref<1x64xi32, #tpu.memory_space<vmem>> -> memref<64xi32, #tpu.memory_space<vmem>>
      %dma_start3A_364 = arith.constant 0 : i32
      %dma_start3A_365 = arith.constant 0 : i32
      %dma_start3A_366 = tpu.memref_slice %arg2[%dma_start3A_364, %dma_start3A_365] : memref<10000x128xf32, #tpu.memory_space<hbm>> -> memref<10000x128xf32, #tpu.memory_space<hbm>>
      tpu.enqueue_indirect_dma source(%dma_start3A_366 : memref<10000x128xf32, #tpu.memory_space<hbm>>) target(%arg17 : memref<64x128xf32, #tpu.memory_space<vmem>>) offsets(%dma_start3A_363 : memref<64xi32, #tpu.memory_space<vmem>>) semaphore(%arg22 : memref<!tpu.dma_semaphore, #tpu.memory_space<semaphore_mem>>)
      %mul3A_367 = arith.constant 8 : i32
      %mul3A_368 = arith.muli %mul3A_367, %scan3A_208 : i32
      %add3A_369 = arith.constant 4 : i32
      %add3A_370 = arith.addi %mul3A_368, %add3A_369 : i32
      %dma_wait3A_371 = arith.constant 0 : i32
      %dma_wait3A_372 = arith.constant 0 : i32
      %dma_wait3A_373 = tpu.memref_slice %arg10[%dma_wait3A_371, %dma_wait3A_372] : memref<2x64xi32, #tpu.memory_space<vmem>> -> memref<1x64xi32, #tpu.memory_space<vmem>>
      %dma_wait3A_374 = tpu.memref_squeeze %dma_wait3A_373 : memref<1x64xi32, #tpu.memory_space<vmem>> -> memref<64xi32, #tpu.memory_space<vmem>>
      %dma_wait3A_375 = arith.constant 0 : i32
      %dma_wait3A_376 = arith.constant 0 : i32
      %dma_wait3A_377 = tpu.memref_slice %arg2[%dma_wait3A_375, %dma_wait3A_376] : memref<10000x128xf32, #tpu.memory_space<hbm>> -> memref<10000x128xf32, #tpu.memory_space<hbm>>
      tpu.wait_indirect_dma semaphore(%arg19 : memref<!tpu.dma_semaphore, #tpu.memory_space<semaphore_mem>>) src(%dma_wait3A_377 : memref<10000x128xf32, #tpu.memory_space<hbm>>) dst(%arg14 : memref<64x128xf32, #tpu.memory_space<vmem>>)
      %run_scoped3A_378 = arith.constant 1 : i32
      "tpu.region"() ({
        %run_scoped3A_527 = tpu.sem_alloc : memref<!tpu.dma_semaphore, #tpu.memory_space<semaphore_mem>>
        %dma_start3A_528 = arith.constant 0 : i32
        %dma_start3A_529 = tpu.memref_slice %arg10[%run_scoped3A_378, %dma_start3A_528] : memref<2x64xi32, #tpu.memory_space<vmem>> -> memref<1x64xi32, #tpu.memory_space<vmem>>
        %dma_start3A_530 = tpu.memref_squeeze %dma_start3A_529 : memref<1x64xi32, #tpu.memory_space<vmem>> -> memref<64xi32, #tpu.memory_space<vmem>>
        %dma_start3A_531 = arith.constant 0 : i32
        %dma_start3A_532 = arith.constant 0 : i32
        %dma_start3A_533 = tpu.memref_slice %arg18[%dma_start3A_531, %dma_start3A_532] : memref<10112x128xf32, #tpu.memory_space<vmem_shared>> -> memref<10112x128xf32, #tpu.memory_space<vmem_shared>>
        tpu.enqueue_indirect_dma source(%arg14 : memref<64x128xf32, #tpu.memory_space<vmem>>) target(%dma_start3A_533 : memref<10112x128xf32, #tpu.memory_space<vmem_shared>>) offsets(%dma_start3A_530 : memref<64xi32, #tpu.memory_space<vmem>>) semaphore(%run_scoped3A_527 : memref<!tpu.dma_semaphore, #tpu.memory_space<semaphore_mem>>) {add = true}
        %dma_wait3A_534 = arith.constant 0 : i32
        %dma_wait3A_535 = tpu.memref_slice %arg10[%run_scoped3A_378, %dma_wait3A_534] : memref<2x64xi32, #tpu.memory_space<vmem>> -> memref<1x64xi32, #tpu.memory_space<vmem>>
        %dma_wait3A_536 = tpu.memref_squeeze %dma_wait3A_535 : memref<1x64xi32, #tpu.memory_space<vmem>> -> memref<64xi32, #tpu.memory_space<vmem>>
        %dma_wait3A_537 = arith.constant 0 : i32
        %dma_wait3A_538 = arith.constant 0 : i32
        %dma_wait3A_539 = tpu.memref_slice %arg18[%dma_wait3A_537, %dma_wait3A_538] : memref<10112x128xf32, #tpu.memory_space<vmem_shared>> -> memref<10112x128xf32, #tpu.memory_space<vmem_shared>>
        tpu.wait_indirect_dma semaphore(%run_scoped3A_527 : memref<!tpu.dma_semaphore, #tpu.memory_space<semaphore_mem>>) src(%arg14 : memref<64x128xf32, #tpu.memory_space<vmem>>) dst(%dma_wait3A_539 : memref<10112x128xf32, #tpu.memory_space<vmem_shared>>)
        tpu.yield
      }) : () -> ()
      %add3A_379 = arith.constant 8 : i32
      %add3A_380 = arith.addi %add3A_370, %add3A_379 : i32
      %min3A_381 = arith.constant 159 : i32
      %min3A_382 = arith.minsi %add3A_380, %min3A_381 : i32
      %add3A_383 = arith.addi %mul3A_4, %min3A_382 : i32
      %dma_start3A_384 = arith.constant 0 : i32
      %dma_start3A_385 = arith.constant 0 : i32
      %dma_start3A_386 = tpu.memref_slice %arg3[%add3A_383, %dma_start3A_384, %dma_start3A_385] : memref<5120x2x64xi32, #tpu.memory_space<hbm>> -> memref<1x2x64xi32, #tpu.memory_space<hbm>>
      %dma_start3A_387 = tpu.memref_squeeze %dma_start3A_386 : memref<1x2x64xi32, #tpu.memory_space<hbm>> -> memref<2x64xi32, #tpu.memory_space<hbm>>
      %dma_start3A_388 = arith.constant 0 : i32
      %dma_start3A_389 = arith.constant 0 : i32
      %dma_start3A_390 = tpu.memref_slice %arg3[%add3A_383, %dma_start3A_388, %dma_start3A_389] : memref<5120x2x64xi32, #tpu.memory_space<hbm>> -> memref<1x2x64xi32, #tpu.memory_space<hbm>>
      %dma_start3A_391 = tpu.memref_squeeze %dma_start3A_390 : memref<1x2x64xi32, #tpu.memory_space<hbm>> -> memref<2x64xi32, #tpu.memory_space<hbm>>
      tpu.enqueue_dma source(%dma_start3A_391 : memref<2x64xi32, #tpu.memory_space<hbm>>) target(%arg10 : memref<2x64xi32, #tpu.memory_space<vmem>>) target_semaphore(%arg27 : memref<!tpu.dma_semaphore, #tpu.memory_space<semaphore_mem>>)
      %dma_wait3A_392 = arith.constant 0 : i32
      %dma_wait3A_393 = arith.constant 0 : i32
      %dma_wait3A_394 = tpu.memref_slice %arg3[%mul3A_4, %dma_wait3A_392, %dma_wait3A_393] : memref<5120x2x64xi32, #tpu.memory_space<hbm>> -> memref<1x2x64xi32, #tpu.memory_space<hbm>>
      %dma_wait3A_395 = tpu.memref_squeeze %dma_wait3A_394 : memref<1x2x64xi32, #tpu.memory_space<hbm>> -> memref<2x64xi32, #tpu.memory_space<hbm>>
      %dma_wait3A_396 = arith.constant 0 : i32
      %dma_wait3A_397 = arith.constant 0 : i32
      %dma_wait3A_398 = tpu.memref_slice %arg3[%mul3A_4, %dma_wait3A_396, %dma_wait3A_397] : memref<5120x2x64xi32, #tpu.memory_space<hbm>> -> memref<1x2x64xi32, #tpu.memory_space<hbm>>
      %dma_wait3A_399 = tpu.memref_squeeze %dma_wait3A_398 : memref<1x2x64xi32, #tpu.memory_space<hbm>> -> memref<2x64xi32, #tpu.memory_space<hbm>>
      tpu.wait_dma2 semaphore(%arg23 : memref<!tpu.dma_semaphore, #tpu.memory_space<semaphore_mem>>) src(%dma_wait3A_399 : memref<2x64xi32, #tpu.memory_space<hbm>>) dst(%arg6 : memref<2x64xi32, #tpu.memory_space<vmem>>)
      %dma_start3A_400 = arith.constant 0 : i32
      %dma_start3A_401 = arith.constant 0 : i32
      %dma_start3A_402 = tpu.memref_slice %arg6[%dma_start3A_400, %dma_start3A_401] : memref<2x64xi32, #tpu.memory_space<vmem>> -> memref<1x64xi32, #tpu.memory_space<vmem>>
      %dma_start3A_403 = tpu.memref_squeeze %dma_start3A_402 : memref<1x64xi32, #tpu.memory_space<vmem>> -> memref<64xi32, #tpu.memory_space<vmem>>
      %dma_start3A_404 = arith.constant 0 : i32
      %dma_start3A_405 = arith.constant 0 : i32
      %dma_start3A_406 = tpu.memref_slice %arg2[%dma_start3A_404, %dma_start3A_405] : memref<10000x128xf32, #tpu.memory_space<hbm>> -> memref<10000x128xf32, #tpu.memory_space<hbm>>
      tpu.enqueue_indirect_dma source(%dma_start3A_406 : memref<10000x128xf32, #tpu.memory_space<hbm>>) target(%arg14 : memref<64x128xf32, #tpu.memory_space<vmem>>) offsets(%dma_start3A_403 : memref<64xi32, #tpu.memory_space<vmem>>) semaphore(%arg19 : memref<!tpu.dma_semaphore, #tpu.memory_space<semaphore_mem>>)
      %mul3A_407 = arith.constant 8 : i32
      %mul3A_408 = arith.muli %mul3A_407, %scan3A_208 : i32
      %add3A_409 = arith.constant 5 : i32
      %add3A_410 = arith.addi %mul3A_408, %add3A_409 : i32
      %dma_wait3A_411 = arith.constant 0 : i32
      %dma_wait3A_412 = arith.constant 0 : i32
      %dma_wait3A_413 = tpu.memref_slice %arg11[%dma_wait3A_411, %dma_wait3A_412] : memref<2x64xi32, #tpu.memory_space<vmem>> -> memref<1x64xi32, #tpu.memory_space<vmem>>
      %dma_wait3A_414 = tpu.memref_squeeze %dma_wait3A_413 : memref<1x64xi32, #tpu.memory_space<vmem>> -> memref<64xi32, #tpu.memory_space<vmem>>
      %dma_wait3A_415 = arith.constant 0 : i32
      %dma_wait3A_416 = arith.constant 0 : i32
      %dma_wait3A_417 = tpu.memref_slice %arg2[%dma_wait3A_415, %dma_wait3A_416] : memref<10000x128xf32, #tpu.memory_space<hbm>> -> memref<10000x128xf32, #tpu.memory_space<hbm>>
      tpu.wait_indirect_dma semaphore(%arg20 : memref<!tpu.dma_semaphore, #tpu.memory_space<semaphore_mem>>) src(%dma_wait3A_417 : memref<10000x128xf32, #tpu.memory_space<hbm>>) dst(%arg15 : memref<64x128xf32, #tpu.memory_space<vmem>>)
      %run_scoped3A_418 = arith.constant 1 : i32
      "tpu.region"() ({
        %run_scoped3A_527 = tpu.sem_alloc : memref<!tpu.dma_semaphore, #tpu.memory_space<semaphore_mem>>
        %dma_start3A_528 = arith.constant 0 : i32
        %dma_start3A_529 = tpu.memref_slice %arg11[%run_scoped3A_418, %dma_start3A_528] : memref<2x64xi32, #tpu.memory_space<vmem>> -> memref<1x64xi32, #tpu.memory_space<vmem>>
        %dma_start3A_530 = tpu.memref_squeeze %dma_start3A_529 : memref<1x64xi32, #tpu.memory_space<vmem>> -> memref<64xi32, #tpu.memory_space<vmem>>
        %dma_start3A_531 = arith.constant 0 : i32
        %dma_start3A_532 = arith.constant 0 : i32
        %dma_start3A_533 = tpu.memref_slice %arg18[%dma_start3A_531, %dma_start3A_532] : memref<10112x128xf32, #tpu.memory_space<vmem_shared>> -> memref<10112x128xf32, #tpu.memory_space<vmem_shared>>
        tpu.enqueue_indirect_dma source(%arg15 : memref<64x128xf32, #tpu.memory_space<vmem>>) target(%dma_start3A_533 : memref<10112x128xf32, #tpu.memory_space<vmem_shared>>) offsets(%dma_start3A_530 : memref<64xi32, #tpu.memory_space<vmem>>) semaphore(%run_scoped3A_527 : memref<!tpu.dma_semaphore, #tpu.memory_space<semaphore_mem>>) {add = true}
        %dma_wait3A_534 = arith.constant 0 : i32
        %dma_wait3A_535 = tpu.memref_slice %arg11[%run_scoped3A_418, %dma_wait3A_534] : memref<2x64xi32, #tpu.memory_space<vmem>> -> memref<1x64xi32, #tpu.memory_space<vmem>>
        %dma_wait3A_536 = tpu.memref_squeeze %dma_wait3A_535 : memref<1x64xi32, #tpu.memory_space<vmem>> -> memref<64xi32, #tpu.memory_space<vmem>>
        %dma_wait3A_537 = arith.constant 0 : i32
        %dma_wait3A_538 = arith.constant 0 : i32
        %dma_wait3A_539 = tpu.memref_slice %arg18[%dma_wait3A_537, %dma_wait3A_538] : memref<10112x128xf32, #tpu.memory_space<vmem_shared>> -> memref<10112x128xf32, #tpu.memory_space<vmem_shared>>
        tpu.wait_indirect_dma semaphore(%run_scoped3A_527 : memref<!tpu.dma_semaphore, #tpu.memory_space<semaphore_mem>>) src(%arg15 : memref<64x128xf32, #tpu.memory_space<vmem>>) dst(%dma_wait3A_539 : memref<10112x128xf32, #tpu.memory_space<vmem_shared>>)
        tpu.yield
      }) : () -> ()
      %add3A_419 = arith.constant 8 : i32
      %add3A_420 = arith.addi %add3A_410, %add3A_419 : i32
      %min3A_421 = arith.constant 159 : i32
      %min3A_422 = arith.minsi %add3A_420, %min3A_421 : i32
      %add3A_423 = arith.addi %mul3A_4, %min3A_422 : i32
      %dma_start3A_424 = arith.constant 0 : i32
      %dma_start3A_425 = arith.constant 0 : i32
      %dma_start3A_426 = tpu.memref_slice %arg3[%add3A_423, %dma_start3A_424, %dma_start3A_425] : memref<5120x2x64xi32, #tpu.memory_space<hbm>> -> memref<1x2x64xi32, #tpu.memory_space<hbm>>
      %dma_start3A_427 = tpu.memref_squeeze %dma_start3A_426 : memref<1x2x64xi32, #tpu.memory_space<hbm>> -> memref<2x64xi32, #tpu.memory_space<hbm>>
      %dma_start3A_428 = arith.constant 0 : i32
      %dma_start3A_429 = arith.constant 0 : i32
      %dma_start3A_430 = tpu.memref_slice %arg3[%add3A_423, %dma_start3A_428, %dma_start3A_429] : memref<5120x2x64xi32, #tpu.memory_space<hbm>> -> memref<1x2x64xi32, #tpu.memory_space<hbm>>
      %dma_start3A_431 = tpu.memref_squeeze %dma_start3A_430 : memref<1x2x64xi32, #tpu.memory_space<hbm>> -> memref<2x64xi32, #tpu.memory_space<hbm>>
      tpu.enqueue_dma source(%dma_start3A_431 : memref<2x64xi32, #tpu.memory_space<hbm>>) target(%arg11 : memref<2x64xi32, #tpu.memory_space<vmem>>) target_semaphore(%arg28 : memref<!tpu.dma_semaphore, #tpu.memory_space<semaphore_mem>>)
      %dma_wait3A_432 = arith.constant 0 : i32
      %dma_wait3A_433 = arith.constant 0 : i32
      %dma_wait3A_434 = tpu.memref_slice %arg3[%mul3A_4, %dma_wait3A_432, %dma_wait3A_433] : memref<5120x2x64xi32, #tpu.memory_space<hbm>> -> memref<1x2x64xi32, #tpu.memory_space<hbm>>
      %dma_wait3A_435 = tpu.memref_squeeze %dma_wait3A_434 : memref<1x2x64xi32, #tpu.memory_space<hbm>> -> memref<2x64xi32, #tpu.memory_space<hbm>>
      %dma_wait3A_436 = arith.constant 0 : i32
      %dma_wait3A_437 = arith.constant 0 : i32
      %dma_wait3A_438 = tpu.memref_slice %arg3[%mul3A_4, %dma_wait3A_436, %dma_wait3A_437] : memref<5120x2x64xi32, #tpu.memory_space<hbm>> -> memref<1x2x64xi32, #tpu.memory_space<hbm>>
      %dma_wait3A_439 = tpu.memref_squeeze %dma_wait3A_438 : memref<1x2x64xi32, #tpu.memory_space<hbm>> -> memref<2x64xi32, #tpu.memory_space<hbm>>
      tpu.wait_dma2 semaphore(%arg24 : memref<!tpu.dma_semaphore, #tpu.memory_space<semaphore_mem>>) src(%dma_wait3A_439 : memref<2x64xi32, #tpu.memory_space<hbm>>) dst(%arg7 : memref<2x64xi32, #tpu.memory_space<vmem>>)
      %dma_start3A_440 = arith.constant 0 : i32
      %dma_start3A_441 = arith.constant 0 : i32
      %dma_start3A_442 = tpu.memref_slice %arg7[%dma_start3A_440, %dma_start3A_441] : memref<2x64xi32, #tpu.memory_space<vmem>> -> memref<1x64xi32, #tpu.memory_space<vmem>>
      %dma_start3A_443 = tpu.memref_squeeze %dma_start3A_442 : memref<1x64xi32, #tpu.memory_space<vmem>> -> memref<64xi32, #tpu.memory_space<vmem>>
      %dma_start3A_444 = arith.constant 0 : i32
      %dma_start3A_445 = arith.constant 0 : i32
      %dma_start3A_446 = tpu.memref_slice %arg2[%dma_start3A_444, %dma_start3A_445] : memref<10000x128xf32, #tpu.memory_space<hbm>> -> memref<10000x128xf32, #tpu.memory_space<hbm>>
      tpu.enqueue_indirect_dma source(%dma_start3A_446 : memref<10000x128xf32, #tpu.memory_space<hbm>>) target(%arg15 : memref<64x128xf32, #tpu.memory_space<vmem>>) offsets(%dma_start3A_443 : memref<64xi32, #tpu.memory_space<vmem>>) semaphore(%arg20 : memref<!tpu.dma_semaphore, #tpu.memory_space<semaphore_mem>>)
      %mul3A_447 = arith.constant 8 : i32
      %mul3A_448 = arith.muli %mul3A_447, %scan3A_208 : i32
      %add3A_449 = arith.constant 6 : i32
      %add3A_450 = arith.addi %mul3A_448, %add3A_449 : i32
      %dma_wait3A_451 = arith.constant 0 : i32
      %dma_wait3A_452 = arith.constant 0 : i32
      %dma_wait3A_453 = tpu.memref_slice %arg12[%dma_wait3A_451, %dma_wait3A_452] : memref<2x64xi32, #tpu.memory_space<vmem>> -> memref<1x64xi32, #tpu.memory_space<vmem>>
      %dma_wait3A_454 = tpu.memref_squeeze %dma_wait3A_453 : memref<1x64xi32, #tpu.memory_space<vmem>> -> memref<64xi32, #tpu.memory_space<vmem>>
      %dma_wait3A_455 = arith.constant 0 : i32
      %dma_wait3A_456 = arith.constant 0 : i32
      %dma_wait3A_457 = tpu.memref_slice %arg2[%dma_wait3A_455, %dma_wait3A_456] : memref<10000x128xf32, #tpu.memory_space<hbm>> -> memref<10000x128xf32, #tpu.memory_space<hbm>>
      tpu.wait_indirect_dma semaphore(%arg21 : memref<!tpu.dma_semaphore, #tpu.memory_space<semaphore_mem>>) src(%dma_wait3A_457 : memref<10000x128xf32, #tpu.memory_space<hbm>>) dst(%arg16 : memref<64x128xf32, #tpu.memory_space<vmem>>)
      %run_scoped3A_458 = arith.constant 1 : i32
      "tpu.region"() ({
        %run_scoped3A_527 = tpu.sem_alloc : memref<!tpu.dma_semaphore, #tpu.memory_space<semaphore_mem>>
        %dma_start3A_528 = arith.constant 0 : i32
        %dma_start3A_529 = tpu.memref_slice %arg12[%run_scoped3A_458, %dma_start3A_528] : memref<2x64xi32, #tpu.memory_space<vmem>> -> memref<1x64xi32, #tpu.memory_space<vmem>>
        %dma_start3A_530 = tpu.memref_squeeze %dma_start3A_529 : memref<1x64xi32, #tpu.memory_space<vmem>> -> memref<64xi32, #tpu.memory_space<vmem>>
        %dma_start3A_531 = arith.constant 0 : i32
        %dma_start3A_532 = arith.constant 0 : i32
        %dma_start3A_533 = tpu.memref_slice %arg18[%dma_start3A_531, %dma_start3A_532] : memref<10112x128xf32, #tpu.memory_space<vmem_shared>> -> memref<10112x128xf32, #tpu.memory_space<vmem_shared>>
        tpu.enqueue_indirect_dma source(%arg16 : memref<64x128xf32, #tpu.memory_space<vmem>>) target(%dma_start3A_533 : memref<10112x128xf32, #tpu.memory_space<vmem_shared>>) offsets(%dma_start3A_530 : memref<64xi32, #tpu.memory_space<vmem>>) semaphore(%run_scoped3A_527 : memref<!tpu.dma_semaphore, #tpu.memory_space<semaphore_mem>>) {add = true}
        %dma_wait3A_534 = arith.constant 0 : i32
        %dma_wait3A_535 = tpu.memref_slice %arg12[%run_scoped3A_458, %dma_wait3A_534] : memref<2x64xi32, #tpu.memory_space<vmem>> -> memref<1x64xi32, #tpu.memory_space<vmem>>
        %dma_wait3A_536 = tpu.memref_squeeze %dma_wait3A_535 : memref<1x64xi32, #tpu.memory_space<vmem>> -> memref<64xi32, #tpu.memory_space<vmem>>
        %dma_wait3A_537 = arith.constant 0 : i32
        %dma_wait3A_538 = arith.constant 0 : i32
        %dma_wait3A_539 = tpu.memref_slice %arg18[%dma_wait3A_537, %dma_wait3A_538] : memref<10112x128xf32, #tpu.memory_space<vmem_shared>> -> memref<10112x128xf32, #tpu.memory_space<vmem_shared>>
        tpu.wait_indirect_dma semaphore(%run_scoped3A_527 : memref<!tpu.dma_semaphore, #tpu.memory_space<semaphore_mem>>) src(%arg16 : memref<64x128xf32, #tpu.memory_space<vmem>>) dst(%dma_wait3A_539 : memref<10112x128xf32, #tpu.memory_space<vmem_shared>>)
        tpu.yield
      }) : () -> ()
      %add3A_459 = arith.constant 8 : i32
      %add3A_460 = arith.addi %add3A_450, %add3A_459 : i32
      %min3A_461 = arith.constant 159 : i32
      %min3A_462 = arith.minsi %add3A_460, %min3A_461 : i32
      %add3A_463 = arith.addi %mul3A_4, %min3A_462 : i32
      %dma_start3A_464 = arith.constant 0 : i32
      %dma_start3A_465 = arith.constant 0 : i32
      %dma_start3A_466 = tpu.memref_slice %arg3[%add3A_463, %dma_start3A_464, %dma_start3A_465] : memref<5120x2x64xi32, #tpu.memory_space<hbm>> -> memref<1x2x64xi32, #tpu.memory_space<hbm>>
      %dma_start3A_467 = tpu.memref_squeeze %dma_start3A_466 : memref<1x2x64xi32, #tpu.memory_space<hbm>> -> memref<2x64xi32, #tpu.memory_space<hbm>>
      %dma_start3A_468 = arith.constant 0 : i32
      %dma_start3A_469 = arith.constant 0 : i32
      %dma_start3A_470 = tpu.memref_slice %arg3[%add3A_463, %dma_start3A_468, %dma_start3A_469] : memref<5120x2x64xi32, #tpu.memory_space<hbm>> -> memref<1x2x64xi32, #tpu.memory_space<hbm>>
      %dma_start3A_471 = tpu.memref_squeeze %dma_start3A_470 : memref<1x2x64xi32, #tpu.memory_space<hbm>> -> memref<2x64xi32, #tpu.memory_space<hbm>>
      tpu.enqueue_dma source(%dma_start3A_471 : memref<2x64xi32, #tpu.memory_space<hbm>>) target(%arg12 : memref<2x64xi32, #tpu.memory_space<vmem>>) target_semaphore(%arg29 : memref<!tpu.dma_semaphore, #tpu.memory_space<semaphore_mem>>)
      %dma_wait3A_472 = arith.constant 0 : i32
      %dma_wait3A_473 = arith.constant 0 : i32
      %dma_wait3A_474 = tpu.memref_slice %arg3[%mul3A_4, %dma_wait3A_472, %dma_wait3A_473] : memref<5120x2x64xi32, #tpu.memory_space<hbm>> -> memref<1x2x64xi32, #tpu.memory_space<hbm>>
      %dma_wait3A_475 = tpu.memref_squeeze %dma_wait3A_474 : memref<1x2x64xi32, #tpu.memory_space<hbm>> -> memref<2x64xi32, #tpu.memory_space<hbm>>
      %dma_wait3A_476 = arith.constant 0 : i32
      %dma_wait3A_477 = arith.constant 0 : i32
      %dma_wait3A_478 = tpu.memref_slice %arg3[%mul3A_4, %dma_wait3A_476, %dma_wait3A_477] : memref<5120x2x64xi32, #tpu.memory_space<hbm>> -> memref<1x2x64xi32, #tpu.memory_space<hbm>>
      %dma_wait3A_479 = tpu.memref_squeeze %dma_wait3A_478 : memref<1x2x64xi32, #tpu.memory_space<hbm>> -> memref<2x64xi32, #tpu.memory_space<hbm>>
      tpu.wait_dma2 semaphore(%arg25 : memref<!tpu.dma_semaphore, #tpu.memory_space<semaphore_mem>>) src(%dma_wait3A_479 : memref<2x64xi32, #tpu.memory_space<hbm>>) dst(%arg8 : memref<2x64xi32, #tpu.memory_space<vmem>>)
      %dma_start3A_480 = arith.constant 0 : i32
      %dma_start3A_481 = arith.constant 0 : i32
      %dma_start3A_482 = tpu.memref_slice %arg8[%dma_start3A_480, %dma_start3A_481] : memref<2x64xi32, #tpu.memory_space<vmem>> -> memref<1x64xi32, #tpu.memory_space<vmem>>
      %dma_start3A_483 = tpu.memref_squeeze %dma_start3A_482 : memref<1x64xi32, #tpu.memory_space<vmem>> -> memref<64xi32, #tpu.memory_space<vmem>>
      %dma_start3A_484 = arith.constant 0 : i32
      %dma_start3A_485 = arith.constant 0 : i32
      %dma_start3A_486 = tpu.memref_slice %arg2[%dma_start3A_484, %dma_start3A_485] : memref<10000x128xf32, #tpu.memory_space<hbm>> -> memref<10000x128xf32, #tpu.memory_space<hbm>>
      tpu.enqueue_indirect_dma source(%dma_start3A_486 : memref<10000x128xf32, #tpu.memory_space<hbm>>) target(%arg16 : memref<64x128xf32, #tpu.memory_space<vmem>>) offsets(%dma_start3A_483 : memref<64xi32, #tpu.memory_space<vmem>>) semaphore(%arg21 : memref<!tpu.dma_semaphore, #tpu.memory_space<semaphore_mem>>)
      %mul3A_487 = arith.constant 8 : i32
      %mul3A_488 = arith.muli %mul3A_487, %scan3A_208 : i32
      %add3A_489 = arith.constant 7 : i32
      %add3A_490 = arith.addi %mul3A_488, %add3A_489 : i32
      %dma_wait3A_491 = arith.constant 0 : i32
      %dma_wait3A_492 = arith.constant 0 : i32
      %dma_wait3A_493 = tpu.memref_slice %arg13[%dma_wait3A_491, %dma_wait3A_492] : memref<2x64xi32, #tpu.memory_space<vmem>> -> memref<1x64xi32, #tpu.memory_space<vmem>>
      %dma_wait3A_494 = tpu.memref_squeeze %dma_wait3A_493 : memref<1x64xi32, #tpu.memory_space<vmem>> -> memref<64xi32, #tpu.memory_space<vmem>>
      %dma_wait3A_495 = arith.constant 0 : i32
      %dma_wait3A_496 = arith.constant 0 : i32
      %dma_wait3A_497 = tpu.memref_slice %arg2[%dma_wait3A_495, %dma_wait3A_496] : memref<10000x128xf32, #tpu.memory_space<hbm>> -> memref<10000x128xf32, #tpu.memory_space<hbm>>
      tpu.wait_indirect_dma semaphore(%arg22 : memref<!tpu.dma_semaphore, #tpu.memory_space<semaphore_mem>>) src(%dma_wait3A_497 : memref<10000x128xf32, #tpu.memory_space<hbm>>) dst(%arg17 : memref<64x128xf32, #tpu.memory_space<vmem>>)
      %run_scoped3A_498 = arith.constant 1 : i32
      "tpu.region"() ({
        %run_scoped3A_527 = tpu.sem_alloc : memref<!tpu.dma_semaphore, #tpu.memory_space<semaphore_mem>>
        %dma_start3A_528 = arith.constant 0 : i32
        %dma_start3A_529 = tpu.memref_slice %arg13[%run_scoped3A_498, %dma_start3A_528] : memref<2x64xi32, #tpu.memory_space<vmem>> -> memref<1x64xi32, #tpu.memory_space<vmem>>
        %dma_start3A_530 = tpu.memref_squeeze %dma_start3A_529 : memref<1x64xi32, #tpu.memory_space<vmem>> -> memref<64xi32, #tpu.memory_space<vmem>>
        %dma_start3A_531 = arith.constant 0 : i32
        %dma_start3A_532 = arith.constant 0 : i32
        %dma_start3A_533 = tpu.memref_slice %arg18[%dma_start3A_531, %dma_start3A_532] : memref<10112x128xf32, #tpu.memory_space<vmem_shared>> -> memref<10112x128xf32, #tpu.memory_space<vmem_shared>>
        tpu.enqueue_indirect_dma source(%arg17 : memref<64x128xf32, #tpu.memory_space<vmem>>) target(%dma_start3A_533 : memref<10112x128xf32, #tpu.memory_space<vmem_shared>>) offsets(%dma_start3A_530 : memref<64xi32, #tpu.memory_space<vmem>>) semaphore(%run_scoped3A_527 : memref<!tpu.dma_semaphore, #tpu.memory_space<semaphore_mem>>) {add = true}
        %dma_wait3A_534 = arith.constant 0 : i32
        %dma_wait3A_535 = tpu.memref_slice %arg13[%run_scoped3A_498, %dma_wait3A_534] : memref<2x64xi32, #tpu.memory_space<vmem>> -> memref<1x64xi32, #tpu.memory_space<vmem>>
        %dma_wait3A_536 = tpu.memref_squeeze %dma_wait3A_535 : memref<1x64xi32, #tpu.memory_space<vmem>> -> memref<64xi32, #tpu.memory_space<vmem>>
        %dma_wait3A_537 = arith.constant 0 : i32
        %dma_wait3A_538 = arith.constant 0 : i32
        %dma_wait3A_539 = tpu.memref_slice %arg18[%dma_wait3A_537, %dma_wait3A_538] : memref<10112x128xf32, #tpu.memory_space<vmem_shared>> -> memref<10112x128xf32, #tpu.memory_space<vmem_shared>>
        tpu.wait_indirect_dma semaphore(%run_scoped3A_527 : memref<!tpu.dma_semaphore, #tpu.memory_space<semaphore_mem>>) src(%arg17 : memref<64x128xf32, #tpu.memory_space<vmem>>) dst(%dma_wait3A_539 : memref<10112x128xf32, #tpu.memory_space<vmem_shared>>)
        tpu.yield
      }) : () -> ()
      %add3A_499 = arith.constant 8 : i32
      %add3A_500 = arith.addi %add3A_490, %add3A_499 : i32
      %min3A_501 = arith.constant 159 : i32
      %min3A_502 = arith.minsi %add3A_500, %min3A_501 : i32
      %add3A_503 = arith.addi %mul3A_4, %min3A_502 : i32
      %dma_start3A_504 = arith.constant 0 : i32
      %dma_start3A_505 = arith.constant 0 : i32
      %dma_start3A_506 = tpu.memref_slice %arg3[%add3A_503, %dma_start3A_504, %dma_start3A_505] : memref<5120x2x64xi32, #tpu.memory_space<hbm>> -> memref<1x2x64xi32, #tpu.memory_space<hbm>>
      %dma_start3A_507 = tpu.memref_squeeze %dma_start3A_506 : memref<1x2x64xi32, #tpu.memory_space<hbm>> -> memref<2x64xi32, #tpu.memory_space<hbm>>
      %dma_start3A_508 = arith.constant 0 : i32
      %dma_start3A_509 = arith.constant 0 : i32
      %dma_start3A_510 = tpu.memref_slice %arg3[%add3A_503, %dma_start3A_508, %dma_start3A_509] : memref<5120x2x64xi32, #tpu.memory_space<hbm>> -> memref<1x2x64xi32, #tpu.memory_space<hbm>>
      %dma_start3A_511 = tpu.memref_squeeze %dma_start3A_510 : memref<1x2x64xi32, #tpu.memory_space<hbm>> -> memref<2x64xi32, #tpu.memory_space<hbm>>
      tpu.enqueue_dma source(%dma_start3A_511 : memref<2x64xi32, #tpu.memory_space<hbm>>) target(%arg13 : memref<2x64xi32, #tpu.memory_space<vmem>>) target_semaphore(%arg30 : memref<!tpu.dma_semaphore, #tpu.memory_space<semaphore_mem>>)
      %dma_wait3A_512 = arith.constant 0 : i32
      %dma_wait3A_513 = arith.constant 0 : i32
      %dma_wait3A_514 = tpu.memref_slice %arg3[%mul3A_4, %dma_wait3A_512, %dma_wait3A_513] : memref<5120x2x64xi32, #tpu.memory_space<hbm>> -> memref<1x2x64xi32, #tpu.memory_space<hbm>>
      %dma_wait3A_515 = tpu.memref_squeeze %dma_wait3A_514 : memref<1x2x64xi32, #tpu.memory_space<hbm>> -> memref<2x64xi32, #tpu.memory_space<hbm>>
      %dma_wait3A_516 = arith.constant 0 : i32
      %dma_wait3A_517 = arith.constant 0 : i32
      %dma_wait3A_518 = tpu.memref_slice %arg3[%mul3A_4, %dma_wait3A_516, %dma_wait3A_517] : memref<5120x2x64xi32, #tpu.memory_space<hbm>> -> memref<1x2x64xi32, #tpu.memory_space<hbm>>
      %dma_wait3A_519 = tpu.memref_squeeze %dma_wait3A_518 : memref<1x2x64xi32, #tpu.memory_space<hbm>> -> memref<2x64xi32, #tpu.memory_space<hbm>>
      tpu.wait_dma2 semaphore(%arg26 : memref<!tpu.dma_semaphore, #tpu.memory_space<semaphore_mem>>) src(%dma_wait3A_519 : memref<2x64xi32, #tpu.memory_space<hbm>>) dst(%arg9 : memref<2x64xi32, #tpu.memory_space<vmem>>)
      %dma_start3A_520 = arith.constant 0 : i32
      %dma_start3A_521 = arith.constant 0 : i32
      %dma_start3A_522 = tpu.memref_slice %arg9[%dma_start3A_520, %dma_start3A_521] : memref<2x64xi32, #tpu.memory_space<vmem>> -> memref<1x64xi32, #tpu.memory_space<vmem>>
      %dma_start3A_523 = tpu.memref_squeeze %dma_start3A_522 : memref<1x64xi32, #tpu.memory_space<vmem>> -> memref<64xi32, #tpu.memory_space<vmem>>
      %dma_start3A_524 = arith.constant 0 : i32
      %dma_start3A_525 = arith.constant 0 : i32
      %dma_start3A_526 = tpu.memref_slice %arg2[%dma_start3A_524, %dma_start3A_525] : memref<10000x128xf32, #tpu.memory_space<hbm>> -> memref<10000x128xf32, #tpu.memory_space<hbm>>
      tpu.enqueue_indirect_dma source(%dma_start3A_526 : memref<10000x128xf32, #tpu.memory_space<hbm>>) target(%arg17 : memref<64x128xf32, #tpu.memory_space<vmem>>) offsets(%dma_start3A_523 : memref<64xi32, #tpu.memory_space<vmem>>) semaphore(%arg22 : memref<!tpu.dma_semaphore, #tpu.memory_space<semaphore_mem>>)
    }
    %scan3A_104 = arith.constant 20 : i32
    %dma_wait3A = arith.constant 0 : i32
    %dma_wait3A_105 = arith.constant 0 : i32
    %dma_wait3A_106 = tpu.memref_slice %arg6[%dma_wait3A, %dma_wait3A_105] : memref<2x64xi32, #tpu.memory_space<vmem>> -> memref<1x64xi32, #tpu.memory_space<vmem>>
    %dma_wait3A_107 = tpu.memref_squeeze %dma_wait3A_106 : memref<1x64xi32, #tpu.memory_space<vmem>> -> memref<64xi32, #tpu.memory_space<vmem>>
    %dma_wait3A_108 = arith.constant 0 : i32
    %dma_wait3A_109 = arith.constant 0 : i32
    %dma_wait3A_110 = tpu.memref_slice %arg2[%dma_wait3A_108, %dma_wait3A_109] : memref<10000x128xf32, #tpu.memory_space<hbm>> -> memref<10000x128xf32, #tpu.memory_space<hbm>>
    tpu.wait_indirect_dma semaphore(%arg19 : memref<!tpu.dma_semaphore, #tpu.memory_space<semaphore_mem>>) src(%dma_wait3A_110 : memref<10000x128xf32, #tpu.memory_space<hbm>>) dst(%arg14 : memref<64x128xf32, #tpu.memory_space<vmem>>)
    %dma_wait3A_111 = arith.constant 0 : i32
    %dma_wait3A_112 = arith.constant 0 : i32
    %dma_wait3A_113 = tpu.memref_slice %arg6[%dma_wait3A_111, %dma_wait3A_112] : memref<2x64xi32, #tpu.memory_space<vmem>> -> memref<1x64xi32, #tpu.memory_space<vmem>>
    %dma_wait3A_114 = tpu.memref_squeeze %dma_wait3A_113 : memref<1x64xi32, #tpu.memory_space<vmem>> -> memref<64xi32, #tpu.memory_space<vmem>>
    %dma_wait3A_115 = arith.constant 0 : i32
    %dma_wait3A_116 = arith.constant 0 : i32
    %dma_wait3A_117 = tpu.memref_slice %arg2[%dma_wait3A_115, %dma_wait3A_116] : memref<10000x128xf32, #tpu.memory_space<hbm>> -> memref<10000x128xf32, #tpu.memory_space<hbm>>
    tpu.wait_indirect_dma semaphore(%arg20 : memref<!tpu.dma_semaphore, #tpu.memory_space<semaphore_mem>>) src(%dma_wait3A_117 : memref<10000x128xf32, #tpu.memory_space<hbm>>) dst(%arg15 : memref<64x128xf32, #tpu.memory_space<vmem>>)
    %dma_wait3A_118 = arith.constant 0 : i32
    %dma_wait3A_119 = arith.constant 0 : i32
    %dma_wait3A_120 = tpu.memref_slice %arg6[%dma_wait3A_118, %dma_wait3A_119] : memref<2x64xi32, #tpu.memory_space<vmem>> -> memref<1x64xi32, #tpu.memory_space<vmem>>
    %dma_wait3A_121 = tpu.memref_squeeze %dma_wait3A_120 : memref<1x64xi32, #tpu.memory_space<vmem>> -> memref<64xi32, #tpu.memory_space<vmem>>
    %dma_wait3A_122 = arith.constant 0 : i32
    %dma_wait3A_123 = arith.constant 0 : i32
    %dma_wait3A_124 = tpu.memref_slice %arg2[%dma_wait3A_122, %dma_wait3A_123] : memref<10000x128xf32, #tpu.memory_space<hbm>> -> memref<10000x128xf32, #tpu.memory_space<hbm>>
    tpu.wait_indirect_dma semaphore(%arg21 : memref<!tpu.dma_semaphore, #tpu.memory_space<semaphore_mem>>) src(%dma_wait3A_124 : memref<10000x128xf32, #tpu.memory_space<hbm>>) dst(%arg16 : memref<64x128xf32, #tpu.memory_space<vmem>>)
    %dma_wait3A_125 = arith.constant 0 : i32
    %dma_wait3A_126 = arith.constant 0 : i32
    %dma_wait3A_127 = tpu.memref_slice %arg6[%dma_wait3A_125, %dma_wait3A_126] : memref<2x64xi32, #tpu.memory_space<vmem>> -> memref<1x64xi32, #tpu.memory_space<vmem>>
    %dma_wait3A_128 = tpu.memref_squeeze %dma_wait3A_127 : memref<1x64xi32, #tpu.memory_space<vmem>> -> memref<64xi32, #tpu.memory_space<vmem>>
    %dma_wait3A_129 = arith.constant 0 : i32
    %dma_wait3A_130 = arith.constant 0 : i32
    %dma_wait3A_131 = tpu.memref_slice %arg2[%dma_wait3A_129, %dma_wait3A_130] : memref<10000x128xf32, #tpu.memory_space<hbm>> -> memref<10000x128xf32, #tpu.memory_space<hbm>>
    tpu.wait_indirect_dma semaphore(%arg22 : memref<!tpu.dma_semaphore, #tpu.memory_space<semaphore_mem>>) src(%dma_wait3A_131 : memref<10000x128xf32, #tpu.memory_space<hbm>>) dst(%arg17 : memref<64x128xf32, #tpu.memory_space<vmem>>)
    %dma_wait3A_132 = arith.constant 0 : i32
    %dma_wait3A_133 = arith.constant 0 : i32
    %dma_wait3A_134 = tpu.memref_slice %arg3[%mul3A_4, %dma_wait3A_132, %dma_wait3A_133] : memref<5120x2x64xi32, #tpu.memory_space<hbm>> -> memref<1x2x64xi32, #tpu.memory_space<hbm>>
    %dma_wait3A_135 = tpu.memref_squeeze %dma_wait3A_134 : memref<1x2x64xi32, #tpu.memory_space<hbm>> -> memref<2x64xi32, #tpu.memory_space<hbm>>
    %dma_wait3A_136 = arith.constant 0 : i32
    %dma_wait3A_137 = arith.constant 0 : i32
    %dma_wait3A_138 = tpu.memref_slice %arg3[%mul3A_4, %dma_wait3A_136, %dma_wait3A_137] : memref<5120x2x64xi32, #tpu.memory_space<hbm>> -> memref<1x2x64xi32, #tpu.memory_space<hbm>>
    %dma_wait3A_139 = tpu.memref_squeeze %dma_wait3A_138 : memref<1x2x64xi32, #tpu.memory_space<hbm>> -> memref<2x64xi32, #tpu.memory_space<hbm>>
    tpu.wait_dma2 semaphore(%arg27 : memref<!tpu.dma_semaphore, #tpu.memory_space<semaphore_mem>>) src(%dma_wait3A_139 : memref<2x64xi32, #tpu.memory_space<hbm>>) dst(%arg10 : memref<2x64xi32, #tpu.memory_space<vmem>>)
    %dma_wait3A_140 = arith.constant 0 : i32
    %dma_wait3A_141 = arith.constant 0 : i32
    %dma_wait3A_142 = tpu.memref_slice %arg3[%mul3A_4, %dma_wait3A_140, %dma_wait3A_141] : memref<5120x2x64xi32, #tpu.memory_space<hbm>> -> memref<1x2x64xi32, #tpu.memory_space<hbm>>
    %dma_wait3A_143 = tpu.memref_squeeze %dma_wait3A_142 : memref<1x2x64xi32, #tpu.memory_space<hbm>> -> memref<2x64xi32, #tpu.memory_space<hbm>>
    %dma_wait3A_144 = arith.constant 0 : i32
    %dma_wait3A_145 = arith.constant 0 : i32
    %dma_wait3A_146 = tpu.memref_slice %arg3[%mul3A_4, %dma_wait3A_144, %dma_wait3A_145] : memref<5120x2x64xi32, #tpu.memory_space<hbm>> -> memref<1x2x64xi32, #tpu.memory_space<hbm>>
    %dma_wait3A_147 = tpu.memref_squeeze %dma_wait3A_146 : memref<1x2x64xi32, #tpu.memory_space<hbm>> -> memref<2x64xi32, #tpu.memory_space<hbm>>
    tpu.wait_dma2 semaphore(%arg28 : memref<!tpu.dma_semaphore, #tpu.memory_space<semaphore_mem>>) src(%dma_wait3A_147 : memref<2x64xi32, #tpu.memory_space<hbm>>) dst(%arg11 : memref<2x64xi32, #tpu.memory_space<vmem>>)
    %dma_wait3A_148 = arith.constant 0 : i32
    %dma_wait3A_149 = arith.constant 0 : i32
    %dma_wait3A_150 = tpu.memref_slice %arg3[%mul3A_4, %dma_wait3A_148, %dma_wait3A_149] : memref<5120x2x64xi32, #tpu.memory_space<hbm>> -> memref<1x2x64xi32, #tpu.memory_space<hbm>>
    %dma_wait3A_151 = tpu.memref_squeeze %dma_wait3A_150 : memref<1x2x64xi32, #tpu.memory_space<hbm>> -> memref<2x64xi32, #tpu.memory_space<hbm>>
    %dma_wait3A_152 = arith.constant 0 : i32
    %dma_wait3A_153 = arith.constant 0 : i32
    %dma_wait3A_154 = tpu.memref_slice %arg3[%mul3A_4, %dma_wait3A_152, %dma_wait3A_153] : memref<5120x2x64xi32, #tpu.memory_space<hbm>> -> memref<1x2x64xi32, #tpu.memory_space<hbm>>
    %dma_wait3A_155 = tpu.memref_squeeze %dma_wait3A_154 : memref<1x2x64xi32, #tpu.memory_space<hbm>> -> memref<2x64xi32, #tpu.memory_space<hbm>>
    tpu.wait_dma2 semaphore(%arg29 : memref<!tpu.dma_semaphore, #tpu.memory_space<semaphore_mem>>) src(%dma_wait3A_155 : memref<2x64xi32, #tpu.memory_space<hbm>>) dst(%arg12 : memref<2x64xi32, #tpu.memory_space<vmem>>)
    %dma_wait3A_156 = arith.constant 0 : i32
    %dma_wait3A_157 = arith.constant 0 : i32
    %dma_wait3A_158 = tpu.memref_slice %arg3[%mul3A_4, %dma_wait3A_156, %dma_wait3A_157] : memref<5120x2x64xi32, #tpu.memory_space<hbm>> -> memref<1x2x64xi32, #tpu.memory_space<hbm>>
    %dma_wait3A_159 = tpu.memref_squeeze %dma_wait3A_158 : memref<1x2x64xi32, #tpu.memory_space<hbm>> -> memref<2x64xi32, #tpu.memory_space<hbm>>
    %dma_wait3A_160 = arith.constant 0 : i32
    %dma_wait3A_161 = arith.constant 0 : i32
    %dma_wait3A_162 = tpu.memref_slice %arg3[%mul3A_4, %dma_wait3A_160, %dma_wait3A_161] : memref<5120x2x64xi32, #tpu.memory_space<hbm>> -> memref<1x2x64xi32, #tpu.memory_space<hbm>>
    %dma_wait3A_163 = tpu.memref_squeeze %dma_wait3A_162 : memref<1x2x64xi32, #tpu.memory_space<hbm>> -> memref<2x64xi32, #tpu.memory_space<hbm>>
    tpu.wait_dma2 semaphore(%arg30 : memref<!tpu.dma_semaphore, #tpu.memory_space<semaphore_mem>>) src(%dma_wait3A_163 : memref<2x64xi32, #tpu.memory_space<hbm>>) dst(%arg13 : memref<2x64xi32, #tpu.memory_space<vmem>>)
    %barrier3A_164 = arith.constant 0 : index
    tpu.barrier barrier_id(%barrier3A_164)
    %mul3A_165 = arith.constant 10112 : i32
    %mul3A_166 = arith.muli %arg0, %mul3A_165 : i32
    %add3A_167 = arith.addi %mul3A_166, %mul3A_2 : i32
    %add3A_168 = arith.constant 0 : i32
    %add3A_169 = arith.addi %mul3A_2, %add3A_168 : i32
    "tpu.region"() ({
      %run_scoped3A = tpu.sem_alloc : memref<!tpu.dma_semaphore, #tpu.memory_space<semaphore_mem>>
      %dma_start3A_208 = arith.constant 0 : i32
      %dma_start3A_209 = arith.constant 0 : i32
      %dma_start3A_210 = tpu.memref_slice %arg14[%dma_start3A_208, %dma_start3A_209] : memref<64x128xf32, #tpu.memory_space<vmem>> -> memref<64x128xf32, #tpu.memory_space<vmem>>
      %dma_start3A_211 = arith.constant 0 : i32
      %dma_start3A_212 = tpu.memref_slice %arg18[%add3A_169, %dma_start3A_211] : memref<10112x128xf32, #tpu.memory_space<vmem_shared>> -> memref<64x128xf32, #tpu.memory_space<vmem_shared>>
      %dma_start3A_213 = arith.constant 0 : i32
      %dma_start3A_214 = arith.constant 0 : i32
      %dma_start3A_215 = tpu.memref_slice %arg14[%dma_start3A_213, %dma_start3A_214] : memref<64x128xf32, #tpu.memory_space<vmem>> -> memref<64x128xf32, #tpu.memory_space<vmem>>
      %dma_start3A_216 = arith.constant 0 : i32
      %dma_start3A_217 = tpu.memref_slice %arg18[%add3A_169, %dma_start3A_216] : memref<10112x128xf32, #tpu.memory_space<vmem_shared>> -> memref<64x128xf32, #tpu.memory_space<vmem_shared>>
      tpu.enqueue_dma source(%dma_start3A_217 : memref<64x128xf32, #tpu.memory_space<vmem_shared>>) target(%dma_start3A_215 : memref<64x128xf32, #tpu.memory_space<vmem>>) target_semaphore(%run_scoped3A : memref<!tpu.dma_semaphore, #tpu.memory_space<semaphore_mem>>)
      %dma_wait3A_218 = arith.constant 0 : i32
      %dma_wait3A_219 = arith.constant 0 : i32
      %dma_wait3A_220 = tpu.memref_slice %arg14[%dma_wait3A_218, %dma_wait3A_219] : memref<64x128xf32, #tpu.memory_space<vmem>> -> memref<64x128xf32, #tpu.memory_space<vmem>>
      %dma_wait3A_221 = arith.constant 0 : i32
      %dma_wait3A_222 = tpu.memref_slice %arg18[%add3A_169, %dma_wait3A_221] : memref<10112x128xf32, #tpu.memory_space<vmem_shared>> -> memref<64x128xf32, #tpu.memory_space<vmem_shared>>
      %dma_wait3A_223 = arith.constant 0 : i32
      %dma_wait3A_224 = arith.constant 0 : i32
      %dma_wait3A_225 = tpu.memref_slice %arg14[%dma_wait3A_223, %dma_wait3A_224] : memref<64x128xf32, #tpu.memory_space<vmem>> -> memref<64x128xf32, #tpu.memory_space<vmem>>
      %dma_wait3A_226 = arith.constant 0 : i32
      %dma_wait3A_227 = tpu.memref_slice %arg18[%add3A_169, %dma_wait3A_226] : memref<10112x128xf32, #tpu.memory_space<vmem_shared>> -> memref<64x128xf32, #tpu.memory_space<vmem_shared>>
      tpu.wait_dma2 semaphore(%run_scoped3A : memref<!tpu.dma_semaphore, #tpu.memory_space<semaphore_mem>>) src(%dma_wait3A_227 : memref<64x128xf32, #tpu.memory_space<vmem_shared>>) dst(%dma_wait3A_225 : memref<64x128xf32, #tpu.memory_space<vmem>>)
      tpu.yield
    }) : () -> ()
    %add3A_170 = arith.constant 0 : i32
    %add3A_171 = arith.addi %add3A_167, %add3A_170 : i32
    "tpu.region"() ({
      %run_scoped3A = tpu.sem_alloc : memref<!tpu.dma_semaphore, #tpu.memory_space<semaphore_mem>>
      %dma_start3A_208 = arith.constant 0 : i32
      %dma_start3A_209 = arith.constant 0 : i32
      %dma_start3A_210 = tpu.memref_slice %arg14[%dma_start3A_208, %dma_start3A_209] : memref<64x128xf32, #tpu.memory_space<vmem>> -> memref<64x128xf32, #tpu.memory_space<vmem>>
      %dma_start3A_211 = arith.constant 0 : i32
      %dma_start3A_212 = tpu.memref_slice %arg5[%add3A_171, %dma_start3A_211] : memref<20224x128xf32, #tpu.memory_space<hbm>> -> memref<64x128xf32, #tpu.memory_space<hbm>>
      %dma_start3A_213 = arith.constant 0 : i32
      %dma_start3A_214 = tpu.memref_slice %arg5[%add3A_171, %dma_start3A_213] : memref<20224x128xf32, #tpu.memory_space<hbm>> -> memref<64x128xf32, #tpu.memory_space<hbm>>
      %dma_start3A_215 = arith.constant 0 : i32
      %dma_start3A_216 = arith.constant 0 : i32
      %dma_start3A_217 = tpu.memref_slice %arg14[%dma_start3A_215, %dma_start3A_216] : memref<64x128xf32, #tpu.memory_space<vmem>> -> memref<64x128xf32, #tpu.memory_space<vmem>>
      tpu.enqueue_dma source(%dma_start3A_217 : memref<64x128xf32, #tpu.memory_space<vmem>>) target(%dma_start3A_214 : memref<64x128xf32, #tpu.memory_space<hbm>>) target_semaphore(%run_scoped3A : memref<!tpu.dma_semaphore, #tpu.memory_space<semaphore_mem>>)
      %dma_wait3A_218 = arith.constant 0 : i32
      %dma_wait3A_219 = arith.constant 0 : i32
      %dma_wait3A_220 = tpu.memref_slice %arg14[%dma_wait3A_218, %dma_wait3A_219] : memref<64x128xf32, #tpu.memory_space<vmem>> -> memref<64x128xf32, #tpu.memory_space<vmem>>
      %dma_wait3A_221 = arith.constant 0 : i32
      %dma_wait3A_222 = tpu.memref_slice %arg5[%add3A_171, %dma_wait3A_221] : memref<20224x128xf32, #tpu.memory_space<hbm>> -> memref<64x128xf32, #tpu.memory_space<hbm>>
      %dma_wait3A_223 = arith.constant 0 : i32
      %dma_wait3A_224 = tpu.memref_slice %arg5[%add3A_171, %dma_wait3A_223] : memref<20224x128xf32, #tpu.memory_space<hbm>> -> memref<64x128xf32, #tpu.memory_space<hbm>>
      %dma_wait3A_225 = arith.constant 0 : i32
      %dma_wait3A_226 = arith.constant 0 : i32
      %dma_wait3A_227 = tpu.memref_slice %arg14[%dma_wait3A_225, %dma_wait3A_226] : memref<64x128xf32, #tpu.memory_space<vmem>> -> memref<64x128xf32, #tpu.memory_space<vmem>>
      tpu.wait_dma2 semaphore(%run_scoped3A : memref<!tpu.dma_semaphore, #tpu.memory_space<semaphore_mem>>) src(%dma_wait3A_227 : memref<64x128xf32, #tpu.memory_space<vmem>>) dst(%dma_wait3A_224 : memref<64x128xf32, #tpu.memory_space<hbm>>)
      tpu.yield
    }) : () -> ()
    %add3A_172 = arith.constant 64 : i32
    %add3A_173 = arith.addi %mul3A_2, %add3A_172 : i32
    "tpu.region"() ({
      %run_scoped3A = tpu.sem_alloc : memref<!tpu.dma_semaphore, #tpu.memory_space<semaphore_mem>>
      %dma_start3A_208 = arith.constant 0 : i32
      %dma_start3A_209 = arith.constant 0 : i32
      %dma_start3A_210 = tpu.memref_slice %arg14[%dma_start3A_208, %dma_start3A_209] : memref<64x128xf32, #tpu.memory_space<vmem>> -> memref<64x128xf32, #tpu.memory_space<vmem>>
      %dma_start3A_211 = arith.constant 0 : i32
      %dma_start3A_212 = tpu.memref_slice %arg18[%add3A_173, %dma_start3A_211] : memref<10112x128xf32, #tpu.memory_space<vmem_shared>> -> memref<64x128xf32, #tpu.memory_space<vmem_shared>>
      %dma_start3A_213 = arith.constant 0 : i32
      %dma_start3A_214 = arith.constant 0 : i32
      %dma_start3A_215 = tpu.memref_slice %arg14[%dma_start3A_213, %dma_start3A_214] : memref<64x128xf32, #tpu.memory_space<vmem>> -> memref<64x128xf32, #tpu.memory_space<vmem>>
      %dma_start3A_216 = arith.constant 0 : i32
      %dma_start3A_217 = tpu.memref_slice %arg18[%add3A_173, %dma_start3A_216] : memref<10112x128xf32, #tpu.memory_space<vmem_shared>> -> memref<64x128xf32, #tpu.memory_space<vmem_shared>>
      tpu.enqueue_dma source(%dma_start3A_217 : memref<64x128xf32, #tpu.memory_space<vmem_shared>>) target(%dma_start3A_215 : memref<64x128xf32, #tpu.memory_space<vmem>>) target_semaphore(%run_scoped3A : memref<!tpu.dma_semaphore, #tpu.memory_space<semaphore_mem>>)
      %dma_wait3A_218 = arith.constant 0 : i32
      %dma_wait3A_219 = arith.constant 0 : i32
      %dma_wait3A_220 = tpu.memref_slice %arg14[%dma_wait3A_218, %dma_wait3A_219] : memref<64x128xf32, #tpu.memory_space<vmem>> -> memref<64x128xf32, #tpu.memory_space<vmem>>
      %dma_wait3A_221 = arith.constant 0 : i32
      %dma_wait3A_222 = tpu.memref_slice %arg18[%add3A_173, %dma_wait3A_221] : memref<10112x128xf32, #tpu.memory_space<vmem_shared>> -> memref<64x128xf32, #tpu.memory_space<vmem_shared>>
      %dma_wait3A_223 = arith.constant 0 : i32
      %dma_wait3A_224 = arith.constant 0 : i32
      %dma_wait3A_225 = tpu.memref_slice %arg14[%dma_wait3A_223, %dma_wait3A_224] : memref<64x128xf32, #tpu.memory_space<vmem>> -> memref<64x128xf32, #tpu.memory_space<vmem>>
      %dma_wait3A_226 = arith.constant 0 : i32
      %dma_wait3A_227 = tpu.memref_slice %arg18[%add3A_173, %dma_wait3A_226] : memref<10112x128xf32, #tpu.memory_space<vmem_shared>> -> memref<64x128xf32, #tpu.memory_space<vmem_shared>>
      tpu.wait_dma2 semaphore(%run_scoped3A : memref<!tpu.dma_semaphore, #tpu.memory_space<semaphore_mem>>) src(%dma_wait3A_227 : memref<64x128xf32, #tpu.memory_space<vmem_shared>>) dst(%dma_wait3A_225 : memref<64x128xf32, #tpu.memory_space<vmem>>)
      tpu.yield
    }) : () -> ()
    %add3A_174 = arith.constant 64 : i32
    %add3A_175 = arith.addi %add3A_167, %add3A_174 : i32
    "tpu.region"() ({
      %run_scoped3A = tpu.sem_alloc : memref<!tpu.dma_semaphore, #tpu.memory_space<semaphore_mem>>
      %dma_start3A_208 = arith.constant 0 : i32
      %dma_start3A_209 = arith.constant 0 : i32
      %dma_start3A_210 = tpu.memref_slice %arg14[%dma_start3A_208, %dma_start3A_209] : memref<64x128xf32, #tpu.memory_space<vmem>> -> memref<64x128xf32, #tpu.memory_space<vmem>>
      %dma_start3A_211 = arith.constant 0 : i32
      %dma_start3A_212 = tpu.memref_slice %arg5[%add3A_175, %dma_start3A_211] : memref<20224x128xf32, #tpu.memory_space<hbm>> -> memref<64x128xf32, #tpu.memory_space<hbm>>
      %dma_start3A_213 = arith.constant 0 : i32
      %dma_start3A_214 = tpu.memref_slice %arg5[%add3A_175, %dma_start3A_213] : memref<20224x128xf32, #tpu.memory_space<hbm>> -> memref<64x128xf32, #tpu.memory_space<hbm>>
      %dma_start3A_215 = arith.constant 0 : i32
      %dma_start3A_216 = arith.constant 0 : i32
      %dma_start3A_217 = tpu.memref_slice %arg14[%dma_start3A_215, %dma_start3A_216] : memref<64x128xf32, #tpu.memory_space<vmem>> -> memref<64x128xf32, #tpu.memory_space<vmem>>
      tpu.enqueue_dma source(%dma_start3A_217 : memref<64x128xf32, #tpu.memory_space<vmem>>) target(%dma_start3A_214 : memref<64x128xf32, #tpu.memory_space<hbm>>) target_semaphore(%run_scoped3A : memref<!tpu.dma_semaphore, #tpu.memory_space<semaphore_mem>>)
      %dma_wait3A_218 = arith.constant 0 : i32
      %dma_wait3A_219 = arith.constant 0 : i32
      %dma_wait3A_220 = tpu.memref_slice %arg14[%dma_wait3A_218, %dma_wait3A_219] : memref<64x128xf32, #tpu.memory_space<vmem>> -> memref<64x128xf32, #tpu.memory_space<vmem>>
      %dma_wait3A_221 = arith.constant 0 : i32
      %dma_wait3A_222 = tpu.memref_slice %arg5[%add3A_175, %dma_wait3A_221] : memref<20224x128xf32, #tpu.memory_space<hbm>> -> memref<64x128xf32, #tpu.memory_space<hbm>>
      %dma_wait3A_223 = arith.constant 0 : i32
      %dma_wait3A_224 = tpu.memref_slice %arg5[%add3A_175, %dma_wait3A_223] : memref<20224x128xf32, #tpu.memory_space<hbm>> -> memref<64x128xf32, #tpu.memory_space<hbm>>
      %dma_wait3A_225 = arith.constant 0 : i32
      %dma_wait3A_226 = arith.constant 0 : i32
      %dma_wait3A_227 = tpu.memref_slice %arg14[%dma_wait3A_225, %dma_wait3A_226] : memref<64x128xf32, #tpu.memory_space<vmem>> -> memref<64x128xf32, #tpu.memory_space<vmem>>
      tpu.wait_dma2 semaphore(%run_scoped3A : memref<!tpu.dma_semaphore, #tpu.memory_space<semaphore_mem>>) src(%dma_wait3A_227 : memref<64x128xf32, #tpu.memory_space<vmem>>) dst(%dma_wait3A_224 : memref<64x128xf32, #tpu.memory_space<hbm>>)
      tpu.yield
    }) : () -> ()
    %add3A_176 = arith.constant 128 : i32
    %add3A_177 = arith.addi %mul3A_2, %add3A_176 : i32
    "tpu.region"() ({
      %run_scoped3A = tpu.sem_alloc : memref<!tpu.dma_semaphore, #tpu.memory_space<semaphore_mem>>
      %dma_start3A_208 = arith.constant 0 : i32
      %dma_start3A_209 = arith.constant 0 : i32
      %dma_start3A_210 = tpu.memref_slice %arg14[%dma_start3A_208, %dma_start3A_209] : memref<64x128xf32, #tpu.memory_space<vmem>> -> memref<64x128xf32, #tpu.memory_space<vmem>>
      %dma_start3A_211 = arith.constant 0 : i32
      %dma_start3A_212 = tpu.memref_slice %arg18[%add3A_177, %dma_start3A_211] : memref<10112x128xf32, #tpu.memory_space<vmem_shared>> -> memref<64x128xf32, #tpu.memory_space<vmem_shared>>
      %dma_start3A_213 = arith.constant 0 : i32
      %dma_start3A_214 = arith.constant 0 : i32
      %dma_start3A_215 = tpu.memref_slice %arg14[%dma_start3A_213, %dma_start3A_214] : memref<64x128xf32, #tpu.memory_space<vmem>> -> memref<64x128xf32, #tpu.memory_space<vmem>>
      %dma_start3A_216 = arith.constant 0 : i32
      %dma_start3A_217 = tpu.memref_slice %arg18[%add3A_177, %dma_start3A_216] : memref<10112x128xf32, #tpu.memory_space<vmem_shared>> -> memref<64x128xf32, #tpu.memory_space<vmem_shared>>
      tpu.enqueue_dma source(%dma_start3A_217 : memref<64x128xf32, #tpu.memory_space<vmem_shared>>) target(%dma_start3A_215 : memref<64x128xf32, #tpu.memory_space<vmem>>) target_semaphore(%run_scoped3A : memref<!tpu.dma_semaphore, #tpu.memory_space<semaphore_mem>>)
      %dma_wait3A_218 = arith.constant 0 : i32
      %dma_wait3A_219 = arith.constant 0 : i32
      %dma_wait3A_220 = tpu.memref_slice %arg14[%dma_wait3A_218, %dma_wait3A_219] : memref<64x128xf32, #tpu.memory_space<vmem>> -> memref<64x128xf32, #tpu.memory_space<vmem>>
      %dma_wait3A_221 = arith.constant 0 : i32
      %dma_wait3A_222 = tpu.memref_slice %arg18[%add3A_177, %dma_wait3A_221] : memref<10112x128xf32, #tpu.memory_space<vmem_shared>> -> memref<64x128xf32, #tpu.memory_space<vmem_shared>>
      %dma_wait3A_223 = arith.constant 0 : i32
      %dma_wait3A_224 = arith.constant 0 : i32
      %dma_wait3A_225 = tpu.memref_slice %arg14[%dma_wait3A_223, %dma_wait3A_224] : memref<64x128xf32, #tpu.memory_space<vmem>> -> memref<64x128xf32, #tpu.memory_space<vmem>>
      %dma_wait3A_226 = arith.constant 0 : i32
      %dma_wait3A_227 = tpu.memref_slice %arg18[%add3A_177, %dma_wait3A_226] : memref<10112x128xf32, #tpu.memory_space<vmem_shared>> -> memref<64x128xf32, #tpu.memory_space<vmem_shared>>
      tpu.wait_dma2 semaphore(%run_scoped3A : memref<!tpu.dma_semaphore, #tpu.memory_space<semaphore_mem>>) src(%dma_wait3A_227 : memref<64x128xf32, #tpu.memory_space<vmem_shared>>) dst(%dma_wait3A_225 : memref<64x128xf32, #tpu.memory_space<vmem>>)
      tpu.yield
    }) : () -> ()
    %add3A_178 = arith.constant 128 : i32
    %add3A_179 = arith.addi %add3A_167, %add3A_178 : i32
    "tpu.region"() ({
      %run_scoped3A = tpu.sem_alloc : memref<!tpu.dma_semaphore, #tpu.memory_space<semaphore_mem>>
      %dma_start3A_208 = arith.constant 0 : i32
      %dma_start3A_209 = arith.constant 0 : i32
      %dma_start3A_210 = tpu.memref_slice %arg14[%dma_start3A_208, %dma_start3A_209] : memref<64x128xf32, #tpu.memory_space<vmem>> -> memref<64x128xf32, #tpu.memory_space<vmem>>
      %dma_start3A_211 = arith.constant 0 : i32
      %dma_start3A_212 = tpu.memref_slice %arg5[%add3A_179, %dma_start3A_211] : memref<20224x128xf32, #tpu.memory_space<hbm>> -> memref<64x128xf32, #tpu.memory_space<hbm>>
      %dma_start3A_213 = arith.constant 0 : i32
      %dma_start3A_214 = tpu.memref_slice %arg5[%add3A_179, %dma_start3A_213] : memref<20224x128xf32, #tpu.memory_space<hbm>> -> memref<64x128xf32, #tpu.memory_space<hbm>>
      %dma_start3A_215 = arith.constant 0 : i32
      %dma_start3A_216 = arith.constant 0 : i32
      %dma_start3A_217 = tpu.memref_slice %arg14[%dma_start3A_215, %dma_start3A_216] : memref<64x128xf32, #tpu.memory_space<vmem>> -> memref<64x128xf32, #tpu.memory_space<vmem>>
      tpu.enqueue_dma source(%dma_start3A_217 : memref<64x128xf32, #tpu.memory_space<vmem>>) target(%dma_start3A_214 : memref<64x128xf32, #tpu.memory_space<hbm>>) target_semaphore(%run_scoped3A : memref<!tpu.dma_semaphore, #tpu.memory_space<semaphore_mem>>)
      %dma_wait3A_218 = arith.constant 0 : i32
      %dma_wait3A_219 = arith.constant 0 : i32
      %dma_wait3A_220 = tpu.memref_slice %arg14[%dma_wait3A_218, %dma_wait3A_219] : memref<64x128xf32, #tpu.memory_space<vmem>> -> memref<64x128xf32, #tpu.memory_space<vmem>>
      %dma_wait3A_221 = arith.constant 0 : i32
      %dma_wait3A_222 = tpu.memref_slice %arg5[%add3A_179, %dma_wait3A_221] : memref<20224x128xf32, #tpu.memory_space<hbm>> -> memref<64x128xf32, #tpu.memory_space<hbm>>
      %dma_wait3A_223 = arith.constant 0 : i32
      %dma_wait3A_224 = tpu.memref_slice %arg5[%add3A_179, %dma_wait3A_223] : memref<20224x128xf32, #tpu.memory_space<hbm>> -> memref<64x128xf32, #tpu.memory_space<hbm>>
      %dma_wait3A_225 = arith.constant 0 : i32
      %dma_wait3A_226 = arith.constant 0 : i32
      %dma_wait3A_227 = tpu.memref_slice %arg14[%dma_wait3A_225, %dma_wait3A_226] : memref<64x128xf32, #tpu.memory_space<vmem>> -> memref<64x128xf32, #tpu.memory_space<vmem>>
      tpu.wait_dma2 semaphore(%run_scoped3A : memref<!tpu.dma_semaphore, #tpu.memory_space<semaphore_mem>>) src(%dma_wait3A_227 : memref<64x128xf32, #tpu.memory_space<vmem>>) dst(%dma_wait3A_224 : memref<64x128xf32, #tpu.memory_space<hbm>>)
      tpu.yield
    }) : () -> ()
    %add3A_180 = arith.constant 192 : i32
    %add3A_181 = arith.addi %mul3A_2, %add3A_180 : i32
    "tpu.region"() ({
      %run_scoped3A = tpu.sem_alloc : memref<!tpu.dma_semaphore, #tpu.memory_space<semaphore_mem>>
      %dma_start3A_208 = arith.constant 0 : i32
      %dma_start3A_209 = arith.constant 0 : i32
      %dma_start3A_210 = tpu.memref_slice %arg14[%dma_start3A_208, %dma_start3A_209] : memref<64x128xf32, #tpu.memory_space<vmem>> -> memref<64x128xf32, #tpu.memory_space<vmem>>
      %dma_start3A_211 = arith.constant 0 : i32
      %dma_start3A_212 = tpu.memref_slice %arg18[%add3A_181, %dma_start3A_211] : memref<10112x128xf32, #tpu.memory_space<vmem_shared>> -> memref<64x128xf32, #tpu.memory_space<vmem_shared>>
      %dma_start3A_213 = arith.constant 0 : i32
      %dma_start3A_214 = arith.constant 0 : i32
      %dma_start3A_215 = tpu.memref_slice %arg14[%dma_start3A_213, %dma_start3A_214] : memref<64x128xf32, #tpu.memory_space<vmem>> -> memref<64x128xf32, #tpu.memory_space<vmem>>
      %dma_start3A_216 = arith.constant 0 : i32
      %dma_start3A_217 = tpu.memref_slice %arg18[%add3A_181, %dma_start3A_216] : memref<10112x128xf32, #tpu.memory_space<vmem_shared>> -> memref<64x128xf32, #tpu.memory_space<vmem_shared>>
      tpu.enqueue_dma source(%dma_start3A_217 : memref<64x128xf32, #tpu.memory_space<vmem_shared>>) target(%dma_start3A_215 : memref<64x128xf32, #tpu.memory_space<vmem>>) target_semaphore(%run_scoped3A : memref<!tpu.dma_semaphore, #tpu.memory_space<semaphore_mem>>)
      %dma_wait3A_218 = arith.constant 0 : i32
      %dma_wait3A_219 = arith.constant 0 : i32
      %dma_wait3A_220 = tpu.memref_slice %arg14[%dma_wait3A_218, %dma_wait3A_219] : memref<64x128xf32, #tpu.memory_space<vmem>> -> memref<64x128xf32, #tpu.memory_space<vmem>>
      %dma_wait3A_221 = arith.constant 0 : i32
      %dma_wait3A_222 = tpu.memref_slice %arg18[%add3A_181, %dma_wait3A_221] : memref<10112x128xf32, #tpu.memory_space<vmem_shared>> -> memref<64x128xf32, #tpu.memory_space<vmem_shared>>
      %dma_wait3A_223 = arith.constant 0 : i32
      %dma_wait3A_224 = arith.constant 0 : i32
      %dma_wait3A_225 = tpu.memref_slice %arg14[%dma_wait3A_223, %dma_wait3A_224] : memref<64x128xf32, #tpu.memory_space<vmem>> -> memref<64x128xf32, #tpu.memory_space<vmem>>
      %dma_wait3A_226 = arith.constant 0 : i32
      %dma_wait3A_227 = tpu.memref_slice %arg18[%add3A_181, %dma_wait3A_226] : memref<10112x128xf32, #tpu.memory_space<vmem_shared>> -> memref<64x128xf32, #tpu.memory_space<vmem_shared>>
      tpu.wait_dma2 semaphore(%run_scoped3A : memref<!tpu.dma_semaphore, #tpu.memory_space<semaphore_mem>>) src(%dma_wait3A_227 : memref<64x128xf32, #tpu.memory_space<vmem_shared>>) dst(%dma_wait3A_225 : memref<64x128xf32, #tpu.memory_space<vmem>>)
      tpu.yield
    }) : () -> ()
    %add3A_182 = arith.constant 192 : i32
    %add3A_183 = arith.addi %add3A_167, %add3A_182 : i32
    "tpu.region"() ({
      %run_scoped3A = tpu.sem_alloc : memref<!tpu.dma_semaphore, #tpu.memory_space<semaphore_mem>>
      %dma_start3A_208 = arith.constant 0 : i32
      %dma_start3A_209 = arith.constant 0 : i32
      %dma_start3A_210 = tpu.memref_slice %arg14[%dma_start3A_208, %dma_start3A_209] : memref<64x128xf32, #tpu.memory_space<vmem>> -> memref<64x128xf32, #tpu.memory_space<vmem>>
      %dma_start3A_211 = arith.constant 0 : i32
      %dma_start3A_212 = tpu.memref_slice %arg5[%add3A_183, %dma_start3A_211] : memref<20224x128xf32, #tpu.memory_space<hbm>> -> memref<64x128xf32, #tpu.memory_space<hbm>>
      %dma_start3A_213 = arith.constant 0 : i32
      %dma_start3A_214 = tpu.memref_slice %arg5[%add3A_183, %dma_start3A_213] : memref<20224x128xf32, #tpu.memory_space<hbm>> -> memref<64x128xf32, #tpu.memory_space<hbm>>
      %dma_start3A_215 = arith.constant 0 : i32
      %dma_start3A_216 = arith.constant 0 : i32
      %dma_start3A_217 = tpu.memref_slice %arg14[%dma_start3A_215, %dma_start3A_216] : memref<64x128xf32, #tpu.memory_space<vmem>> -> memref<64x128xf32, #tpu.memory_space<vmem>>
      tpu.enqueue_dma source(%dma_start3A_217 : memref<64x128xf32, #tpu.memory_space<vmem>>) target(%dma_start3A_214 : memref<64x128xf32, #tpu.memory_space<hbm>>) target_semaphore(%run_scoped3A : memref<!tpu.dma_semaphore, #tpu.memory_space<semaphore_mem>>)
      %dma_wait3A_218 = arith.constant 0 : i32
      %dma_wait3A_219 = arith.constant 0 : i32
      %dma_wait3A_220 = tpu.memref_slice %arg14[%dma_wait3A_218, %dma_wait3A_219] : memref<64x128xf32, #tpu.memory_space<vmem>> -> memref<64x128xf32, #tpu.memory_space<vmem>>
      %dma_wait3A_221 = arith.constant 0 : i32
      %dma_wait3A_222 = tpu.memref_slice %arg5[%add3A_183, %dma_wait3A_221] : memref<20224x128xf32, #tpu.memory_space<hbm>> -> memref<64x128xf32, #tpu.memory_space<hbm>>
      %dma_wait3A_223 = arith.constant 0 : i32
      %dma_wait3A_224 = tpu.memref_slice %arg5[%add3A_183, %dma_wait3A_223] : memref<20224x128xf32, #tpu.memory_space<hbm>> -> memref<64x128xf32, #tpu.memory_space<hbm>>
      %dma_wait3A_225 = arith.constant 0 : i32
      %dma_wait3A_226 = arith.constant 0 : i32
      %dma_wait3A_227 = tpu.memref_slice %arg14[%dma_wait3A_225, %dma_wait3A_226] : memref<64x128xf32, #tpu.memory_space<vmem>> -> memref<64x128xf32, #tpu.memory_space<vmem>>
      tpu.wait_dma2 semaphore(%run_scoped3A : memref<!tpu.dma_semaphore, #tpu.memory_space<semaphore_mem>>) src(%dma_wait3A_227 : memref<64x128xf32, #tpu.memory_space<vmem>>) dst(%dma_wait3A_224 : memref<64x128xf32, #tpu.memory_space<hbm>>)
      tpu.yield
    }) : () -> ()
    %add3A_184 = arith.constant 256 : i32
    %add3A_185 = arith.addi %mul3A_2, %add3A_184 : i32
    "tpu.region"() ({
      %run_scoped3A = tpu.sem_alloc : memref<!tpu.dma_semaphore, #tpu.memory_space<semaphore_mem>>
      %dma_start3A_208 = arith.constant 0 : i32
      %dma_start3A_209 = arith.constant 0 : i32
      %dma_start3A_210 = tpu.memref_slice %arg14[%dma_start3A_208, %dma_start3A_209] : memref<64x128xf32, #tpu.memory_space<vmem>> -> memref<64x128xf32, #tpu.memory_space<vmem>>
      %dma_start3A_211 = arith.constant 0 : i32
      %dma_start3A_212 = tpu.memref_slice %arg18[%add3A_185, %dma_start3A_211] : memref<10112x128xf32, #tpu.memory_space<vmem_shared>> -> memref<64x128xf32, #tpu.memory_space<vmem_shared>>
      %dma_start3A_213 = arith.constant 0 : i32
      %dma_start3A_214 = arith.constant 0 : i32
      %dma_start3A_215 = tpu.memref_slice %arg14[%dma_start3A_213, %dma_start3A_214] : memref<64x128xf32, #tpu.memory_space<vmem>> -> memref<64x128xf32, #tpu.memory_space<vmem>>
      %dma_start3A_216 = arith.constant 0 : i32
      %dma_start3A_217 = tpu.memref_slice %arg18[%add3A_185, %dma_start3A_216] : memref<10112x128xf32, #tpu.memory_space<vmem_shared>> -> memref<64x128xf32, #tpu.memory_space<vmem_shared>>
      tpu.enqueue_dma source(%dma_start3A_217 : memref<64x128xf32, #tpu.memory_space<vmem_shared>>) target(%dma_start3A_215 : memref<64x128xf32, #tpu.memory_space<vmem>>) target_semaphore(%run_scoped3A : memref<!tpu.dma_semaphore, #tpu.memory_space<semaphore_mem>>)
      %dma_wait3A_218 = arith.constant 0 : i32
      %dma_wait3A_219 = arith.constant 0 : i32
      %dma_wait3A_220 = tpu.memref_slice %arg14[%dma_wait3A_218, %dma_wait3A_219] : memref<64x128xf32, #tpu.memory_space<vmem>> -> memref<64x128xf32, #tpu.memory_space<vmem>>
      %dma_wait3A_221 = arith.constant 0 : i32
      %dma_wait3A_222 = tpu.memref_slice %arg18[%add3A_185, %dma_wait3A_221] : memref<10112x128xf32, #tpu.memory_space<vmem_shared>> -> memref<64x128xf32, #tpu.memory_space<vmem_shared>>
      %dma_wait3A_223 = arith.constant 0 : i32
      %dma_wait3A_224 = arith.constant 0 : i32
      %dma_wait3A_225 = tpu.memref_slice %arg14[%dma_wait3A_223, %dma_wait3A_224] : memref<64x128xf32, #tpu.memory_space<vmem>> -> memref<64x128xf32, #tpu.memory_space<vmem>>
      %dma_wait3A_226 = arith.constant 0 : i32
      %dma_wait3A_227 = tpu.memref_slice %arg18[%add3A_185, %dma_wait3A_226] : memref<10112x128xf32, #tpu.memory_space<vmem_shared>> -> memref<64x128xf32, #tpu.memory_space<vmem_shared>>
      tpu.wait_dma2 semaphore(%run_scoped3A : memref<!tpu.dma_semaphore, #tpu.memory_space<semaphore_mem>>) src(%dma_wait3A_227 : memref<64x128xf32, #tpu.memory_space<vmem_shared>>) dst(%dma_wait3A_225 : memref<64x128xf32, #tpu.memory_space<vmem>>)
      tpu.yield
    }) : () -> ()
    %add3A_186 = arith.constant 256 : i32
    %add3A_187 = arith.addi %add3A_167, %add3A_186 : i32
    "tpu.region"() ({
      %run_scoped3A = tpu.sem_alloc : memref<!tpu.dma_semaphore, #tpu.memory_space<semaphore_mem>>
      %dma_start3A_208 = arith.constant 0 : i32
      %dma_start3A_209 = arith.constant 0 : i32
      %dma_start3A_210 = tpu.memref_slice %arg14[%dma_start3A_208, %dma_start3A_209] : memref<64x128xf32, #tpu.memory_space<vmem>> -> memref<64x128xf32, #tpu.memory_space<vmem>>
      %dma_start3A_211 = arith.constant 0 : i32
      %dma_start3A_212 = tpu.memref_slice %arg5[%add3A_187, %dma_start3A_211] : memref<20224x128xf32, #tpu.memory_space<hbm>> -> memref<64x128xf32, #tpu.memory_space<hbm>>
      %dma_start3A_213 = arith.constant 0 : i32
      %dma_start3A_214 = tpu.memref_slice %arg5[%add3A_187, %dma_start3A_213] : memref<20224x128xf32, #tpu.memory_space<hbm>> -> memref<64x128xf32, #tpu.memory_space<hbm>>
      %dma_start3A_215 = arith.constant 0 : i32
      %dma_start3A_216 = arith.constant 0 : i32
      %dma_start3A_217 = tpu.memref_slice %arg14[%dma_start3A_215, %dma_start3A_216] : memref<64x128xf32, #tpu.memory_space<vmem>> -> memref<64x128xf32, #tpu.memory_space<vmem>>
      tpu.enqueue_dma source(%dma_start3A_217 : memref<64x128xf32, #tpu.memory_space<vmem>>) target(%dma_start3A_214 : memref<64x128xf32, #tpu.memory_space<hbm>>) target_semaphore(%run_scoped3A : memref<!tpu.dma_semaphore, #tpu.memory_space<semaphore_mem>>)
      %dma_wait3A_218 = arith.constant 0 : i32
      %dma_wait3A_219 = arith.constant 0 : i32
      %dma_wait3A_220 = tpu.memref_slice %arg14[%dma_wait3A_218, %dma_wait3A_219] : memref<64x128xf32, #tpu.memory_space<vmem>> -> memref<64x128xf32, #tpu.memory_space<vmem>>
      %dma_wait3A_221 = arith.constant 0 : i32
      %dma_wait3A_222 = tpu.memref_slice %arg5[%add3A_187, %dma_wait3A_221] : memref<20224x128xf32, #tpu.memory_space<hbm>> -> memref<64x128xf32, #tpu.memory_space<hbm>>
      %dma_wait3A_223 = arith.constant 0 : i32
      %dma_wait3A_224 = tpu.memref_slice %arg5[%add3A_187, %dma_wait3A_223] : memref<20224x128xf32, #tpu.memory_space<hbm>> -> memref<64x128xf32, #tpu.memory_space<hbm>>
      %dma_wait3A_225 = arith.constant 0 : i32
      %dma_wait3A_226 = arith.constant 0 : i32
      %dma_wait3A_227 = tpu.memref_slice %arg14[%dma_wait3A_225, %dma_wait3A_226] : memref<64x128xf32, #tpu.memory_space<vmem>> -> memref<64x128xf32, #tpu.memory_space<vmem>>
      tpu.wait_dma2 semaphore(%run_scoped3A : memref<!tpu.dma_semaphore, #tpu.memory_space<semaphore_mem>>) src(%dma_wait3A_227 : memref<64x128xf32, #tpu.memory_space<vmem>>) dst(%dma_wait3A_224 : memref<64x128xf32, #tpu.memory_space<hbm>>)
      tpu.yield
    }) : () -> ()
    %add3A_188 = arith.constant 320 : i32
    %add3A_189 = arith.addi %mul3A_2, %add3A_188 : i32
    "tpu.region"() ({
      %run_scoped3A = tpu.sem_alloc : memref<!tpu.dma_semaphore, #tpu.memory_space<semaphore_mem>>
      %dma_start3A_208 = arith.constant 0 : i32
      %dma_start3A_209 = arith.constant 0 : i32
      %dma_start3A_210 = tpu.memref_slice %arg14[%dma_start3A_208, %dma_start3A_209] : memref<64x128xf32, #tpu.memory_space<vmem>> -> memref<64x128xf32, #tpu.memory_space<vmem>>
      %dma_start3A_211 = arith.constant 0 : i32
      %dma_start3A_212 = tpu.memref_slice %arg18[%add3A_189, %dma_start3A_211] : memref<10112x128xf32, #tpu.memory_space<vmem_shared>> -> memref<64x128xf32, #tpu.memory_space<vmem_shared>>
      %dma_start3A_213 = arith.constant 0 : i32
      %dma_start3A_214 = arith.constant 0 : i32
      %dma_start3A_215 = tpu.memref_slice %arg14[%dma_start3A_213, %dma_start3A_214] : memref<64x128xf32, #tpu.memory_space<vmem>> -> memref<64x128xf32, #tpu.memory_space<vmem>>
      %dma_start3A_216 = arith.constant 0 : i32
      %dma_start3A_217 = tpu.memref_slice %arg18[%add3A_189, %dma_start3A_216] : memref<10112x128xf32, #tpu.memory_space<vmem_shared>> -> memref<64x128xf32, #tpu.memory_space<vmem_shared>>
      tpu.enqueue_dma source(%dma_start3A_217 : memref<64x128xf32, #tpu.memory_space<vmem_shared>>) target(%dma_start3A_215 : memref<64x128xf32, #tpu.memory_space<vmem>>) target_semaphore(%run_scoped3A : memref<!tpu.dma_semaphore, #tpu.memory_space<semaphore_mem>>)
      %dma_wait3A_218 = arith.constant 0 : i32
      %dma_wait3A_219 = arith.constant 0 : i32
      %dma_wait3A_220 = tpu.memref_slice %arg14[%dma_wait3A_218, %dma_wait3A_219] : memref<64x128xf32, #tpu.memory_space<vmem>> -> memref<64x128xf32, #tpu.memory_space<vmem>>
      %dma_wait3A_221 = arith.constant 0 : i32
      %dma_wait3A_222 = tpu.memref_slice %arg18[%add3A_189, %dma_wait3A_221] : memref<10112x128xf32, #tpu.memory_space<vmem_shared>> -> memref<64x128xf32, #tpu.memory_space<vmem_shared>>
      %dma_wait3A_223 = arith.constant 0 : i32
      %dma_wait3A_224 = arith.constant 0 : i32
      %dma_wait3A_225 = tpu.memref_slice %arg14[%dma_wait3A_223, %dma_wait3A_224] : memref<64x128xf32, #tpu.memory_space<vmem>> -> memref<64x128xf32, #tpu.memory_space<vmem>>
      %dma_wait3A_226 = arith.constant 0 : i32
      %dma_wait3A_227 = tpu.memref_slice %arg18[%add3A_189, %dma_wait3A_226] : memref<10112x128xf32, #tpu.memory_space<vmem_shared>> -> memref<64x128xf32, #tpu.memory_space<vmem_shared>>
      tpu.wait_dma2 semaphore(%run_scoped3A : memref<!tpu.dma_semaphore, #tpu.memory_space<semaphore_mem>>) src(%dma_wait3A_227 : memref<64x128xf32, #tpu.memory_space<vmem_shared>>) dst(%dma_wait3A_225 : memref<64x128xf32, #tpu.memory_space<vmem>>)
      tpu.yield
    }) : () -> ()
    %add3A_190 = arith.constant 320 : i32
    %add3A_191 = arith.addi %add3A_167, %add3A_190 : i32
    "tpu.region"() ({
      %run_scoped3A = tpu.sem_alloc : memref<!tpu.dma_semaphore, #tpu.memory_space<semaphore_mem>>
      %dma_start3A_208 = arith.constant 0 : i32
      %dma_start3A_209 = arith.constant 0 : i32
      %dma_start3A_210 = tpu.memref_slice %arg14[%dma_start3A_208, %dma_start3A_209] : memref<64x128xf32, #tpu.memory_space<vmem>> -> memref<64x128xf32, #tpu.memory_space<vmem>>
      %dma_start3A_211 = arith.constant 0 : i32
      %dma_start3A_212 = tpu.memref_slice %arg5[%add3A_191, %dma_start3A_211] : memref<20224x128xf32, #tpu.memory_space<hbm>> -> memref<64x128xf32, #tpu.memory_space<hbm>>
      %dma_start3A_213 = arith.constant 0 : i32
      %dma_start3A_214 = tpu.memref_slice %arg5[%add3A_191, %dma_start3A_213] : memref<20224x128xf32, #tpu.memory_space<hbm>> -> memref<64x128xf32, #tpu.memory_space<hbm>>
      %dma_start3A_215 = arith.constant 0 : i32
      %dma_start3A_216 = arith.constant 0 : i32
      %dma_start3A_217 = tpu.memref_slice %arg14[%dma_start3A_215, %dma_start3A_216] : memref<64x128xf32, #tpu.memory_space<vmem>> -> memref<64x128xf32, #tpu.memory_space<vmem>>
      tpu.enqueue_dma source(%dma_start3A_217 : memref<64x128xf32, #tpu.memory_space<vmem>>) target(%dma_start3A_214 : memref<64x128xf32, #tpu.memory_space<hbm>>) target_semaphore(%run_scoped3A : memref<!tpu.dma_semaphore, #tpu.memory_space<semaphore_mem>>)
      %dma_wait3A_218 = arith.constant 0 : i32
      %dma_wait3A_219 = arith.constant 0 : i32
      %dma_wait3A_220 = tpu.memref_slice %arg14[%dma_wait3A_218, %dma_wait3A_219] : memref<64x128xf32, #tpu.memory_space<vmem>> -> memref<64x128xf32, #tpu.memory_space<vmem>>
      %dma_wait3A_221 = arith.constant 0 : i32
      %dma_wait3A_222 = tpu.memref_slice %arg5[%add3A_191, %dma_wait3A_221] : memref<20224x128xf32, #tpu.memory_space<hbm>> -> memref<64x128xf32, #tpu.memory_space<hbm>>
      %dma_wait3A_223 = arith.constant 0 : i32
      %dma_wait3A_224 = tpu.memref_slice %arg5[%add3A_191, %dma_wait3A_223] : memref<20224x128xf32, #tpu.memory_space<hbm>> -> memref<64x128xf32, #tpu.memory_space<hbm>>
      %dma_wait3A_225 = arith.constant 0 : i32
      %dma_wait3A_226 = arith.constant 0 : i32
      %dma_wait3A_227 = tpu.memref_slice %arg14[%dma_wait3A_225, %dma_wait3A_226] : memref<64x128xf32, #tpu.memory_space<vmem>> -> memref<64x128xf32, #tpu.memory_space<vmem>>
      tpu.wait_dma2 semaphore(%run_scoped3A : memref<!tpu.dma_semaphore, #tpu.memory_space<semaphore_mem>>) src(%dma_wait3A_227 : memref<64x128xf32, #tpu.memory_space<vmem>>) dst(%dma_wait3A_224 : memref<64x128xf32, #tpu.memory_space<hbm>>)
      tpu.yield
    }) : () -> ()
    %add3A_192 = arith.constant 384 : i32
    %add3A_193 = arith.addi %mul3A_2, %add3A_192 : i32
    "tpu.region"() ({
      %run_scoped3A = tpu.sem_alloc : memref<!tpu.dma_semaphore, #tpu.memory_space<semaphore_mem>>
      %dma_start3A_208 = arith.constant 0 : i32
      %dma_start3A_209 = arith.constant 0 : i32
      %dma_start3A_210 = tpu.memref_slice %arg14[%dma_start3A_208, %dma_start3A_209] : memref<64x128xf32, #tpu.memory_space<vmem>> -> memref<64x128xf32, #tpu.memory_space<vmem>>
      %dma_start3A_211 = arith.constant 0 : i32
      %dma_start3A_212 = tpu.memref_slice %arg18[%add3A_193, %dma_start3A_211] : memref<10112x128xf32, #tpu.memory_space<vmem_shared>> -> memref<64x128xf32, #tpu.memory_space<vmem_shared>>
      %dma_start3A_213 = arith.constant 0 : i32
      %dma_start3A_214 = arith.constant 0 : i32
      %dma_start3A_215 = tpu.memref_slice %arg14[%dma_start3A_213, %dma_start3A_214] : memref<64x128xf32, #tpu.memory_space<vmem>> -> memref<64x128xf32, #tpu.memory_space<vmem>>
      %dma_start3A_216 = arith.constant 0 : i32
      %dma_start3A_217 = tpu.memref_slice %arg18[%add3A_193, %dma_start3A_216] : memref<10112x128xf32, #tpu.memory_space<vmem_shared>> -> memref<64x128xf32, #tpu.memory_space<vmem_shared>>
      tpu.enqueue_dma source(%dma_start3A_217 : memref<64x128xf32, #tpu.memory_space<vmem_shared>>) target(%dma_start3A_215 : memref<64x128xf32, #tpu.memory_space<vmem>>) target_semaphore(%run_scoped3A : memref<!tpu.dma_semaphore, #tpu.memory_space<semaphore_mem>>)
      %dma_wait3A_218 = arith.constant 0 : i32
      %dma_wait3A_219 = arith.constant 0 : i32
      %dma_wait3A_220 = tpu.memref_slice %arg14[%dma_wait3A_218, %dma_wait3A_219] : memref<64x128xf32, #tpu.memory_space<vmem>> -> memref<64x128xf32, #tpu.memory_space<vmem>>
      %dma_wait3A_221 = arith.constant 0 : i32
      %dma_wait3A_222 = tpu.memref_slice %arg18[%add3A_193, %dma_wait3A_221] : memref<10112x128xf32, #tpu.memory_space<vmem_shared>> -> memref<64x128xf32, #tpu.memory_space<vmem_shared>>
      %dma_wait3A_223 = arith.constant 0 : i32
      %dma_wait3A_224 = arith.constant 0 : i32
      %dma_wait3A_225 = tpu.memref_slice %arg14[%dma_wait3A_223, %dma_wait3A_224] : memref<64x128xf32, #tpu.memory_space<vmem>> -> memref<64x128xf32, #tpu.memory_space<vmem>>
      %dma_wait3A_226 = arith.constant 0 : i32
      %dma_wait3A_227 = tpu.memref_slice %arg18[%add3A_193, %dma_wait3A_226] : memref<10112x128xf32, #tpu.memory_space<vmem_shared>> -> memref<64x128xf32, #tpu.memory_space<vmem_shared>>
      tpu.wait_dma2 semaphore(%run_scoped3A : memref<!tpu.dma_semaphore, #tpu.memory_space<semaphore_mem>>) src(%dma_wait3A_227 : memref<64x128xf32, #tpu.memory_space<vmem_shared>>) dst(%dma_wait3A_225 : memref<64x128xf32, #tpu.memory_space<vmem>>)
      tpu.yield
    }) : () -> ()
    %add3A_194 = arith.constant 384 : i32
    %add3A_195 = arith.addi %add3A_167, %add3A_194 : i32
    "tpu.region"() ({
      %run_scoped3A = tpu.sem_alloc : memref<!tpu.dma_semaphore, #tpu.memory_space<semaphore_mem>>
      %dma_start3A_208 = arith.constant 0 : i32
      %dma_start3A_209 = arith.constant 0 : i32
      %dma_start3A_210 = tpu.memref_slice %arg14[%dma_start3A_208, %dma_start3A_209] : memref<64x128xf32, #tpu.memory_space<vmem>> -> memref<64x128xf32, #tpu.memory_space<vmem>>
      %dma_start3A_211 = arith.constant 0 : i32
      %dma_start3A_212 = tpu.memref_slice %arg5[%add3A_195, %dma_start3A_211] : memref<20224x128xf32, #tpu.memory_space<hbm>> -> memref<64x128xf32, #tpu.memory_space<hbm>>
      %dma_start3A_213 = arith.constant 0 : i32
      %dma_start3A_214 = tpu.memref_slice %arg5[%add3A_195, %dma_start3A_213] : memref<20224x128xf32, #tpu.memory_space<hbm>> -> memref<64x128xf32, #tpu.memory_space<hbm>>
      %dma_start3A_215 = arith.constant 0 : i32
      %dma_start3A_216 = arith.constant 0 : i32
      %dma_start3A_217 = tpu.memref_slice %arg14[%dma_start3A_215, %dma_start3A_216] : memref<64x128xf32, #tpu.memory_space<vmem>> -> memref<64x128xf32, #tpu.memory_space<vmem>>
      tpu.enqueue_dma source(%dma_start3A_217 : memref<64x128xf32, #tpu.memory_space<vmem>>) target(%dma_start3A_214 : memref<64x128xf32, #tpu.memory_space<hbm>>) target_semaphore(%run_scoped3A : memref<!tpu.dma_semaphore, #tpu.memory_space<semaphore_mem>>)
      %dma_wait3A_218 = arith.constant 0 : i32
      %dma_wait3A_219 = arith.constant 0 : i32
      %dma_wait3A_220 = tpu.memref_slice %arg14[%dma_wait3A_218, %dma_wait3A_219] : memref<64x128xf32, #tpu.memory_space<vmem>> -> memref<64x128xf32, #tpu.memory_space<vmem>>
      %dma_wait3A_221 = arith.constant 0 : i32
      %dma_wait3A_222 = tpu.memref_slice %arg5[%add3A_195, %dma_wait3A_221] : memref<20224x128xf32, #tpu.memory_space<hbm>> -> memref<64x128xf32, #tpu.memory_space<hbm>>
      %dma_wait3A_223 = arith.constant 0 : i32
      %dma_wait3A_224 = tpu.memref_slice %arg5[%add3A_195, %dma_wait3A_223] : memref<20224x128xf32, #tpu.memory_space<hbm>> -> memref<64x128xf32, #tpu.memory_space<hbm>>
      %dma_wait3A_225 = arith.constant 0 : i32
      %dma_wait3A_226 = arith.constant 0 : i32
      %dma_wait3A_227 = tpu.memref_slice %arg14[%dma_wait3A_225, %dma_wait3A_226] : memref<64x128xf32, #tpu.memory_space<vmem>> -> memref<64x128xf32, #tpu.memory_space<vmem>>
      tpu.wait_dma2 semaphore(%run_scoped3A : memref<!tpu.dma_semaphore, #tpu.memory_space<semaphore_mem>>) src(%dma_wait3A_227 : memref<64x128xf32, #tpu.memory_space<vmem>>) dst(%dma_wait3A_224 : memref<64x128xf32, #tpu.memory_space<hbm>>)
      tpu.yield
    }) : () -> ()
    %add3A_196 = arith.constant 448 : i32
    %add3A_197 = arith.addi %mul3A_2, %add3A_196 : i32
    "tpu.region"() ({
      %run_scoped3A = tpu.sem_alloc : memref<!tpu.dma_semaphore, #tpu.memory_space<semaphore_mem>>
      %dma_start3A_208 = arith.constant 0 : i32
      %dma_start3A_209 = arith.constant 0 : i32
      %dma_start3A_210 = tpu.memref_slice %arg14[%dma_start3A_208, %dma_start3A_209] : memref<64x128xf32, #tpu.memory_space<vmem>> -> memref<64x128xf32, #tpu.memory_space<vmem>>
      %dma_start3A_211 = arith.constant 0 : i32
      %dma_start3A_212 = tpu.memref_slice %arg18[%add3A_197, %dma_start3A_211] : memref<10112x128xf32, #tpu.memory_space<vmem_shared>> -> memref<64x128xf32, #tpu.memory_space<vmem_shared>>
      %dma_start3A_213 = arith.constant 0 : i32
      %dma_start3A_214 = arith.constant 0 : i32
      %dma_start3A_215 = tpu.memref_slice %arg14[%dma_start3A_213, %dma_start3A_214] : memref<64x128xf32, #tpu.memory_space<vmem>> -> memref<64x128xf32, #tpu.memory_space<vmem>>
      %dma_start3A_216 = arith.constant 0 : i32
      %dma_start3A_217 = tpu.memref_slice %arg18[%add3A_197, %dma_start3A_216] : memref<10112x128xf32, #tpu.memory_space<vmem_shared>> -> memref<64x128xf32, #tpu.memory_space<vmem_shared>>
      tpu.enqueue_dma source(%dma_start3A_217 : memref<64x128xf32, #tpu.memory_space<vmem_shared>>) target(%dma_start3A_215 : memref<64x128xf32, #tpu.memory_space<vmem>>) target_semaphore(%run_scoped3A : memref<!tpu.dma_semaphore, #tpu.memory_space<semaphore_mem>>)
      %dma_wait3A_218 = arith.constant 0 : i32
      %dma_wait3A_219 = arith.constant 0 : i32
      %dma_wait3A_220 = tpu.memref_slice %arg14[%dma_wait3A_218, %dma_wait3A_219] : memref<64x128xf32, #tpu.memory_space<vmem>> -> memref<64x128xf32, #tpu.memory_space<vmem>>
      %dma_wait3A_221 = arith.constant 0 : i32
      %dma_wait3A_222 = tpu.memref_slice %arg18[%add3A_197, %dma_wait3A_221] : memref<10112x128xf32, #tpu.memory_space<vmem_shared>> -> memref<64x128xf32, #tpu.memory_space<vmem_shared>>
      %dma_wait3A_223 = arith.constant 0 : i32
      %dma_wait3A_224 = arith.constant 0 : i32
      %dma_wait3A_225 = tpu.memref_slice %arg14[%dma_wait3A_223, %dma_wait3A_224] : memref<64x128xf32, #tpu.memory_space<vmem>> -> memref<64x128xf32, #tpu.memory_space<vmem>>
      %dma_wait3A_226 = arith.constant 0 : i32
      %dma_wait3A_227 = tpu.memref_slice %arg18[%add3A_197, %dma_wait3A_226] : memref<10112x128xf32, #tpu.memory_space<vmem_shared>> -> memref<64x128xf32, #tpu.memory_space<vmem_shared>>
      tpu.wait_dma2 semaphore(%run_scoped3A : memref<!tpu.dma_semaphore, #tpu.memory_space<semaphore_mem>>) src(%dma_wait3A_227 : memref<64x128xf32, #tpu.memory_space<vmem_shared>>) dst(%dma_wait3A_225 : memref<64x128xf32, #tpu.memory_space<vmem>>)
      tpu.yield
    }) : () -> ()
    %add3A_198 = arith.constant 448 : i32
    %add3A_199 = arith.addi %add3A_167, %add3A_198 : i32
    "tpu.region"() ({
      %run_scoped3A = tpu.sem_alloc : memref<!tpu.dma_semaphore, #tpu.memory_space<semaphore_mem>>
      %dma_start3A_208 = arith.constant 0 : i32
      %dma_start3A_209 = arith.constant 0 : i32
      %dma_start3A_210 = tpu.memref_slice %arg14[%dma_start3A_208, %dma_start3A_209] : memref<64x128xf32, #tpu.memory_space<vmem>> -> memref<64x128xf32, #tpu.memory_space<vmem>>
      %dma_start3A_211 = arith.constant 0 : i32
      %dma_start3A_212 = tpu.memref_slice %arg5[%add3A_199, %dma_start3A_211] : memref<20224x128xf32, #tpu.memory_space<hbm>> -> memref<64x128xf32, #tpu.memory_space<hbm>>
      %dma_start3A_213 = arith.constant 0 : i32
      %dma_start3A_214 = tpu.memref_slice %arg5[%add3A_199, %dma_start3A_213] : memref<20224x128xf32, #tpu.memory_space<hbm>> -> memref<64x128xf32, #tpu.memory_space<hbm>>
      %dma_start3A_215 = arith.constant 0 : i32
      %dma_start3A_216 = arith.constant 0 : i32
      %dma_start3A_217 = tpu.memref_slice %arg14[%dma_start3A_215, %dma_start3A_216] : memref<64x128xf32, #tpu.memory_space<vmem>> -> memref<64x128xf32, #tpu.memory_space<vmem>>
      tpu.enqueue_dma source(%dma_start3A_217 : memref<64x128xf32, #tpu.memory_space<vmem>>) target(%dma_start3A_214 : memref<64x128xf32, #tpu.memory_space<hbm>>) target_semaphore(%run_scoped3A : memref<!tpu.dma_semaphore, #tpu.memory_space<semaphore_mem>>)
      %dma_wait3A_218 = arith.constant 0 : i32
      %dma_wait3A_219 = arith.constant 0 : i32
      %dma_wait3A_220 = tpu.memref_slice %arg14[%dma_wait3A_218, %dma_wait3A_219] : memref<64x128xf32, #tpu.memory_space<vmem>> -> memref<64x128xf32, #tpu.memory_space<vmem>>
      %dma_wait3A_221 = arith.constant 0 : i32
      %dma_wait3A_222 = tpu.memref_slice %arg5[%add3A_199, %dma_wait3A_221] : memref<20224x128xf32, #tpu.memory_space<hbm>> -> memref<64x128xf32, #tpu.memory_space<hbm>>
      %dma_wait3A_223 = arith.constant 0 : i32
      %dma_wait3A_224 = tpu.memref_slice %arg5[%add3A_199, %dma_wait3A_223] : memref<20224x128xf32, #tpu.memory_space<hbm>> -> memref<64x128xf32, #tpu.memory_space<hbm>>
      %dma_wait3A_225 = arith.constant 0 : i32
      %dma_wait3A_226 = arith.constant 0 : i32
      %dma_wait3A_227 = tpu.memref_slice %arg14[%dma_wait3A_225, %dma_wait3A_226] : memref<64x128xf32, #tpu.memory_space<vmem>> -> memref<64x128xf32, #tpu.memory_space<vmem>>
      tpu.wait_dma2 semaphore(%run_scoped3A : memref<!tpu.dma_semaphore, #tpu.memory_space<semaphore_mem>>) src(%dma_wait3A_227 : memref<64x128xf32, #tpu.memory_space<vmem>>) dst(%dma_wait3A_224 : memref<64x128xf32, #tpu.memory_space<hbm>>)
      tpu.yield
    }) : () -> ()
    %add3A_200 = arith.constant 512 : i32
    %add3A_201 = arith.addi %mul3A_2, %add3A_200 : i32
    "tpu.region"() ({
      %run_scoped3A = tpu.sem_alloc : memref<!tpu.dma_semaphore, #tpu.memory_space<semaphore_mem>>
      %dma_start3A_208 = arith.constant 0 : i32
      %dma_start3A_209 = arith.constant 0 : i32
      %dma_start3A_210 = tpu.memref_slice %arg14[%dma_start3A_208, %dma_start3A_209] : memref<64x128xf32, #tpu.memory_space<vmem>> -> memref<64x128xf32, #tpu.memory_space<vmem>>
      %dma_start3A_211 = arith.constant 0 : i32
      %dma_start3A_212 = tpu.memref_slice %arg18[%add3A_201, %dma_start3A_211] : memref<10112x128xf32, #tpu.memory_space<vmem_shared>> -> memref<64x128xf32, #tpu.memory_space<vmem_shared>>
      %dma_start3A_213 = arith.constant 0 : i32
      %dma_start3A_214 = arith.constant 0 : i32
      %dma_start3A_215 = tpu.memref_slice %arg14[%dma_start3A_213, %dma_start3A_214] : memref<64x128xf32, #tpu.memory_space<vmem>> -> memref<64x128xf32, #tpu.memory_space<vmem>>
      %dma_start3A_216 = arith.constant 0 : i32
      %dma_start3A_217 = tpu.memref_slice %arg18[%add3A_201, %dma_start3A_216] : memref<10112x128xf32, #tpu.memory_space<vmem_shared>> -> memref<64x128xf32, #tpu.memory_space<vmem_shared>>
      tpu.enqueue_dma source(%dma_start3A_217 : memref<64x128xf32, #tpu.memory_space<vmem_shared>>) target(%dma_start3A_215 : memref<64x128xf32, #tpu.memory_space<vmem>>) target_semaphore(%run_scoped3A : memref<!tpu.dma_semaphore, #tpu.memory_space<semaphore_mem>>)
      %dma_wait3A_218 = arith.constant 0 : i32
      %dma_wait3A_219 = arith.constant 0 : i32
      %dma_wait3A_220 = tpu.memref_slice %arg14[%dma_wait3A_218, %dma_wait3A_219] : memref<64x128xf32, #tpu.memory_space<vmem>> -> memref<64x128xf32, #tpu.memory_space<vmem>>
      %dma_wait3A_221 = arith.constant 0 : i32
      %dma_wait3A_222 = tpu.memref_slice %arg18[%add3A_201, %dma_wait3A_221] : memref<10112x128xf32, #tpu.memory_space<vmem_shared>> -> memref<64x128xf32, #tpu.memory_space<vmem_shared>>
      %dma_wait3A_223 = arith.constant 0 : i32
      %dma_wait3A_224 = arith.constant 0 : i32
      %dma_wait3A_225 = tpu.memref_slice %arg14[%dma_wait3A_223, %dma_wait3A_224] : memref<64x128xf32, #tpu.memory_space<vmem>> -> memref<64x128xf32, #tpu.memory_space<vmem>>
      %dma_wait3A_226 = arith.constant 0 : i32
      %dma_wait3A_227 = tpu.memref_slice %arg18[%add3A_201, %dma_wait3A_226] : memref<10112x128xf32, #tpu.memory_space<vmem_shared>> -> memref<64x128xf32, #tpu.memory_space<vmem_shared>>
      tpu.wait_dma2 semaphore(%run_scoped3A : memref<!tpu.dma_semaphore, #tpu.memory_space<semaphore_mem>>) src(%dma_wait3A_227 : memref<64x128xf32, #tpu.memory_space<vmem_shared>>) dst(%dma_wait3A_225 : memref<64x128xf32, #tpu.memory_space<vmem>>)
      tpu.yield
    }) : () -> ()
    %add3A_202 = arith.constant 512 : i32
    %add3A_203 = arith.addi %add3A_167, %add3A_202 : i32
    "tpu.region"() ({
      %run_scoped3A = tpu.sem_alloc : memref<!tpu.dma_semaphore, #tpu.memory_space<semaphore_mem>>
      %dma_start3A_208 = arith.constant 0 : i32
      %dma_start3A_209 = arith.constant 0 : i32
      %dma_start3A_210 = tpu.memref_slice %arg14[%dma_start3A_208, %dma_start3A_209] : memref<64x128xf32, #tpu.memory_space<vmem>> -> memref<64x128xf32, #tpu.memory_space<vmem>>
      %dma_start3A_211 = arith.constant 0 : i32
      %dma_start3A_212 = tpu.memref_slice %arg5[%add3A_203, %dma_start3A_211] : memref<20224x128xf32, #tpu.memory_space<hbm>> -> memref<64x128xf32, #tpu.memory_space<hbm>>
      %dma_start3A_213 = arith.constant 0 : i32
      %dma_start3A_214 = tpu.memref_slice %arg5[%add3A_203, %dma_start3A_213] : memref<20224x128xf32, #tpu.memory_space<hbm>> -> memref<64x128xf32, #tpu.memory_space<hbm>>
      %dma_start3A_215 = arith.constant 0 : i32
      %dma_start3A_216 = arith.constant 0 : i32
      %dma_start3A_217 = tpu.memref_slice %arg14[%dma_start3A_215, %dma_start3A_216] : memref<64x128xf32, #tpu.memory_space<vmem>> -> memref<64x128xf32, #tpu.memory_space<vmem>>
      tpu.enqueue_dma source(%dma_start3A_217 : memref<64x128xf32, #tpu.memory_space<vmem>>) target(%dma_start3A_214 : memref<64x128xf32, #tpu.memory_space<hbm>>) target_semaphore(%run_scoped3A : memref<!tpu.dma_semaphore, #tpu.memory_space<semaphore_mem>>)
      %dma_wait3A_218 = arith.constant 0 : i32
      %dma_wait3A_219 = arith.constant 0 : i32
      %dma_wait3A_220 = tpu.memref_slice %arg14[%dma_wait3A_218, %dma_wait3A_219] : memref<64x128xf32, #tpu.memory_space<vmem>> -> memref<64x128xf32, #tpu.memory_space<vmem>>
      %dma_wait3A_221 = arith.constant 0 : i32
      %dma_wait3A_222 = tpu.memref_slice %arg5[%add3A_203, %dma_wait3A_221] : memref<20224x128xf32, #tpu.memory_space<hbm>> -> memref<64x128xf32, #tpu.memory_space<hbm>>
      %dma_wait3A_223 = arith.constant 0 : i32
      %dma_wait3A_224 = tpu.memref_slice %arg5[%add3A_203, %dma_wait3A_223] : memref<20224x128xf32, #tpu.memory_space<hbm>> -> memref<64x128xf32, #tpu.memory_space<hbm>>
      %dma_wait3A_225 = arith.constant 0 : i32
      %dma_wait3A_226 = arith.constant 0 : i32
      %dma_wait3A_227 = tpu.memref_slice %arg14[%dma_wait3A_225, %dma_wait3A_226] : memref<64x128xf32, #tpu.memory_space<vmem>> -> memref<64x128xf32, #tpu.memory_space<vmem>>
      tpu.wait_dma2 semaphore(%run_scoped3A : memref<!tpu.dma_semaphore, #tpu.memory_space<semaphore_mem>>) src(%dma_wait3A_227 : memref<64x128xf32, #tpu.memory_space<vmem>>) dst(%dma_wait3A_224 : memref<64x128xf32, #tpu.memory_space<hbm>>)
      tpu.yield
    }) : () -> ()
    %add3A_204 = arith.constant 576 : i32
    %add3A_205 = arith.addi %mul3A_2, %add3A_204 : i32
    "tpu.region"() ({
      %run_scoped3A = tpu.sem_alloc : memref<!tpu.dma_semaphore, #tpu.memory_space<semaphore_mem>>
      %dma_start3A_208 = arith.constant 0 : i32
      %dma_start3A_209 = arith.constant 0 : i32
      %dma_start3A_210 = tpu.memref_slice %arg14[%dma_start3A_208, %dma_start3A_209] : memref<64x128xf32, #tpu.memory_space<vmem>> -> memref<56x128xf32, #tpu.memory_space<vmem>>
      %dma_start3A_211 = arith.constant 0 : i32
      %dma_start3A_212 = tpu.memref_slice %arg18[%add3A_205, %dma_start3A_211] : memref<10112x128xf32, #tpu.memory_space<vmem_shared>> -> memref<56x128xf32, #tpu.memory_space<vmem_shared>>
      %dma_start3A_213 = arith.constant 0 : i32
      %dma_start3A_214 = arith.constant 0 : i32
      %dma_start3A_215 = tpu.memref_slice %arg14[%dma_start3A_213, %dma_start3A_214] : memref<64x128xf32, #tpu.memory_space<vmem>> -> memref<56x128xf32, #tpu.memory_space<vmem>>
      %dma_start3A_216 = arith.constant 0 : i32
      %dma_start3A_217 = tpu.memref_slice %arg18[%add3A_205, %dma_start3A_216] : memref<10112x128xf32, #tpu.memory_space<vmem_shared>> -> memref<56x128xf32, #tpu.memory_space<vmem_shared>>
      tpu.enqueue_dma source(%dma_start3A_217 : memref<56x128xf32, #tpu.memory_space<vmem_shared>>) target(%dma_start3A_215 : memref<56x128xf32, #tpu.memory_space<vmem>>) target_semaphore(%run_scoped3A : memref<!tpu.dma_semaphore, #tpu.memory_space<semaphore_mem>>)
      %dma_wait3A_218 = arith.constant 0 : i32
      %dma_wait3A_219 = arith.constant 0 : i32
      %dma_wait3A_220 = tpu.memref_slice %arg14[%dma_wait3A_218, %dma_wait3A_219] : memref<64x128xf32, #tpu.memory_space<vmem>> -> memref<56x128xf32, #tpu.memory_space<vmem>>
      %dma_wait3A_221 = arith.constant 0 : i32
      %dma_wait3A_222 = tpu.memref_slice %arg18[%add3A_205, %dma_wait3A_221] : memref<10112x128xf32, #tpu.memory_space<vmem_shared>> -> memref<56x128xf32, #tpu.memory_space<vmem_shared>>
      %dma_wait3A_223 = arith.constant 0 : i32
      %dma_wait3A_224 = arith.constant 0 : i32
      %dma_wait3A_225 = tpu.memref_slice %arg14[%dma_wait3A_223, %dma_wait3A_224] : memref<64x128xf32, #tpu.memory_space<vmem>> -> memref<56x128xf32, #tpu.memory_space<vmem>>
      %dma_wait3A_226 = arith.constant 0 : i32
      %dma_wait3A_227 = tpu.memref_slice %arg18[%add3A_205, %dma_wait3A_226] : memref<10112x128xf32, #tpu.memory_space<vmem_shared>> -> memref<56x128xf32, #tpu.memory_space<vmem_shared>>
      tpu.wait_dma2 semaphore(%run_scoped3A : memref<!tpu.dma_semaphore, #tpu.memory_space<semaphore_mem>>) src(%dma_wait3A_227 : memref<56x128xf32, #tpu.memory_space<vmem_shared>>) dst(%dma_wait3A_225 : memref<56x128xf32, #tpu.memory_space<vmem>>)
      tpu.yield
    }) : () -> ()
    %add3A_206 = arith.constant 576 : i32
    %add3A_207 = arith.addi %add3A_167, %add3A_206 : i32
    "tpu.region"() ({
      %run_scoped3A = tpu.sem_alloc : memref<!tpu.dma_semaphore, #tpu.memory_space<semaphore_mem>>
      %dma_start3A_208 = arith.constant 0 : i32
      %dma_start3A_209 = arith.constant 0 : i32
      %dma_start3A_210 = tpu.memref_slice %arg14[%dma_start3A_208, %dma_start3A_209] : memref<64x128xf32, #tpu.memory_space<vmem>> -> memref<56x128xf32, #tpu.memory_space<vmem>>
      %dma_start3A_211 = arith.constant 0 : i32
      %dma_start3A_212 = tpu.memref_slice %arg5[%add3A_207, %dma_start3A_211] : memref<20224x128xf32, #tpu.memory_space<hbm>> -> memref<56x128xf32, #tpu.memory_space<hbm>>
      %dma_start3A_213 = arith.constant 0 : i32
      %dma_start3A_214 = tpu.memref_slice %arg5[%add3A_207, %dma_start3A_213] : memref<20224x128xf32, #tpu.memory_space<hbm>> -> memref<56x128xf32, #tpu.memory_space<hbm>>
      %dma_start3A_215 = arith.constant 0 : i32
      %dma_start3A_216 = arith.constant 0 : i32
      %dma_start3A_217 = tpu.memref_slice %arg14[%dma_start3A_215, %dma_start3A_216] : memref<64x128xf32, #tpu.memory_space<vmem>> -> memref<56x128xf32, #tpu.memory_space<vmem>>
      tpu.enqueue_dma source(%dma_start3A_217 : memref<56x128xf32, #tpu.memory_space<vmem>>) target(%dma_start3A_214 : memref<56x128xf32, #tpu.memory_space<hbm>>) target_semaphore(%run_scoped3A : memref<!tpu.dma_semaphore, #tpu.memory_space<semaphore_mem>>)
      %dma_wait3A_218 = arith.constant 0 : i32
      %dma_wait3A_219 = arith.constant 0 : i32
      %dma_wait3A_220 = tpu.memref_slice %arg14[%dma_wait3A_218, %dma_wait3A_219] : memref<64x128xf32, #tpu.memory_space<vmem>> -> memref<56x128xf32, #tpu.memory_space<vmem>>
      %dma_wait3A_221 = arith.constant 0 : i32
      %dma_wait3A_222 = tpu.memref_slice %arg5[%add3A_207, %dma_wait3A_221] : memref<20224x128xf32, #tpu.memory_space<hbm>> -> memref<56x128xf32, #tpu.memory_space<hbm>>
      %dma_wait3A_223 = arith.constant 0 : i32
      %dma_wait3A_224 = tpu.memref_slice %arg5[%add3A_207, %dma_wait3A_223] : memref<20224x128xf32, #tpu.memory_space<hbm>> -> memref<56x128xf32, #tpu.memory_space<hbm>>
      %dma_wait3A_225 = arith.constant 0 : i32
      %dma_wait3A_226 = arith.constant 0 : i32
      %dma_wait3A_227 = tpu.memref_slice %arg14[%dma_wait3A_225, %dma_wait3A_226] : memref<64x128xf32, #tpu.memory_space<vmem>> -> memref<56x128xf32, #tpu.memory_space<vmem>>
      tpu.wait_dma2 semaphore(%run_scoped3A : memref<!tpu.dma_semaphore, #tpu.memory_space<semaphore_mem>>) src(%dma_wait3A_227 : memref<56x128xf32, #tpu.memory_space<vmem>>) dst(%dma_wait3A_224 : memref<56x128xf32, #tpu.memory_space<hbm>>)
      tpu.yield
    }) : () -> ()
    return
  }
}

module attributes {stable_mosaic.version = 14 : i64} {
  func.func @_matmul_body(%arg0: i32, %arg1: memref<1000x128xf32, #tpu.memory_space<vmem>>, %arg2: memref<128x128xf32, #tpu.memory_space<vmem>>, %arg3: memref<1000x128xf32, #tpu.memory_space<vmem>>) attributes {dimension_semantics = [#tpu.dimension_semantics<arbitrary>], iteration_bounds = array<i64: 10>, scalar_prefetch = 0 : i64, scratch_operands = 0 : i64, tpu.core_type = #tpu.core_type<tc>, window_params = [{transform_indices = @transform_0, window_bounds = array<i64: 1000, 128>}, {pipeline_mode = #tpu.pipeline_mode<synchronous>, transform_indices = @transform_1, window_bounds = array<i64: 128, 128>}, {transform_indices = @transform_2, window_bounds = array<i64: 1000, 128>}]} {
    %get3A = arith.constant 0 : index
    %get3A_0 = arith.constant 0 : index
    %get3A_1 = vector.load %arg1[%get3A, %get3A_0] : memref<1000x128xf32, #tpu.memory_space<vmem>>, vector<1000x128xf32>
    %get3A_2 = arith.constant 0 : index
    %get3A_3 = arith.constant 0 : index
    %get3A_4 = vector.load %arg2[%get3A_2, %get3A_3] : memref<128x128xf32, #tpu.memory_space<vmem>>, vector<128x128xf32>
    %dot_general3A = arith.constant dense<0.000000e+00> : vector<1000x128xf32>
    %dot_general3A_5 = tpu.matmul %get3A_1, %get3A_4, %dot_general3A {dimension_numbers = #tpu.dot_dimension_numbers<[1], [0], [0], [1], [0, 0, 1, 1], [], []>, transpose_lhs_hint = false} : vector<1000x128xf32>, vector<128x128xf32>, vector<1000x128xf32> -> vector<1000x128xf32>
    %swap3A = arith.constant 0 : index
    %swap3A_6 = arith.constant 0 : index
    %swap3A_7 = vector.load %arg3[%swap3A, %swap3A_6] : memref<1000x128xf32, #tpu.memory_space<vmem>>, vector<1000x128xf32>
    tpu.vector_store %arg3[%swap3A, %swap3A_6], %dot_general3A_5 {strides = array<i32>} : memref<1000x128xf32, #tpu.memory_space<vmem>>, vector<1000x128xf32>,
    return
  }
  func.func @transform_0(%arg0: i32) -> (i32, i32) {
    %c0_i32 = arith.constant 0 : i32
    %c0_i32_0 = arith.constant 0 : i32
    return %arg0, %c0_i32 : i32, i32
  }
  func.func @transform_1(%arg0: i32) -> (i32, i32) {
    %c0_i32 = arith.constant 0 : i32
    %c0_i32_0 = arith.constant 0 : i32
    %c0_i32_1 = arith.constant 0 : i32
    return %c0_i32, %c0_i32_0 : i32, i32
  }
  func.func @transform_2(%arg0: i32) -> (i32, i32) {
    %c0_i32 = arith.constant 0 : i32
    %c0_i32_0 = arith.constant 0 : i32
    return %arg0, %c0_i32 : i32, i32
  }
}

module attributes {stable_mosaic.version = 14 : i64} {
  func.func @_combine_body(%arg0: i32, %arg1: memref<1000x128xf32, #tpu.memory_space<vmem>>, %arg2: memref<1000x128xf32, #tpu.memory_space<vmem>>, %arg3: memref<1000x128xf32, #tpu.memory_space<vmem>>, %arg4: memref<1000x128xf32, #tpu.memory_space<vmem>>, %arg5: memref<1000x128xf32, #tpu.memory_space<vmem>>, %arg6: memref<128x128xf32, #tpu.memory_space<vmem>>, %arg7: memref<1x128xf32, #tpu.memory_space<vmem>>, %arg8: memref<1000x128xf32, #tpu.memory_space<vmem>>) attributes {dimension_semantics = [#tpu.dimension_semantics<arbitrary>], iteration_bounds = array<i64: 10>, scalar_prefetch = 0 : i64, scratch_operands = 0 : i64, tpu.core_type = #tpu.core_type<tc>, window_params = [{transform_indices = @transform_0, window_bounds = array<i64: 1000, 128>}, {transform_indices = @transform_1, window_bounds = array<i64: 1000, 128>}, {transform_indices = @transform_2, window_bounds = array<i64: 1000, 128>}, {transform_indices = @transform_3, window_bounds = array<i64: 1000, 128>}, {transform_indices = @transform_4, window_bounds = array<i64: 1000, 128>}, {pipeline_mode = #tpu.pipeline_mode<synchronous>, transform_indices = @transform_5, window_bounds = array<i64: 128, 128>}, {pipeline_mode = #tpu.pipeline_mode<synchronous>, transform_indices = @transform_6, window_bounds = array<i64: 1, 128>}, {transform_indices = @transform_7, window_bounds = array<i64: 1000, 128>}]} {
    %get3A = arith.constant 0 : index
    %get3A_0 = arith.constant 0 : index
    %get3A_1 = vector.load %arg3[%get3A, %get3A_0] : memref<1000x128xf32, #tpu.memory_space<vmem>>, vector<1000x1xf32>
    %get3A_2 = arith.constant 0 : index
    %get3A_3 = arith.constant 0 : index
    %get3A_4 = vector.load %arg4[%get3A_2, %get3A_3] : memref<1000x128xf32, #tpu.memory_space<vmem>>, vector<1000x1xf32>
    %add3A = arith.addf %get3A_1, %get3A_4 : vector<1000x1xf32>
    %max3A = arith.constant 1.000000e+00 : f32
    %max3A_5 = vector.broadcast %max3A : f32 to vector<1000x1xf32>
    %max3A_6 = arith.maximumf %add3A, %max3A_5 : vector<1000x1xf32>
    %get3A_7 = arith.constant 0 : index
    %get3A_8 = arith.constant 0 : index
    %get3A_9 = vector.load %arg1[%get3A_7, %get3A_8] : memref<1000x128xf32, #tpu.memory_space<vmem>>, vector<1000x128xf32>
    %get3A_10 = arith.constant 0 : index
    %get3A_11 = arith.constant 0 : index
    %get3A_12 = vector.load %arg2[%get3A_10, %get3A_11] : memref<1000x128xf32, #tpu.memory_space<vmem>>, vector<1000x128xf32>
    %add3A_13 = arith.addf %get3A_9, %get3A_12 : vector<1000x128xf32>
    %div3A = vector.broadcast %max3A_6 : vector<1000x1xf32> to vector<1000x128xf32>
    %div3A_14 = arith.divf %add3A_13, %div3A : vector<1000x128xf32>
    %get3A_15 = arith.constant 0 : index
    %get3A_16 = arith.constant 0 : index
    %get3A_17 = vector.load %arg5[%get3A_15, %get3A_16] : memref<1000x128xf32, #tpu.memory_space<vmem>>, vector<1000x128xf32>
    %get3A_18 = arith.constant 0 : index
    %get3A_19 = arith.constant 0 : index
    %get3A_20 = vector.load %arg6[%get3A_18, %get3A_19] : memref<128x128xf32, #tpu.memory_space<vmem>>, vector<128x128xf32>
    %dot_general3A = arith.constant dense<0.000000e+00> : vector<1000x128xf32>
    %dot_general3A_21 = tpu.matmul %get3A_17, %get3A_20, %dot_general3A {dimension_numbers = #tpu.dot_dimension_numbers<[1], [0], [0], [1], [0, 0, 1, 1], [], []>, transpose_lhs_hint = false} : vector<1000x128xf32>, vector<128x128xf32>, vector<1000x128xf32> -> vector<1000x128xf32>
    %add3A_22 = arith.addf %div3A_14, %dot_general3A_21 : vector<1000x128xf32>
    %get3A_23 = arith.constant 0 : index
    %get3A_24 = arith.constant 0 : index
    %get3A_25 = vector.load %arg7[%get3A_23, %get3A_24] : memref<1x128xf32, #tpu.memory_space<vmem>>, vector<1x128xf32>
    %add3A_26 = vector.broadcast %get3A_25 : vector<1x128xf32> to vector<1000x128xf32>
    %add3A_27 = arith.addf %add3A_22, %add3A_26 : vector<1000x128xf32>
    %max3A_28 = arith.constant 0.000000e+00 : f32
    %max3A_29 = vector.broadcast %max3A_28 : f32 to vector<1000x128xf32>
    %max3A_30 = arith.maximumf %add3A_27, %max3A_29 : vector<1000x128xf32>
    %swap3A = arith.constant 0 : index
    %swap3A_31 = arith.constant 0 : index
    %swap3A_32 = vector.load %arg8[%swap3A, %swap3A_31] : memref<1000x128xf32, #tpu.memory_space<vmem>>, vector<1000x128xf32>
    tpu.vector_store %arg8[%swap3A, %swap3A_31], %max3A_30 {strides = array<i32>} : memref<1000x128xf32, #tpu.memory_space<vmem>>, vector<1000x128xf32>,
    return
  }
  func.func @transform_0(%arg0: i32) -> (i32, i32) {
    %c0_i32 = arith.constant 0 : i32
    %c0_i32_0 = arith.constant 0 : i32
    return %arg0, %c0_i32 : i32, i32
  }
  func.func @transform_1(%arg0: i32) -> (i32, i32) {
    %c0_i32 = arith.constant 0 : i32
    %c0_i32_0 = arith.constant 0 : i32
    return %arg0, %c0_i32 : i32, i32
  }
  func.func @transform_2(%arg0: i32) -> (i32, i32) {
    %c0_i32 = arith.constant 0 : i32
    %c0_i32_0 = arith.constant 0 : i32
    return %arg0, %c0_i32 : i32, i32
  }
  func.func @transform_3(%arg0: i32) -> (i32, i32) {
    %c0_i32 = arith.constant 0 : i32
    %c0_i32_0 = arith.constant 0 : i32
    return %arg0, %c0_i32 : i32, i32
  }
  func.func @transform_4(%arg0: i32) -> (i32, i32) {
    %c0_i32 = arith.constant 0 : i32
    %c0_i32_0 = arith.constant 0 : i32
    return %arg0, %c0_i32 : i32, i32
  }
  func.func @transform_5(%arg0: i32) -> (i32, i32) {
    %c0_i32 = arith.constant 0 : i32
    %c0_i32_0 = arith.constant 0 : i32
    %c0_i32_1 = arith.constant 0 : i32
    return %c0_i32, %c0_i32_0 : i32, i32
  }
  func.func @transform_6(%arg0: i32) -> (i32, i32) {
    %c0_i32 = arith.constant 0 : i32
    %c0_i32_0 = arith.constant 0 : i32
    %c0_i32_1 = arith.constant 0 : i32
    return %c0_i32, %c0_i32_0 : i32, i32
  }
  func.func @transform_7(%arg0: i32) -> (i32, i32) {
    %c0_i32 = arith.constant 0 : i32
    %c0_i32_0 = arith.constant 0 : i32
    return %arg0, %c0_i32 : i32, i32
  }
}

</mosaic_0001>

<sc_bundles>
// kernel: kernel.6.cloned.1.call-start
scs
__scs_entry_jumppad:
0x0: {  	(pc) =	sbr.rel $0x88, $3  }
0x1: {  	(tag) =	ssettag $0x0;
	lr =	simm.s32 $0x1  }
0x2: {  	[smem:$0x3F9C] =	sst lr;
	_ =	strace $0xD0000000  }
0x3: {  	_ = 	snop  }
0x4: {  	_ = 	snop  }
0x5: {  	_ = 	snop  }
0x6: {  	_ = 	snop  }
0x7: {  	_ = 	snop  }
__scs_overlays_trampoline_lowered:
0x8: {  	[smem:$0x3FAB] =	sst s0  }
0x9: {  	[smem:$0x3FAC] =	sst s1  }
0xa: {  	[smem:$0x3FAD] =	sst s2  }
0xb: {  	[smem:$0x3FAE] =	sst s3  }
0xc: {  	[smem:$0x3FAF] =	sst s4  }
0xd: {  	[smem:$0x3FB0] =	sst s5  }
0xe: {  	[smem:$0x3FB1] =	sst s6  }
0xf: {  	[smem:$0x3FB2] =	sst s7  }
0x10: {  	[smem:$0x3FB3] =	sst s8  }
0x11: {  	[smem:$0x3FB4] =	sst s9;
	s0 =	simm.s32 @!p0 $0x0  }
0x12: {  	s1 =	sld [smem:$0x3F9A];
	s0 =	simm.s32 @p0 $0x1  }
0x13: {  	[smem:$0x3FB5] =	sst s0;
	s0 =	simm.s32 @!p1 $0x0  }
0x14: {  	s2 =	sld [smem:$0x3F99];
	s0 =	simm.s32 @p1 $0x1  }
0x15: {  	[smem:$0x3FB6] =	sst s0;
	s0 =	simm.s32 @!p2 $0x0  }
0x16: {  	s3 =	sld [smem:$0x3FDB];
	s0 =	simm.s32 @p2 $0x1  }
0x17: {  	s4 =	simm.s32 $0x1BF5;
	[smem:$0x3FB8] =	sst s0  }
0x18: {  	s0 =	sld [smem:$0x3F9B];
	_ =	swait.ge [sflag:s4], $0x0  }
0x19: {  	s7 =	sld [smem:$0x3F9C]  }
0x1a: {  	s8 =	sadd.s32 $0xFFFFE003, lr  }
0x1b: {  	s9 =	sadd.s32 $0xFFFFFEF7, lr;
	s5 =	simm.s32 $0xFFFFFFFF;
	p2 =	slt.u32 s8, $0xFFFFF086  }
0x1c: {  	p1 =	slt.u32 s9, $0xF7A;
	s5 =	simm.s32 @!p2 $0x0  }
0x1d: {  	s5 =	simm.s32 @p1 $0x1;
	p0 =	seq.s32 s7, s2  }
0x1e: {  	s7 =	smul.u32 @!p0 $0xF7A, s2;
	p2 =	seq.s32 @!p0 s5, $0x0  }
0x1f: {  	s9 =	smul.u32 $0xF7A, s1;
	s8 =	simm.s32 @!p0 $0x1BF5;
	p2 =	por !p2, p0  }
0x20: {  	[sflag:s8] =	ssyncset.s32 @!p0 $0xFFFFF086;
	s6 =	sadd.s32 @!p0 s3, s7;
	s7 =	simm.s32 @!p0 $0x108  }
0x21: {  	s3 =	sadd.s32 s3, s9;
	s6 =	sadd.s32 @!p0 $0x88, s6;
	s7 =	simm.s32 @p2 $0x1082  }
0x22: {  	[simem:s7], [sflag:s8] =	dma.local @!p0 [hbm:s6], $0xF7A  }
0x23: {  	s9 =	sor.u32 $0xD0000000, s2;
	s6 =	simm.s32 $0x108;
	_ =	swait.ge @!p0 [sflag:s8], $0x0  }
0x24: {  	s3 =	sadd.s32 $0x88, s3;
	s6 =	simm.s32 @!p1 $0x1082;
	[sflag:s4] =	ssyncset.s32 $0xFFFFF086  }
0x25: {  	[simem:s6], [sflag:s4] =	dma.local [hbm:s3], $0xF7A  }
0x26: {  	[smem:$0x3F9C] =	sst s1;
	(tag) =	ssettag s2;
	_ =	strace s9  }
0x27: {  	s1 =	sld [smem:$0x3FAC]  }
0x28: {  	s2 =	sld [smem:$0x3FAD]  }
0x29: {  	s4 =	sld [smem:$0x3FAF]  }
0x2a: {  	p0 =	seq.s32 s5, $0x0;
	s5 =	sld [smem:$0x3FB0]  }
0x2b: {  	s6 =	sld [smem:$0x3FB1]  }
0x2c: {  	s7 =	sld [smem:$0x3FB2]  }
0x2d: {  	s3 =	simm.s32 $0x108;
	s8 =	sld [smem:$0x3FB3]  }
0x2e: {  	s3 =	simm.s32 @!p0 $0x1082;
	s9 =	sld [smem:$0x3FB4]  }
0x2f: {  	lr =	sadd.s32 s0, s3;
	s0 =	sld [smem:$0x3FAB]  }
0x30: {  	s3 =	sld [smem:$0x3FAE]  }
0x31: {  	[smem:$0x3FB7] =	sst s10  }
0x32: {  	s10 =	sld [smem:$0x3FB5];
	_ =	sdelay $0x3  }
0x33: {  	p0 =	seq.s32 s10, $0x1;
	s10 =	sld [smem:$0x3FB7];
	_ =	sdelay $0x3  }
0x34: {  	[smem:$0x3FB7] =	sst s10  }
0x35: {  	s10 =	sld [smem:$0x3FB6];
	_ =	sdelay $0x3  }
0x36: {  	p1 =	seq.s32 s10, $0x1;
	s10 =	sld [smem:$0x3FB7];
	_ =	sdelay $0x3  }
0x37: {  	[smem:$0x3FB7] =	sst s10  }
0x38: {  	s10 =	sld [smem:$0x3FB8]  }
0x39: {  	_ = 	snop;
	(pc) =	sbr.ind lr, $3  }
0x3a: {  	_ = 	snop  }
0x3b: {  	_ = 	snop  }
0x3c: {  	p2 =	seq.s32 s10, $0x1;
	s10 =	sld [smem:$0x3FB7]  }
0x3d: {  	_ =	shalt  }
0x3e: {  	_ =	shalt  }
0x3f: {  	_ =	shalt  }
0x40: {  	_ =	shalt  }
0x41: {  	_ =	shalt  }
0x42: {  	_ =	shalt  }
0x43: {  	_ =	shalt  }
0x44: {  	_ =	shalt  }
0x45: {  	_ =	shalt  }
0x46: {  	_ =	shalt  }
0x47: {  	_ =	shalt  }
0x48: {  	_ =	shalt  }
0x49: {  	_ =	shalt  }
0x4a: {  	_ =	shalt  }
0x4b: {  	_ =	shalt  }
0x4c: {  	_ =	shalt  }
0x4d: {  	_ =	shalt  }
0x4e: {  	_ =	shalt  }
0x4f: {  	_ =	shalt  }
0x50: {  	_ =	shalt  }
0x51: {  	_ =	shalt  }
0x52: {  	_ =	shalt  }
0x53: {  	_ =	shalt  }
0x54: {  	_ =	shalt  }
0x55: {  	_ =	shalt  }
0x56: {  	_ =	shalt  }
0x57: {  	_ =	shalt  }
0x58: {  	_ =	shalt  }
0x59: {  	_ =	shalt  }
0x5a: {  	_ =	shalt  }
0x5b: {  	_ =	shalt  }
0x5c: {  	_ =	shalt  }
0x5d: {  	_ =	shalt  }
0x5e: {  	_ =	shalt  }
0x5f: {  	_ =	shalt  }
0x60: {  	_ =	shalt  }
0x61: {  	_ =	shalt  }
0x62: {  	_ =	shalt  }
0x63: {  	_ =	shalt  }
0x64: {  	_ =	shalt  }
0x65: {  	_ =	shalt  }
0x66: {  	_ =	shalt  }
0x67: {  	_ =	shalt  }
0x68: {  	_ =	shalt  }
0x69: {  	_ =	shalt  }
0x6a: {  	_ =	shalt  }
0x6b: {  	_ =	shalt  }
0x6c: {  	_ =	shalt  }
0x6d: {  	_ =	shalt  }
0x6e: {  	_ =	shalt  }
0x6f: {  	_ =	shalt  }
0x70: {  	_ =	shalt  }
0x71: {  	_ =	shalt  }
0x72: {  	_ =	shalt  }
0x73: {  	_ =	shalt  }
0x74: {  	_ =	shalt  }
0x75: {  	_ =	shalt  }
0x76: {  	_ =	shalt  }
0x77: {  	_ =	shalt  }
0x78: {  	_ =	shalt  }
0x79: {  	_ =	shalt  }
0x7a: {  	_ =	shalt  }
0x7b: {  	_ =	shalt  }
0x7c: {  	_ =	shalt  }
0x7d: {  	_ =	shalt  }
0x7e: {  	_ =	shalt  }
0x7f: {  	_ =	shalt  }
0x80: {  	_ =	shalt  }
0x81: {  	_ =	shalt  }
0x82: {  	_ =	shalt  }
0x83: {  	_ =	shalt  }
0x84: {  	_ =	shalt  }
0x85: {  	_ =	shalt  }
0x86: {  	_ =	shalt  }
0x87: {  	_ =	shalt  }
.Lfunc_end0:
.L_simem_size_0:
called_computation_lowered:
.L_overlay_start_0:
0x88: {  	s2 =	sld [smem:$0x3FD9]  }
0x89: {  	s3 =	sld [smem:$0x3FFE];
	_ =	sdelay $0x1  }
0x8a: {  	s1 =	srdreg.scid  }
0x8b: {  	s0 =	sand.u32 $0x1, s1  }
0x8c: {  	s17 =	sshll.u32 s0, $0xA;
	s2 =	sadd.s32 s3, s2  }
0x8d: {  	s2 =	sadd.s32 s2, s17  }
0x8e: {  	[smem:$0x3FC3] =	sst s2  }
0x8f: {  	_ = 	snop  }
0x90: {  	(tm) =	ssettm $0x1  }
0x91: {  	s18 =	sld [smem:$0x3FFB];
	_ =	sdelay $0x3  }
0x92: {  	_ =	strace s18  }
0x93: {  	s2 =	sld [smem:$0x3FFC];
	_ =	sdelay $0x3  }
0x94: {  	_ =	strace s2  }
0x95: {  	s2 =	sld [smem:$0x3FFD];
	_ =	sdelay $0x3  }
0x96: {  	_ =	strace s2  }
0x97: {  	_ =	strace $0x8FFFFFFF  }
0x98: {  	s19 =	sld [smem:$0x3FDB];
	_ =	sdelay $0x1  }
0x99: {  	s20 =	simm.s32 $_scs_section_size  }
0x9a: {  	s4 =	simm.s32 $_size__tile_overlayer_lowered;
	s5 =	simm.s32 $_tile_overlayer_lowered  }
0x9b: {  	s6 =	simm.s32 $0x1BFF;
	s21 =	sshll.u32 s5, $0x1;
	s3 =	sadd.s32 s20, s19  }
0x9c: {  	s22 =	simm.s32 $0x0;
	s4 =	sshll.u32 s4, $0x1;
	s5 =	sadd.s32 s21, s3  }
0x9d: {  	[timem:s22], [sflag:s6] =	dma.local [hbm:s5], s4  }
0x9e: {  	_ =	swait.ge [sflag:s6], s4  }
0x9f: {  	s4 =	ssub.s32 $0x0, s4;
	[sflag:s6] =	ssyncset.done $0x0  }
0xa0: {  	[sflag:s6] =	ssyncadd.s32 s4;
	_ =	sdelay $0x1  }
0xa1: {  	s23 =	simm.s32 $0x1B8B  }
0xa2: {  	_ =	swait.ge [sflag:s23], $0x1  }
0xa3: {  	[sflag:s23] =	ssyncset.done $0x0  }
0xa4: {  	[sflag:s23] =	ssyncadd.s32 $0xFFFFFFFF  }
0xa5: {  	s4 =	sld [smem:$0x0]  }
0xa6: {  	s5 =	sand.u32 $0xFFFFFFFE, s1  }
0xa7: {  	p0 =	sne.s32 s1, s5  }
0xa8: {  	s5 =	sshll.u32 @p0 s5, $0xE  }
0xa9: {  	s5 =	sadd.s32 @p0 $0x11B8D, s5;
	s6 =	sshll.u32 @p0 s4, $0x11  }
0xaa: {  	s5 =	sor.u32 @p0 s6, s5  }
0xab: {  	[sflag:s5] =	ssyncadd.remote.s32 @p0 $0x1;
	_ =	sdelay $0x1  }
0xac: {  	s5 =	simm.s32 @p0 $0x1B8D  }
0xad: {  	_ =	swait.eq @p0 [sflag:s5], $0x1  }
0xae: {  	[sflag:s5] =	ssyncadd.s32 @p0 $0xFFFFFFFF  }
0xaf: {  	s6 =	sshll.u32 @!p0 s1, $0xE  }
0xb0: {  	s6 =	sor.u32 @!p0 $0x4000, s6;
	s5 =	simm.s32 @!p0 $0x1B8D  }
0xb1: {  	s4 =	sshll.u32 @!p0 s4, $0x11;
	s6 =	sadd.s32 @!p0 $0x11B8D, s6;
	_ =	swait.eq @!p0 [sflag:s5], $0x1  }
0xb2: {  	s4 =	sor.u32 @!p0 s4, s6;
	[sflag:s5] =	ssyncadd.s32 @!p0 $0xFFFFFFFF  }
0xb3: {  	s25 =	simm.s32 $0x1B8E;
	s24 =	sld [smem:$0x3FFE];
	[sflag:s4] =	ssyncadd.remote.s32 @!p0 $0x1  }
0xb4: {  	s26 =	simm.s32 $execute0_lowered;
	[smem:$0x3FD2] =	sst s25  }
0xb5: {  	s5 =	sshll.u32 s26, $0x1;
	_ =	strace $0x80000049;
	[dreg:$0x1] =	wrdreg $0xFFFFFFFF  }
0xb6: {  	s28 =	simm.s32 $_size_execute0_lowered;
	s3 =	sadd.s32 s3, s5;
	[dreg:$0x0] =	wrdreg $0x0  }
0xb7: {  	s5 =	sshll.u32 s28, $0x1;
	[dreg:$0x2] =	wrdreg s3  }
0xb8: {  	[dreg:$0x3] =	wrdreg s5  }
0xb9: {  	[dreg:$0x4] =	wrdreg $0xC0  }
0xba: {  	_ =	task [dreg:s22], $0x5FFFF  }
0xbb: {  	[dreg:$0x1] =	wrdreg $0xFFFFFFFF  }
0xbc: {  	[dreg:$0x0] =	wrdreg $0x60  }
0xbd: {  	[dreg:$0x2] =	wrdreg s24  }
0xbe: {  	[dreg:$0x3] =	wrdreg $0x68000  }
0xbf: {  	[dreg:$0x4] =	wrdreg $0x9  }
0xc0: {  	_ =	task.clear_ibuf [dreg:s22], $0x5FFFF;
	_ =	strace $0x90000049  }
0xc1: {  	s29 =	simm.s32 $0x9;
	_ =	strace $0x8000004B  }
0xc2: {  	_ =	swait.ge [sflag:s29], $0x1  }
0xc3: {  	[sflag:s29] =	ssyncadd.s32 $0xFFFFFFFF  }
0xc4: {  	_ =	strace $0x9000004B  }
0xc5: {  	_ =	sfence  }
0xc6: {  	s30 =	sld [smem:$0x0];
	_ =	sdelay $0x2  }
0xc7: {  	s31 =	sshll.u32 s1, $0xD;
	s1 =	sshrl.u32 s1, $0x2  }
0xc8: {  	s4 =	sand.u32 $0x4000, s31;
	s1 =	sadd.s32 s1, s30  }
0xc9: {  	s0 =	sor.u32 s4, s0;
	s1 =	sshll.u32 s1, $0x11  }
0xca: {  	s0 =	sor.u32 s1, s0  }
0xcb: {  	s0 =	sadd.s32 $0x8F2B, s0  }
0xcc: {  	[sflag:s0] =	ssyncadd.remote.s32 $0x1  }
0xcd: {  	_ =	sfence.sel $0xFFFF  }
0xce: {  	[dreg:$0x0] =	wrdreg $0xFFFFFFFF;
	(pc) =	sbr.abs _section_cstart, $3  }
0xcf: {  	[dreg:$0x1] =	wrdreg $0xFFFFFFFF  }
0xd0: {  	_ =	task.clear_ibuf [dreg:s22], $0x2FFFF;
	_ =	strace $0x9FFFFFFF  }
0xd1: {  	(tm) =	ssettm $0x7FFFFFFF  }
tec
execute0_lowered:
.L_overlay_start_1:
0x0: {  	(tag) =	ssettag $0x1  }
0x1: {  	s0 =	srdreg.scid;
	s7 =	rddreg [dreg:$0x0]  }
0x2: {  	s2 =	rddreg [dreg:$0x1];
	s3 =	simm.s32 $0x0;
	s18 =	simm.s32 $0x1  }
0x3: {  	s19 =	simm.s32 $0x2800;
	s6 =	sand.u32 $0x1, s0;
	s0 =	stileid.u32  }
0x4: {  	s20 =	simm.s32 $0x80;
	s21 =	simm.s32 $0x0;
	s8 =	smul.u32 $0x278, s0  }
0x5: {  	[smem:$0x7FF] =	sst s3;
	s5 =	sadd.s32 $0x82800, s7;
	s9 =	smul.u32 $0x2780, s6  }
0x6: {  	s1 =	sshll.u32 s6, $0x4;
	s11 =	smul.u32 $0x4F000, s0;
	s6 =	ssub.s32 $0x2, s6  }
0x7: {  	s4 =	sor.u32 s0, s1;
	s1 =	rddreg [dreg:$0x2];
	_ =	strace $0x8000004A  }
0x8: {  	s31 =	sshrl.u32 s6, $0x1;
	s4 =	smul.u32 $0x500, s4;
	s8 =	sadd.s32 s8, s9  }
0x9: {  	s11 =	sshrl.u32 s11, $0x2;
	s17 =	ssub.s32 s6, s31;
	s8 =	sshll.u32 s8, $0x4  }
0xa: {  	s6 =	sadd.s32 s11, s2;
	s17 =	smax.u32 s17, $0x1;
	s10 =	sadd.s32 s4, s7  }
0xb: {  	s4 =	sadd.s32 $0x83000, s7;
	s16 =	sadd.s32 s8, s7;
	s8 =	sadd.s32 $0x4000, s6  }
0xc: {  	s9 =	sadd.s32 $0x8000, s6;
	s11 =	sadd.s32 $0x10000, s6;
	s7 =	sadd.s32 $0x1400, s10  }
0xd: {  	s10 =	sadd.s32 $0xC000, s6;
	s12 =	sadd.s32 $0x83800, s16;
	s13 =	sadd.s32 $0x84000, s16  }
0xe: {  	s14 =	sadd.s32 $0x84800, s16;
	s15 =	sadd.s32 $0x85000, s16;
	s16 =	sadd.s32 $0x85800, s16  }
.LBB2_1:
0xf: {  	[tilespmem:s3], [sflag:$0x1] =	stream.linear.gather [hbm4b:s7+s3], $0x2800, $0x38;
	[tilespmem:$0x1A400] =	vst v63  }
0x10: {  	_ =	swait.ge [sflag:s18], $0x2800  }
0x11: {  	[sflag:s18] =	ssyncset.done $0x0  }
0x12: {  	[sflag:s18] =	ssyncadd.s32 $0xFFFFD800  }
0x13: {  	[tilespmem:s19], [sflag:$0x1] =	stream.linear.gather [hbm4b:s5+s3], $0x4000, $0x38;
	[tilespmem:$0x1A400] =	vst v63  }
0x14: {  	_ =	swait.ge [sflag:s18], $0x4000  }
0x15: {  	[sflag:s18] =	ssyncset.done $0x0  }
0x16: {  	[sflag:s18] =	ssyncadd.s32 $0xFFFFC000  }
0x17: {  	[spmem:s6] =	stream.linear.scatter [tilespmem:s19], [sflag:$0x1], $0x4000, $0x38;
	[tilespmem:$0x1A400] =	vst v63  }
0x18: {  	_ =	swait.ge [sflag:s18], $0x4000  }
0x19: {  	[sflag:s18] =	ssyncset.done $0x0  }
0x1a: {  	[sflag:s18] =	ssyncadd.s32 $0xFFFFC000  }
0x1b: {  	[spmem:s8] =	stream.linear.scatter [tilespmem:s19], [sflag:$0x1], $0x4000, $0x38;
	[tilespmem:$0x1A400] =	vst v63  }
0x1c: {  	_ =	swait.ge [sflag:s18], $0x4000  }
0x1d: {  	[sflag:s18] =	ssyncset.done $0x0  }
0x1e: {  	[sflag:s18] =	ssyncadd.s32 $0xFFFFC000  }
0x1f: {  	[spmem:s9] =	stream.linear.scatter [tilespmem:s19], [sflag:$0x1], $0x4000, $0x38;
	[tilespmem:$0x1A400] =	vst v63  }
0x20: {  	_ =	swait.ge [sflag:s18], $0x4000  }
0x21: {  	[sflag:s18] =	ssyncset.done $0x0  }
0x22: {  	[sflag:s18] =	ssyncadd.s32 $0xFFFFC000  }
0x23: {  	[spmem:s10] =	stream.linear.scatter [tilespmem:s19], [sflag:$0x1], $0x4000, $0x38;
	[tilespmem:$0x1A400] =	vst v63  }
0x24: {  	_ =	swait.ge [sflag:s18], $0x4000  }
0x25: {  	[sflag:s18] =	ssyncset.done $0x0  }
0x26: {  	[sflag:s18] =	ssyncadd.s32 $0xFFFFC000  }
0x27: {  	[spmem:s11] =	stream.linear.scatter [tilespmem:s19], [sflag:$0x1], $0x3C00, $0x38;
	[tilespmem:$0x1A400] =	vst v63  }
0x28: {  	_ =	swait.ge [sflag:s18], $0x3C00  }
0x29: {  	[sflag:s18] =	ssyncset.done $0x0  }
0x2a: {  	[sflag:s18] =	ssyncadd.s32 $0xFFFFC400  }
0x2b: {  	[tilespmem:s19], [sflag:$0x1] =	stream.linear.gather [hbm4b:s4+s3], $0x4000, $0x38;
	[tilespmem:$0x1A400] =	vst v63  }
0x2c: {  	_ =	swait.ge [sflag:s18], $0x4000  }
0x2d: {  	[sflag:s18] =	ssyncset.done $0x0  }
0x2e: {  	[sflag:s18] =	ssyncadd.s32 $0xFFFFC000  }
0x2f: {  	s22 =	simm.s32 $0x0;
	[bflag:$0x0] =	sbarrier.arrive $0xFFFF  }
0x30: {  	[spmem:s2] =	stream.indirect.scatter.add.f32 [tilespmem:s19], [sflag:$0x1], $0x80, s22, s20, $0xb8;
	[tilespmem:$0x1A400] =	vst v63  }
0x31: {  	_ =	swait.ge [sflag:s18], $0x4000  }
0x32: {  	s22 =	simm.s32 $0x200;
	[sflag:s18] =	ssyncset.done $0x0  }
.LBB2_2:
0x33: {  	s23 =	sshra.s32 s22, $0x2;
	[sflag:s18] =	ssyncadd.s32 $0xFFFFC000;
	p0 =	sne.s32 s22, $0x9E00  }
0x34: {  	[spmem:s2] =	stream.indirect.scatter.add.f32 [tilespmem:s19], [sflag:$0x1], $0x80, s23, s20, $0xb8;
	[tilespmem:$0x1A400] =	vst v63  }
.Ltmp0:
0x35: {  	_ = 	snop;
	(pc) =	sbr.rel @p0 .LBB2_2-.Ltmp0, $4  }
0x36: {  	_ = 	snop  }
0x37: {  	s22 =	sadd.s32 $0x200, s22  }
0x38: {  	_ =	swait.ge [sflag:s18], $0x4000  }
0x39: {  	[sflag:s18] =	ssyncset.done $0x0  }
0x3a: {  	[sflag:s18] =	ssyncadd.s32 $0xFFFFC000  }
0x3b: {  	[bflag:$0x0] =	sbarrier.arrive $0xFFFF  }
0x3c: {  	[tilespmem:s19], [sflag:$0x1] =	stream.linear.gather [spmem:s6], $0x4000, $0x38;
	[tilespmem:$0x1A400] =	vst v63  }
0x3d: {  	_ =	swait.ge [sflag:s18], $0x4000  }
0x3e: {  	[sflag:s18] =	ssyncset.done $0x0  }
0x3f: {  	[sflag:s18] =	ssyncadd.s32 $0xFFFFC000  }
0x40: {  	[hbm4b:s12+s3] =	stream.linear.scatter [tilespmem:s19], [sflag:$0x1], $0x4000, $0x38;
	[tilespmem:$0x1A400] =	vst v63  }
0x41: {  	_ =	swait.ge [sflag:s18], $0x4000  }
0x42: {  	[sflag:s18] =	ssyncset.done $0x0  }
0x43: {  	[sflag:s18] =	ssyncadd.s32 $0xFFFFC000  }
0x44: {  	[tilespmem:s19], [sflag:$0x1] =	stream.linear.gather [spmem:s8], $0x4000, $0x38;
	[tilespmem:$0x1A400] =	vst v63  }
0x45: {  	_ =	swait.ge [sflag:s18], $0x4000  }
0x46: {  	[sflag:s18] =	ssyncset.done $0x0  }
0x47: {  	[sflag:s18] =	ssyncadd.s32 $0xFFFFC000  }
0x48: {  	[hbm4b:s13+s3] =	stream.linear.scatter [tilespmem:s19], [sflag:$0x1], $0x4000, $0x38;
	[tilespmem:$0x1A400] =	vst v63  }
0x49: {  	_ =	swait.ge [sflag:s18], $0x4000  }
0x4a: {  	[sflag:s18] =	ssyncset.done $0x0  }
0x4b: {  	[sflag:s18] =	ssyncadd.s32 $0xFFFFC000  }
0x4c: {  	[tilespmem:s19], [sflag:$0x1] =	stream.linear.gather [spmem:s9], $0x4000, $0x38;
	[tilespmem:$0x1A400] =	vst v63  }
0x4d: {  	_ =	swait.ge [sflag:s18], $0x4000  }
0x4e: {  	[sflag:s18] =	ssyncset.done $0x0  }
0x4f: {  	[sflag:s18] =	ssyncadd.s32 $0xFFFFC000  }
0x50: {  	[hbm4b:s14+s3] =	stream.linear.scatter [tilespmem:s19], [sflag:$0x1], $0x4000, $0x38;
	[tilespmem:$0x1A400] =	vst v63  }
0x51: {  	_ =	swait.ge [sflag:s18], $0x4000  }
0x52: {  	[sflag:s18] =	ssyncset.done $0x0  }
0x53: {  	[sflag:s18] =	ssyncadd.s32 $0xFFFFC000  }
0x54: {  	[tilespmem:s19], [sflag:$0x1] =	stream.linear.gather [spmem:s10], $0x4000, $0x38;
	[tilespmem:$0x1A400] =	vst v63  }
0x55: {  	_ =	swait.ge [sflag:s18], $0x4000  }
0x56: {  	[sflag:s18] =	ssyncset.done $0x0  }
0x57: {  	[sflag:s18] =	ssyncadd.s32 $0xFFFFC000  }
0x58: {  	[hbm4b:s15+s3] =	stream.linear.scatter [tilespmem:s19], [sflag:$0x1], $0x4000, $0x38;
	[tilespmem:$0x1A400] =	vst v63  }
0x59: {  	_ =	swait.ge [sflag:s18], $0x4000  }
0x5a: {  	[sflag:s18] =	ssyncset.done $0x0  }
0x5b: {  	[sflag:s18] =	ssyncadd.s32 $0xFFFFC000  }
0x5c: {  	[tilespmem:s19], [sflag:$0x1] =	stream.linear.gather [spmem:s11], $0x3C00, $0x38;
	[tilespmem:$0x1A400] =	vst v63  }
0x5d: {  	s21 =	sadd.s32 $0x1, s21;
	_ =	swait.ge [sflag:s18], $0x3C00  }
0x5e: {  	p0 =	sne.s32 s21, s17;
	[sflag:s18] =	ssyncset.done $0x0  }
.Ltmp1:
0x5f: {  	[sflag:s18] =	ssyncadd.s32 $0xFFFFC400;
	(pc) =	sbr.rel @p0 .LBB2_1-.Ltmp1, $4  }
0x60: {  	[hbm4b:s16+s3] =	stream.linear.scatter [tilespmem:s19], [sflag:$0x1], $0x3C00, $0x38;
	[tilespmem:$0x1A400] =	vst v63  }
0x61: {  	_ =	swait.ge [sflag:s18], $0x3C00  }
0x62: {  	[sflag:s18] =	ssyncset.done $0x0  }
0x63: {  	[sflag:s18] =	ssyncadd.s32 $0xFFFFC400  }
0x64: {  	_ =	sfence.sel $0x180000  }
0x65: {  	[bflag:$0x0] =	sbarrier.arrive $0xFFFF  }
0x66: {  	p0 =	sne.s32 s0, $0x0;
	_ =	strace $0x9000004A  }
0x67: {  	s0 =	sadd.s32 @!p0 $0x100000, s1;
	[bflag:$0x2] =	sbarrier.arrive $0xFFFF  }
0x68: {  	[sflag:s0] =	ssyncadd.tile.s32 @!p0 $0x1;
	_ =	shalt  }
.Lfunc_end2:
_tile_overlayer_lowered:
.L_overlay_start_2:
0x69: {  	(tag) =	ssettag $0x2  }
0x6a: {  	s0 =	rddreg [dreg:$0x0];
	s2 =	stileid.u32  }
0x6b: {  	s1 =	rddreg [dreg:$0x1];
	p0 =	sne.s32 s2, $0x0  }
0x6c: {  	s3 =	rddreg [dreg:$0x2];
	[bflag:$0x3] =	sbarrier.arrive $0xFFFF;
	s2 =	simm.s32 @!p0 $0x1C01  }
0x6d: {  	[timem:s3], [sflag:s2] =	dma.local @!p0 [hbm:s0], s1  }
0x6e: {  	s0 =	simm.s32 @!p0 $0x1  }
0x6f: {  	_ =	swait.ge @!p0 [sflag:s0], s1  }
0x70: {  	s1 =	ssub.s32 @!p0 $0x0, s1;
	[sflag:s0] =	ssyncset.done @!p0 $0x0  }
0x71: {  	[sflag:s0] =	ssyncadd.s32 @!p0 s1  }
0x72: {  	[bflag:$0x3] =	sbarrier.arrive $0xFFFF  }
0x73: {  	_ =	shalt  }

// kernel: kernel.9.cloned.1.call-start
scs
__scs_entry_jumppad:
0x0: {  	(pc) =	sbr.rel $0x88, $3  }
0x1: {  	(tag) =	ssettag $0x0;
	lr =	simm.s32 $0x1  }
0x2: {  	[smem:$0x3F9C] =	sst lr;
	_ =	strace $0xD0000000  }
0x3: {  	_ = 	snop  }
0x4: {  	_ = 	snop  }
0x5: {  	_ = 	snop  }
0x6: {  	_ = 	snop  }
0x7: {  	_ = 	snop  }
__scs_overlays_trampoline_lowered:
0x8: {  	[smem:$0x3FAB] =	sst s0  }
0x9: {  	[smem:$0x3FAC] =	sst s1  }
0xa: {  	[smem:$0x3FAD] =	sst s2  }
0xb: {  	[smem:$0x3FAE] =	sst s3  }
0xc: {  	[smem:$0x3FAF] =	sst s4  }
0xd: {  	[smem:$0x3FB0] =	sst s5  }
0xe: {  	[smem:$0x3FB1] =	sst s6  }
0xf: {  	[smem:$0x3FB2] =	sst s7  }
0x10: {  	[smem:$0x3FB3] =	sst s8  }
0x11: {  	[smem:$0x3FB4] =	sst s9;
	s0 =	simm.s32 @!p0 $0x0  }
0x12: {  	s1 =	sld [smem:$0x3F9A];
	s0 =	simm.s32 @p0 $0x1  }
0x13: {  	[smem:$0x3FB5] =	sst s0;
	s0 =	simm.s32 @!p1 $0x0  }
0x14: {  	s2 =	sld [smem:$0x3F99];
	s0 =	simm.s32 @p1 $0x1  }
0x15: {  	[smem:$0x3FB6] =	sst s0;
	s0 =	simm.s32 @!p2 $0x0  }
0x16: {  	s3 =	sld [smem:$0x3FDB];
	s0 =	simm.s32 @p2 $0x1  }
0x17: {  	s4 =	simm.s32 $0x1BF5;
	[smem:$0x3FB8] =	sst s0  }
0x18: {  	s0 =	sld [smem:$0x3F9B];
	_ =	swait.ge [sflag:s4], $0x0  }
0x19: {  	s7 =	sld [smem:$0x3F9C]  }
0x1a: {  	s8 =	sadd.s32 $0xFFFFE003, lr  }
0x1b: {  	s9 =	sadd.s32 $0xFFFFFEF7, lr;
	s5 =	simm.s32 $0xFFFFFFFF;
	p2 =	slt.u32 s8, $0xFFFFF086  }
0x1c: {  	p1 =	slt.u32 s9, $0xF7A;
	s5 =	simm.s32 @!p2 $0x0  }
0x1d: {  	s5 =	simm.s32 @p1 $0x1;
	p0 =	seq.s32 s7, s2  }
0x1e: {  	s7 =	smul.u32 @!p0 $0xF7A, s2;
	p2 =	seq.s32 @!p0 s5, $0x0  }
0x1f: {  	s9 =	smul.u32 $0xF7A, s1;
	s8 =	simm.s32 @!p0 $0x1BF5;
	p2 =	por !p2, p0  }
0x20: {  	[sflag:s8] =	ssyncset.s32 @!p0 $0xFFFFF086;
	s6 =	sadd.s32 @!p0 s3, s7;
	s7 =	simm.s32 @!p0 $0x108  }
0x21: {  	s3 =	sadd.s32 s3, s9;
	s6 =	sadd.s32 @!p0 $0x88, s6;
	s7 =	simm.s32 @p2 $0x1082  }
0x22: {  	[simem:s7], [sflag:s8] =	dma.local @!p0 [hbm:s6], $0xF7A  }
0x23: {  	s9 =	sor.u32 $0xD0000000, s2;
	s6 =	simm.s32 $0x108;
	_ =	swait.ge @!p0 [sflag:s8], $0x0  }
0x24: {  	s3 =	sadd.s32 $0x88, s3;
	s6 =	simm.s32 @!p1 $0x1082;
	[sflag:s4] =	ssyncset.s32 $0xFFFFF086  }
0x25: {  	[simem:s6], [sflag:s4] =	dma.local [hbm:s3], $0xF7A  }
0x26: {  	[smem:$0x3F9C] =	sst s1;
	(tag) =	ssettag s2;
	_ =	strace s9  }
0x27: {  	s1 =	sld [smem:$0x3FAC]  }
0x28: {  	s2 =	sld [smem:$0x3FAD]  }
0x29: {  	s4 =	sld [smem:$0x3FAF]  }
0x2a: {  	p0 =	seq.s32 s5, $0x0;
	s5 =	sld [smem:$0x3FB0]  }
0x2b: {  	s6 =	sld [smem:$0x3FB1]  }
0x2c: {  	s7 =	sld [smem:$0x3FB2]  }
0x2d: {  	s3 =	simm.s32 $0x108;
	s8 =	sld [smem:$0x3FB3]  }
0x2e: {  	s3 =	simm.s32 @!p0 $0x1082;
	s9 =	sld [smem:$0x3FB4]  }
0x2f: {  	lr =	sadd.s32 s0, s3;
	s0 =	sld [smem:$0x3FAB]  }
0x30: {  	s3 =	sld [smem:$0x3FAE]  }
0x31: {  	[smem:$0x3FB7] =	sst s10  }
0x32: {  	s10 =	sld [smem:$0x3FB5];
	_ =	sdelay $0x3  }
0x33: {  	p0 =	seq.s32 s10, $0x1;
	s10 =	sld [smem:$0x3FB7];
	_ =	sdelay $0x3  }
0x34: {  	[smem:$0x3FB7] =	sst s10  }
0x35: {  	s10 =	sld [smem:$0x3FB6];
	_ =	sdelay $0x3  }
0x36: {  	p1 =	seq.s32 s10, $0x1;
	s10 =	sld [smem:$0x3FB7];
	_ =	sdelay $0x3  }
0x37: {  	[smem:$0x3FB7] =	sst s10  }
0x38: {  	s10 =	sld [smem:$0x3FB8]  }
0x39: {  	_ = 	snop;
	(pc) =	sbr.ind lr, $3  }
0x3a: {  	_ = 	snop  }
0x3b: {  	_ = 	snop  }
0x3c: {  	p2 =	seq.s32 s10, $0x1;
	s10 =	sld [smem:$0x3FB7]  }
0x3d: {  	_ =	shalt  }
0x3e: {  	_ =	shalt  }
0x3f: {  	_ =	shalt  }
0x40: {  	_ =	shalt  }
0x41: {  	_ =	shalt  }
0x42: {  	_ =	shalt  }
0x43: {  	_ =	shalt  }
0x44: {  	_ =	shalt  }
0x45: {  	_ =	shalt  }
0x46: {  	_ =	shalt  }
0x47: {  	_ =	shalt  }
0x48: {  	_ =	shalt  }
0x49: {  	_ =	shalt  }
0x4a: {  	_ =	shalt  }
0x4b: {  	_ =	shalt  }
0x4c: {  	_ =	shalt  }
0x4d: {  	_ =	shalt  }
0x4e: {  	_ =	shalt  }
0x4f: {  	_ =	shalt  }
0x50: {  	_ =	shalt  }
0x51: {  	_ =	shalt  }
0x52: {  	_ =	shalt  }
0x53: {  	_ =	shalt  }
0x54: {  	_ =	shalt  }
0x55: {  	_ =	shalt  }
0x56: {  	_ =	shalt  }
0x57: {  	_ =	shalt  }
0x58: {  	_ =	shalt  }
0x59: {  	_ =	shalt  }
0x5a: {  	_ =	shalt  }
0x5b: {  	_ =	shalt  }
0x5c: {  	_ =	shalt  }
0x5d: {  	_ =	shalt  }
0x5e: {  	_ =	shalt  }
0x5f: {  	_ =	shalt  }
0x60: {  	_ =	shalt  }
0x61: {  	_ =	shalt  }
0x62: {  	_ =	shalt  }
0x63: {  	_ =	shalt  }
0x64: {  	_ =	shalt  }
0x65: {  	_ =	shalt  }
0x66: {  	_ =	shalt  }
0x67: {  	_ =	shalt  }
0x68: {  	_ =	shalt  }
0x69: {  	_ =	shalt  }
0x6a: {  	_ =	shalt  }
0x6b: {  	_ =	shalt  }
0x6c: {  	_ =	shalt  }
0x6d: {  	_ =	shalt  }
0x6e: {  	_ =	shalt  }
0x6f: {  	_ =	shalt  }
0x70: {  	_ =	shalt  }
0x71: {  	_ =	shalt  }
0x72: {  	_ =	shalt  }
0x73: {  	_ =	shalt  }
0x74: {  	_ =	shalt  }
0x75: {  	_ =	shalt  }
0x76: {  	_ =	shalt  }
0x77: {  	_ =	shalt  }
0x78: {  	_ =	shalt  }
0x79: {  	_ =	shalt  }
0x7a: {  	_ =	shalt  }
0x7b: {  	_ =	shalt  }
0x7c: {  	_ =	shalt  }
0x7d: {  	_ =	shalt  }
0x7e: {  	_ =	shalt  }
0x7f: {  	_ =	shalt  }
0x80: {  	_ =	shalt  }
0x81: {  	_ =	shalt  }
0x82: {  	_ =	shalt  }
0x83: {  	_ =	shalt  }
0x84: {  	_ =	shalt  }
0x85: {  	_ =	shalt  }
0x86: {  	_ =	shalt  }
0x87: {  	_ =	shalt  }
.Lfunc_end0:
.L_simem_size_0:
called_computation.1_lowered:
.L_overlay_start_0:
0x88: {  	s2 =	sld [smem:$0x3FD9]  }
0x89: {  	s3 =	sld [smem:$0x3FFE];
	_ =	sdelay $0x1  }
0x8a: {  	s1 =	srdreg.scid  }
0x8b: {  	s0 =	sand.u32 $0x1, s1  }
0x8c: {  	s17 =	sshll.u32 s0, $0xA;
	s2 =	sadd.s32 s3, s2  }
0x8d: {  	s2 =	sadd.s32 s2, s17  }
0x8e: {  	[smem:$0x3FC3] =	sst s2  }
0x8f: {  	_ = 	snop  }
0x90: {  	s2 =	sld [smem:$0x3FD0];
	(tm) =	ssettm $0x1  }
0x91: {  	s18 =	sld [smem:$0x3FFB];
	_ =	sdelay $0x3  }
0x92: {  	_ =	strace s18  }
0x93: {  	s3 =	sld [smem:$0x3FFC];
	_ =	sdelay $0x3  }
0x94: {  	_ =	strace s3  }
0x95: {  	s3 =	sld [smem:$0x3FFD];
	_ =	sdelay $0x3  }
0x96: {  	_ =	strace s3  }
0x97: {  	_ =	strace $0x8FFFFFFF  }
0x98: {  	s19 =	sld [smem:$0x3FDB];
	_ =	sdelay $0x1  }
0x99: {  	s4 =	simm.s32 $_scs_section_size  }
0x9a: {  	s5 =	simm.s32 $_size__tile_overlayer_lowered;
	s6 =	simm.s32 $_tile_overlayer_lowered  }
0x9b: {  	s22 =	simm.s32 $0x1BFF;
	s21 =	sshll.u32 s6, $0x1;
	s3 =	sadd.s32 s4, s19  }
0x9c: {  	s7 =	simm.s32 $0x0;
	s20 =	sshll.u32 s5, $0x1;
	s5 =	sadd.s32 s21, s3  }
0x9d: {  	[timem:s7], [sflag:s22] =	dma.local [hbm:s5], s20  }
0x9e: {  	_ =	swait.ge [sflag:s22], s20  }
0x9f: {  	s4 =	ssub.s32 $0x0, s20;
	[sflag:s22] =	ssyncset.done $0x0  }
0xa0: {  	[sflag:s22] =	ssyncadd.s32 s4;
	_ =	sdelay $0x1  }
0xa1: {  	s23 =	simm.s32 $0x1B8B  }
0xa2: {  	_ =	swait.ge [sflag:s23], $0x1  }
0xa3: {  	[sflag:s23] =	ssyncset.done $0x0  }
0xa4: {  	s25 =	simm.s32 $0x1B8E;
	s24 =	sld [smem:$0x3FFE];
	[sflag:s23] =	ssyncadd.s32 $0xFFFFFFFF  }
0xa5: {  	s26 =	simm.s32 $execute0_lowered;
	[smem:$0x3FD2] =	sst s25  }
0xa6: {  	s5 =	sshll.u32 s26, $0x1;
	_ =	strace $0x80000046;
	[dreg:$0x1] =	wrdreg $0xFFFFFFFF  }
0xa7: {  	s28 =	simm.s32 $_size_execute0_lowered;
	s3 =	sadd.s32 s3, s5;
	[dreg:$0x0] =	wrdreg $0x0  }
0xa8: {  	s5 =	sshll.u32 s28, $0x1;
	[dreg:$0x2] =	wrdreg s3  }
0xa9: {  	[dreg:$0x3] =	wrdreg s5  }
0xaa: {  	[dreg:$0x4] =	wrdreg $0xC0  }
0xab: {  	_ =	task [dreg:s7], $0x5FFFF  }
0xac: {  	[dreg:$0x1] =	wrdreg $0xFFFFFFFF  }
0xad: {  	[dreg:$0x0] =	wrdreg $0x60  }
0xae: {  	[dreg:$0x2] =	wrdreg s2  }
0xaf: {  	[dreg:$0x3] =	wrdreg s24  }
0xb0: {  	[dreg:$0x4] =	wrdreg $0x88000  }
0xb1: {  	[dreg:$0x5] =	wrdreg $0xA  }
0xb2: {  	_ =	task.clear_ibuf [dreg:s7], $0x6FFFF;
	_ =	strace $0x90000046  }
0xb3: {  	s29 =	simm.s32 $0xA;
	_ =	strace $0x80000048  }
0xb4: {  	_ =	swait.ge [sflag:s29], $0x1  }
0xb5: {  	[sflag:s29] =	ssyncadd.s32 $0xFFFFFFFF  }
0xb6: {  	_ =	strace $0x90000048  }
0xb7: {  	_ =	sfence  }
0xb8: {  	s30 =	sld [smem:$0x0];
	_ =	sdelay $0x2  }
0xb9: {  	s31 =	sshll.u32 s1, $0xD;
	s1 =	sshrl.u32 s1, $0x2  }
0xba: {  	s3 =	sand.u32 $0x4000, s31;
	s1 =	sadd.s32 s1, s30  }
0xbb: {  	s0 =	sor.u32 s3, s0;
	s1 =	sshll.u32 s1, $0x11  }
0xbc: {  	s0 =	sor.u32 s1, s0  }
0xbd: {  	s0 =	sadd.s32 $0x8F2B, s0  }
0xbe: {  	[sflag:s0] =	ssyncadd.remote.s32 $0x1  }
0xbf: {  	_ =	sfence.sel $0xFFFF  }
0xc0: {  	[dreg:$0x0] =	wrdreg $0xFFFFFFFF;
	(pc) =	sbr.abs _section_cstart, $3  }
0xc1: {  	[dreg:$0x1] =	wrdreg $0xFFFFFFFF  }
0xc2: {  	_ =	task.clear_ibuf [dreg:s7], $0x2FFFF;
	_ =	strace $0x9FFFFFFF  }
0xc3: {  	(tm) =	ssettm $0x7FFFFFFF  }
tec
execute0_lowered:
.L_overlay_start_1:
0x0: {  	(tag) =	ssettag $0x1  }
0x1: {  	s1 =	rddreg [dreg:$0x0]  }
0x2: {  	s0 =	rddreg [dreg:$0x1]  }
0x3: {  	s3 =	rddreg [dreg:$0x2]  }
0x4: {  	s2 =	srdreg.scid;
	s9 =	stileid.u32  }
0x5: {  	s4 =	simm.s32 $0x0;
	s11 =	simm.s32 $0x80;
	s12 =	simm.s32 $0x180  }
0x6: {  	s2 =	sand.u32 $0x1, s2;
	[smem:$0x7FF] =	sst s4;
	s10 =	sadd.s32 $0x33400, s0  }
0x7: {  	s7 =	smul.u32 $0x2780, s2;
	_ =	strace $0x80000047;
	[dreg:$0x14] =	wrdreg s10  }
0x8: {  	s5 =	sshll.u32 s2, $0x4;
	s2 =	ssub.s32 $0x2, s2;
	[dreg:$0xc] =	wrdreg s11  }
0x9: {  	[dreg:$0xd] =	wrdreg s12;
	s8 =	sor.u32 s9, s5;
	s16 =	sshrl.u32 s2, $0x1  }
0xa: {  	s13 =	smul.u32 $0xA0, s8;
	s2 =	ssub.s32 s2, s16;
	s16 =	simm.s32 $0x280  }
0xb: {  	[dreg:$0xe] =	wrdreg s16;
	s16 =	smax.u32 s2, $0x1  }
0xc: {  	s18 =	sor.u32 $0x8, s13;
	[smem:$0x7F3] =	sst s16  }
0xd: {  	s19 =	sor.u32 $0x9, s13;
	[dreg:$0x4] =	wrdreg s18  }
0xe: {  	s20 =	sor.u32 $0xA, s13;
	[dreg:$0x5] =	wrdreg s19  }
0xf: {  	s6 =	smul.u32 $0x278, s9;
	s22 =	sor.u32 $0xB, s13;
	[dreg:$0x6] =	wrdreg s20  }
0x10: {  	s9 =	smul.u32 $0x4F000, s9;
	s24 =	sor.u32 $0xC, s13;
	[dreg:$0x7] =	wrdreg s22  }
0x11: {  	s8 =	smul.u32 $0x1400, s8;
	s26 =	sor.u32 $0xD, s13;
	[dreg:$0x8] =	wrdreg s24  }
0x12: {  	s17 =	sshrl.u32 s9, $0x2;
	s9 =	sor.u32 $0xE, s13;
	[dreg:$0x9] =	wrdreg s26  }
0x13: {  	s5 =	sadd.s32 $0xB400, s0;
	s10 =	sor.u32 $0xF, s13;
	[dreg:$0xa] =	wrdreg s9  }
0x14: {  	s8 =	sadd.s32 s5, s8;
	[dreg:$0xb] =	wrdreg s10  }
0x15: {  	s14 =	sadd.s32 s17, s3;
	[dreg:$0x1c] =	wrdreg s8  }
0x16: {  	s6 =	sadd.s32 s6, s7;
	s21 =	sadd.s32 $0x4000, s14;
	[dreg:$0x15] =	wrdreg s14  }
0x17: {  	s6 =	sshll.u32 s6, $0x4;
	s23 =	sadd.s32 $0x6000, s14;
	[dreg:$0x17] =	wrdreg s21  }
0x18: {  	s0 =	sadd.s32 s6, s0;
	s25 =	sadd.s32 $0x8000, s14;
	[dreg:$0x18] =	wrdreg s23  }
0x19: {  	s13 =	sadd.s32 $0x33800, s0;
	[dreg:$0x19] =	wrdreg s25  }
0x1a: {  	s17 =	sadd.s32 $0x33C00, s0;
	[dreg:$0x1d] =	wrdreg s13  }
0x1b: {  	s19 =	sadd.s32 $0x34000, s0;
	[dreg:$0x1e] =	wrdreg s17  }
0x1c: {  	s18 =	simm.s32 $0x380;
	[dreg:$0x1f] =	wrdreg s19  }
0x1d: {  	s20 =	simm.s32 $0x480;
	[dreg:$0xf] =	wrdreg s18  }
0x1e: {  	s24 =	sadd.s32 $0x34800, s0;
	[dreg:$0x10] =	wrdreg s20  }
0x1f: {  	s26 =	sadd.s32 $0x34C00, s0;
	[smem:$0x7ED] =	sst s24  }
0x20: {  	s11 =	sadd.s32 $0x35000, s0;
	[smem:$0x7EE] =	sst s26  }
0x21: {  	s12 =	sadd.s32 $0x35400, s0;
	[smem:$0x7EF] =	sst s11  }
0x22: {  	s10 =	simm.s32 $0x780;
	[smem:$0x7F0] =	sst s12  }
0x23: {  	s15 =	sadd.s32 $0x2000, s14;
	[dreg:$0x13] =	wrdreg s10  }
0x24: {  	s30 =	simm.s32 $0x40;
	s22 =	sadd.s32 $0xA000, s14;
	[dreg:$0x16] =	wrdreg s15  }
0x25: {  	s31 =	simm.s32 $0x2800;
	s7 =	sadd.s32 $0xC000, s14;
	[dreg:$0x1a] =	wrdreg s22  }
0x26: {  	s28 =	simm.s32 $0x8;
	s29 =	sadd.s32 $0x10000, s14;
	[dreg:$0x1b] =	wrdreg s7  }
0x27: {  	s2 =	simm.s32 $0x6800;
	s21 =	sadd.s32 $0x34400, s0;
	[smem:$0x7FC] =	sst s29  }
0x28: {  	s6 =	simm.s32 $0x1;
	s23 =	simm.s32 $0x580;
	[smem:$0x7EC] =	sst s21  }
0x29: {  	s16 =	simm.s32 $0x2;
	s25 =	simm.s32 $0x680;
	[dreg:$0x11] =	wrdreg s23  }
0x2a: {  	s9 =	simm.s32 $0xB;
	s13 =	sadd.s32 $0x35800, s0;
	[dreg:$0x12] =	wrdreg s25  }
0x2b: {  	s0 =	sadd.s32 $0x35C00, s0;
	s19 =	sadd.s32 $0x12000, s14;
	[smem:$0x7F1] =	sst s13  }
0x2c: {  	s17 =	sadd.s32 $0x20, s8;
	s18 =	sadd.s32 $0x40, s8;
	[smem:$0x7F2] =	sst s0  }
0x2d: {  	s20 =	sadd.s32 $0x60, s8;
	s24 =	sadd.s32 $0xA0, s8;
	[smem:$0x7F4] =	sst s17  }
0x2e: {  	s26 =	sadd.s32 $0xE0, s8;
	s10 =	simm.s32 $0x4;
	[smem:$0x7F5] =	sst s18  }
0x2f: {  	s11 =	simm.s32 $0xC;
	s12 =	simm.s32 $0x5;
	[smem:$0x7F6] =	sst s20  }
0x30: {  	s21 =	sadd.s32 $0xE000, s14;
	s23 =	sadd.s32 $0x80, s8;
	[smem:$0x7F8] =	sst s24  }
0x31: {  	s25 =	sadd.s32 $0xC0, s8;
	[smem:$0x7FA] =	sst s26;
	s17 =	simm.s32 $0x800  }
0x32: {  	s18 =	simm.s32 $0xD;
	s24 =	simm.s32 $0x400;
	[smem:$0x7FD] =	sst s19  }
0x33: {  	s0 =	simm.s32 $0x4800;
	s8 =	simm.s32 $0x3;
	[smem:$0x7F7] =	sst s23  }
0x34: {  	s13 =	simm.s32 $0x6;
	s26 =	simm.s32 $0x7;
	[smem:$0x7F9] =	sst s25  }
0x35: {  	s23 =	simm.s32 $0x500;
	s25 =	simm.s32 $0x0;
	[smem:$0x7FB] =	sst s21  }
.LBB2_1:
0x36: {  	[smem:$0x7EB] =	sst s25  }
0x37: {  	s20 =	smov.u32 s7;
	s7 =	rddreg [dreg:$0x14]  }
0x38: {  	[tilespmem:s17], [sflag:$0xD] =	stream.linear.gather [hbm4b:s7+s4], $0x2000, $0x38;
	[tilespmem:$0x1C400] =	vst v63  }
0x39: {  	_ =	swait.ge [sflag:s18], $0x2000  }
0x3a: {  	[sflag:s18] =	ssyncset.done $0x0  }
0x3b: {  	[sflag:s18] =	ssyncadd.s32 $0xFFFFE000  }
0x3c: {  	[spmem:s14] =	stream.linear.scatter [tilespmem:s17], [sflag:$0xD], $0x2000, $0x38;
	[tilespmem:$0x1C400] =	vst v63  }
0x3d: {  	_ =	swait.ge [sflag:s18], $0x2000  }
0x3e: {  	[sflag:s18] =	ssyncset.done $0x0  }
0x3f: {  	[sflag:s18] =	ssyncadd.s32 $0xFFFFE000  }
0x40: {  	[spmem:s15] =	stream.linear.scatter [tilespmem:s17], [sflag:$0xD], $0x2000, $0x38;
	[tilespmem:$0x1C400] =	vst v63  }
0x41: {  	_ =	swait.ge [sflag:s18], $0x2000  }
0x42: {  	[sflag:s18] =	ssyncset.done $0x0  }
0x43: {  	s15 =	rddreg [dreg:$0x17];
	[sflag:s18] =	ssyncadd.s32 $0xFFFFE000  }
0x44: {  	[spmem:s15] =	stream.linear.scatter [tilespmem:s17], [sflag:$0xD], $0x2000, $0x38;
	[tilespmem:$0x1C400] =	vst v63  }
0x45: {  	_ =	swait.ge [sflag:s18], $0x2000  }
0x46: {  	[sflag:s18] =	ssyncset.done $0x0  }
0x47: {  	s14 =	rddreg [dreg:$0x18];
	[sflag:s18] =	ssyncadd.s32 $0xFFFFE000  }
0x48: {  	[spmem:s14] =	stream.linear.scatter [tilespmem:s17], [sflag:$0xD], $0x2000, $0x38;
	[tilespmem:$0x1C400] =	vst v63  }
0x49: {  	_ =	swait.ge [sflag:s18], $0x2000  }
0x4a: {  	[sflag:s18] =	ssyncset.done $0x0  }
0x4b: {  	s15 =	rddreg [dreg:$0x19];
	[sflag:s18] =	ssyncadd.s32 $0xFFFFE000  }
0x4c: {  	[spmem:s15] =	stream.linear.scatter [tilespmem:s17], [sflag:$0xD], $0x2000, $0x38;
	[tilespmem:$0x1C400] =	vst v63  }
0x4d: {  	_ =	swait.ge [sflag:s18], $0x2000  }
0x4e: {  	[sflag:s18] =	ssyncset.done $0x0  }
0x4f: {  	[sflag:s18] =	ssyncadd.s32 $0xFFFFE000  }
0x50: {  	[spmem:s22] =	stream.linear.scatter [tilespmem:s17], [sflag:$0xD], $0x2000, $0x38;
	[tilespmem:$0x1C400] =	vst v63  }
0x51: {  	_ =	swait.ge [sflag:s18], $0x2000  }
0x52: {  	[sflag:s18] =	ssyncset.done $0x0  }
0x53: {  	[sflag:s18] =	ssyncadd.s32 $0xFFFFE000  }
0x54: {  	[spmem:s20] =	stream.linear.scatter [tilespmem:s17], [sflag:$0xD], $0x2000, $0x38;
	[tilespmem:$0x1C400] =	vst v63  }
0x55: {  	_ =	swait.ge [sflag:s18], $0x2000  }
0x56: {  	[sflag:s18] =	ssyncset.done $0x0  }
0x57: {  	[sflag:s18] =	ssyncadd.s32 $0xFFFFE000  }
0x58: {  	[spmem:s21] =	stream.linear.scatter [tilespmem:s17], [sflag:$0xD], $0x2000, $0x38;
	[tilespmem:$0x1C400] =	vst v63  }
0x59: {  	_ =	swait.ge [sflag:s18], $0x2000  }
0x5a: {  	[sflag:s18] =	ssyncset.done $0x0  }
0x5b: {  	[sflag:s18] =	ssyncadd.s32 $0xFFFFE000  }
0x5c: {  	[spmem:s29] =	stream.linear.scatter [tilespmem:s17], [sflag:$0xD], $0x2000, $0x38;
	[tilespmem:$0x1C400] =	vst v63  }
0x5d: {  	_ =	swait.ge [sflag:s18], $0x2000  }
0x5e: {  	[sflag:s18] =	ssyncset.done $0x0  }
0x5f: {  	[sflag:s18] =	ssyncadd.s32 $0xFFFFE000  }
0x60: {  	[spmem:s19] =	stream.linear.scatter [tilespmem:s17], [sflag:$0xD], $0x1C00, $0x38;
	[tilespmem:$0x1C400] =	vst v63  }
0x61: {  	_ =	swait.ge [sflag:s18], $0x1C00  }
0x62: {  	[sflag:s18] =	ssyncset.done $0x0  }
0x63: {  	[sflag:s18] =	ssyncadd.s32 $0xFFFFE400  }
0x64: {  	[bflag:$0x0] =	sbarrier.arrive $0xFFFF  }
0x65: {  	s19 =	rddreg [dreg:$0x1c]  }
0x66: {  	[tilespmem:s4], [sflag:$0xD] =	stream.linear.gather [hbm4b:s19+s4], $0x100, $0x38;
	[tilespmem:$0x1C400] =	vst v63  }
0x67: {  	_ =	swait.ge [sflag:s18], $0x100  }
0x68: {  	s20 =	sld [smem:$0x7F4]  }
0x69: {  	[sflag:s18] =	ssyncset.done $0x0  }
0x6a: {  	s15 =	simm.s32 $0x100;
	[sflag:s18] =	ssyncadd.s32 $0xFFFFFF00  }
0x6b: {  	[tilespmem:s15], [sflag:$0xD] =	stream.linear.gather [hbm4b:s20+s4], $0x100, $0x38;
	[tilespmem:$0x1C400] =	vst v63  }
0x6c: {  	_ =	swait.ge [sflag:s18], $0x100  }
0x6d: {  	s21 =	sld [smem:$0x7F5]  }
0x6e: {  	[sflag:s18] =	ssyncset.done $0x0  }
0x6f: {  	s14 =	simm.s32 $0x200;
	[sflag:s18] =	ssyncadd.s32 $0xFFFFFF00  }
0x70: {  	[tilespmem:s14], [sflag:$0xD] =	stream.linear.gather [hbm4b:s21+s4], $0x100, $0x38;
	[tilespmem:$0x1C400] =	vst v63  }
0x71: {  	_ =	swait.ge [sflag:s18], $0x100  }
0x72: {  	s22 =	sld [smem:$0x7F6]  }
0x73: {  	[sflag:s18] =	ssyncset.done $0x0  }
0x74: {  	s19 =	simm.s32 $0x300;
	[sflag:s18] =	ssyncadd.s32 $0xFFFFFF00  }
0x75: {  	[tilespmem:s19], [sflag:$0xD] =	stream.linear.gather [hbm4b:s22+s4], $0x100, $0x38;
	[tilespmem:$0x1C400] =	vst v63  }
0x76: {  	_ =	swait.ge [sflag:s18], $0x100  }
0x77: {  	s29 =	sld [smem:$0x7F7]  }
0x78: {  	[sflag:s18] =	ssyncset.done $0x0  }
0x79: {  	s20 =	sld [smem:$0x7F8];
	[sflag:s18] =	ssyncadd.s32 $0xFFFFFF00  }
0x7a: {  	[tilespmem:s24], [sflag:$0x9] =	stream.linear.gather [hbm4b:s29+s4], $0x100, $0x38;
	[tilespmem:$0x1C400] =	vst v63  }
0x7b: {  	s21 =	sld [smem:$0x7F9]  }
0x7c: {  	[tilespmem:s23], [sflag:$0xA] =	stream.linear.gather [hbm4b:s20+s4], $0x100, $0x38;
	[tilespmem:$0x1C400] =	vst v63  }
0x7d: {  	s25 =	simm.s32 $0x600;
	s22 =	sld [smem:$0x7FA]  }
0x7e: {  	[tilespmem:s25], [sflag:$0xB] =	stream.linear.gather [hbm4b:s21+s4], $0x100, $0x38;
	[tilespmem:$0x1C400] =	vst v63  }
0x7f: {  	s20 =	simm.s32 $0x700  }
0x80: {  	[tilespmem:s20], [sflag:$0xC] =	stream.linear.gather [hbm4b:s22+s4], $0x100, $0x38;
	[tilespmem:$0x1C400] =	vst v63  }
0x81: {  	_ = 	snop  }
0x82: {  	[tilespmem:s17], [sflag:$0x1] =	stream.indirect.gather [hbm4b:s1+s30], $0x80, s4, s30, $0xb8;
	[tilespmem:$0x1C400] =	vst v63  }
0x83: {  	_ = 	snop  }
0x84: {  	[tilespmem:s31], [sflag:$0x2] =	stream.indirect.gather [hbm4b:s1+s30], $0x80, s15, s30, $0xb8;
	[tilespmem:$0x1C400] =	vst v63  }
0x85: {  	_ = 	snop  }
0x86: {  	[tilespmem:s0], [sflag:$0x3] =	stream.indirect.gather [hbm4b:s1+s30], $0x80, s14, s30, $0xb8;
	[tilespmem:$0x1C400] =	vst v63  }
0x87: {  	_ = 	snop  }
0x88: {  	[tilespmem:s2], [sflag:$0x4] =	stream.indirect.gather [hbm4b:s1+s30], $0x80, s19, s30, $0xb8;
	[tilespmem:$0x1C400] =	vst v63  }
0x89: {  	_ =	swait.ge [sflag:s6], $0x2000  }
0x8a: {  	[sflag:s6] =	ssyncset.done $0x0  }
0x8b: {  	s29 =	rddreg [dreg:$0xc];
	[sflag:s6] =	ssyncadd.s32 $0xFFFFE000  }
0x8c: {  	[spmem:s3] =	stream.indirect.scatter.add.f32 [tilespmem:s17], [sflag:$0xD], $0x80, s29, s30, $0xb8;
	[tilespmem:$0x1C400] =	vst v63  }
0x8d: {  	_ =	swait.ge [sflag:s18], $0x2000  }
0x8e: {  	s22 =	smin.u32 s4, $0x97;
	s21 =	rddreg [dreg:$0x4]  }
0x8f: {  	s7 =	sadd.s32 s22, s21  }
0x90: {  	[sflag:s18] =	ssyncset.done $0x0;
	s7 =	sshll.u32 s7, $0x5  }
0x91: {  	s29 =	simm.s32 $0x9;
	[sflag:s18] =	ssyncadd.s32 $0xFFFFE000;
	s7 =	sadd.s32 s5, s7  }
0x92: {  	[tilespmem:s4], [sflag:$0x5] =	stream.linear.gather [hbm4b:s7+s4], $0x100, $0x38;
	[tilespmem:$0x1C400] =	vst v63  }
0x93: {  	_ =	swait.ge [sflag:s29], $0x100  }
0x94: {  	[sflag:s29] =	ssyncset.done $0x0  }
0x95: {  	[sflag:s29] =	ssyncadd.s32 $0xFFFFFF00  }
0x96: {  	[tilespmem:s17], [sflag:$0x1] =	stream.indirect.gather [hbm4b:s1+s30], $0x80, s24, s30, $0xb8;
	[tilespmem:$0x1C400] =	vst v63  }
0x97: {  	_ =	swait.ge [sflag:s16], $0x2000  }
0x98: {  	[sflag:s16] =	ssyncset.done $0x0  }
0x99: {  	s21 =	rddreg [dreg:$0xd];
	[sflag:s16] =	ssyncadd.s32 $0xFFFFE000  }
0x9a: {  	[spmem:s3] =	stream.indirect.scatter.add.f32 [tilespmem:s31], [sflag:$0xD], $0x80, s21, s30, $0xb8;
	[tilespmem:$0x1C400] =	vst v63  }
0x9b: {  	_ =	swait.ge [sflag:s18], $0x2000  }
0x9c: {  	s21 =	smin.u32 s4, $0x96;
	s22 =	rddreg [dreg:$0x5]  }
0x9d: {  	s7 =	sadd.s32 s21, s22  }
0x9e: {  	[sflag:s18] =	ssyncset.done $0x0;
	s7 =	sshll.u32 s7, $0x5  }
0x9f: {  	[sflag:s18] =	ssyncadd.s32 $0xFFFFE000;
	s22 =	simm.s32 $0xA;
	s7 =	sadd.s32 s5, s7  }
0xa0: {  	[tilespmem:s15], [sflag:$0x6] =	stream.linear.gather [hbm4b:s7+s4], $0x100, $0x38;
	[tilespmem:$0x1C400] =	vst v63  }
0xa1: {  	_ =	swait.ge [sflag:s22], $0x100  }
0xa2: {  	[sflag:s22] =	ssyncset.done $0x0  }
0xa3: {  	[sflag:s22] =	ssyncadd.s32 $0xFFFFFF00  }
0xa4: {  	[tilespmem:s31], [sflag:$0x2] =	stream.indirect.gather [hbm4b:s1+s30], $0x80, s23, s30, $0xb8;
	[tilespmem:$0x1C400] =	vst v63  }
0xa5: {  	_ =	swait.ge [sflag:s8], $0x2000  }
0xa6: {  	[sflag:s8] =	ssyncset.done $0x0  }
0xa7: {  	s29 =	rddreg [dreg:$0xe];
	[sflag:s8] =	ssyncadd.s32 $0xFFFFE000  }
0xa8: {  	[spmem:s3] =	stream.indirect.scatter.add.f32 [tilespmem:s0], [sflag:$0xD], $0x80, s29, s30, $0xb8;
	[tilespmem:$0x1C400] =	vst v63  }
0xa9: {  	_ =	swait.ge [sflag:s18], $0x2000  }
0xaa: {  	s22 =	smin.u32 s4, $0x95;
	s21 =	rddreg [dreg:$0x6]  }
0xab: {  	s7 =	sadd.s32 s22, s21  }
0xac: {  	[sflag:s18] =	ssyncset.done $0x0;
	s7 =	sshll.u32 s7, $0x5  }
0xad: {  	[sflag:s18] =	ssyncadd.s32 $0xFFFFE000;
	s7 =	sadd.s32 s5, s7  }
0xae: {  	[tilespmem:s14], [sflag:$0x7] =	stream.linear.gather [hbm4b:s7+s4], $0x100, $0x38;
	[tilespmem:$0x1C400] =	vst v63  }
0xaf: {  	_ =	swait.ge [sflag:s9], $0x100  }
0xb0: {  	[sflag:s9] =	ssyncset.done $0x0  }
0xb1: {  	[sflag:s9] =	ssyncadd.s32 $0xFFFFFF00  }
0xb2: {  	[tilespmem:s0], [sflag:$0x3] =	stream.indirect.gather [hbm4b:s1+s30], $0x80, s25, s30, $0xb8;
	[tilespmem:$0x1C400] =	vst v63  }
0xb3: {  	_ =	swait.ge [sflag:s10], $0x2000  }
0xb4: {  	[sflag:s10] =	ssyncset.done $0x0  }
0xb5: {  	s29 =	rddreg [dreg:$0xf];
	[sflag:s10] =	ssyncadd.s32 $0xFFFFE000  }
0xb6: {  	[spmem:s3] =	stream.indirect.scatter.add.f32 [tilespmem:s2], [sflag:$0xD], $0x80, s29, s30, $0xb8;
	[tilespmem:$0x1C400] =	vst v63  }
0xb7: {  	_ =	swait.ge [sflag:s18], $0x2000  }
0xb8: {  	s22 =	smin.u32 s4, $0x94;
	s21 =	rddreg [dreg:$0x7]  }
0xb9: {  	s7 =	sadd.s32 s22, s21  }
0xba: {  	[sflag:s18] =	ssyncset.done $0x0;
	s7 =	sshll.u32 s7, $0x5  }
0xbb: {  	[sflag:s18] =	ssyncadd.s32 $0xFFFFE000;
	s7 =	sadd.s32 s5, s7  }
0xbc: {  	[tilespmem:s19], [sflag:$0x8] =	stream.linear.gather [hbm4b:s7+s4], $0x100, $0x38;
	[tilespmem:$0x1C400] =	vst v63  }
0xbd: {  	_ =	swait.ge [sflag:s11], $0x100  }
0xbe: {  	[sflag:s11] =	ssyncset.done $0x0  }
0xbf: {  	[sflag:s11] =	ssyncadd.s32 $0xFFFFFF00  }
0xc0: {  	[tilespmem:s2], [sflag:$0x4] =	stream.indirect.gather [hbm4b:s1+s30], $0x80, s20, s30, $0xb8;
	[tilespmem:$0x1C400] =	vst v63  }
0xc1: {  	_ =	swait.ge [sflag:s6], $0x2000  }
0xc2: {  	[sflag:s6] =	ssyncset.done $0x0  }
0xc3: {  	s21 =	rddreg [dreg:$0x10];
	[sflag:s6] =	ssyncadd.s32 $0xFFFFE000  }
0xc4: {  	[spmem:s3] =	stream.indirect.scatter.add.f32 [tilespmem:s17], [sflag:$0xD], $0x80, s21, s30, $0xb8;
	[tilespmem:$0x1C400] =	vst v63  }
0xc5: {  	_ =	swait.ge [sflag:s18], $0x2000  }
0xc6: {  	s20 =	smin.u32 s4, $0x93;
	s22 =	rddreg [dreg:$0x8]  }
0xc7: {  	s7 =	sadd.s32 s20, s22  }
0xc8: {  	[sflag:s18] =	ssyncset.done $0x0;
	s7 =	sshll.u32 s7, $0x5  }
0xc9: {  	[sflag:s18] =	ssyncadd.s32 $0xFFFFE000;
	s7 =	sadd.s32 s5, s7  }
0xca: {  	[tilespmem:s24], [sflag:$0x9] =	stream.linear.gather [hbm4b:s7+s4], $0x100, $0x38;
	[tilespmem:$0x1C400] =	vst v63  }
0xcb: {  	_ =	swait.ge [sflag:s12], $0x100  }
0xcc: {  	[sflag:s12] =	ssyncset.done $0x0  }
0xcd: {  	[sflag:s12] =	ssyncadd.s32 $0xFFFFFF00  }
0xce: {  	[tilespmem:s17], [sflag:$0x1] =	stream.indirect.gather [hbm4b:s1+s30], $0x80, s4, s30, $0xb8;
	[tilespmem:$0x1C400] =	vst v63  }
0xcf: {  	_ =	swait.ge [sflag:s16], $0x2000  }
0xd0: {  	[sflag:s16] =	ssyncset.done $0x0  }
0xd1: {  	s21 =	rddreg [dreg:$0x11];
	[sflag:s16] =	ssyncadd.s32 $0xFFFFE000  }
0xd2: {  	[spmem:s3] =	stream.indirect.scatter.add.f32 [tilespmem:s31], [sflag:$0xD], $0x80, s21, s30, $0xb8;
	[tilespmem:$0x1C400] =	vst v63  }
0xd3: {  	_ =	swait.ge [sflag:s18], $0x2000  }
0xd4: {  	s24 =	smin.u32 s4, $0x92;
	s22 =	rddreg [dreg:$0x9]  }
0xd5: {  	s7 =	sadd.s32 s24, s22  }
0xd6: {  	[sflag:s18] =	ssyncset.done $0x0;
	s7 =	sshll.u32 s7, $0x5  }
0xd7: {  	[sflag:s18] =	ssyncadd.s32 $0xFFFFE000;
	s7 =	sadd.s32 s5, s7  }
0xd8: {  	[tilespmem:s23], [sflag:$0xA] =	stream.linear.gather [hbm4b:s7+s4], $0x100, $0x38;
	[tilespmem:$0x1C400] =	vst v63  }
0xd9: {  	_ =	swait.ge [sflag:s13], $0x100  }
0xda: {  	[sflag:s13] =	ssyncset.done $0x0  }
0xdb: {  	[sflag:s13] =	ssyncadd.s32 $0xFFFFFF00  }
0xdc: {  	[tilespmem:s31], [sflag:$0x2] =	stream.indirect.gather [hbm4b:s1+s30], $0x80, s15, s30, $0xb8;
	[tilespmem:$0x1C400] =	vst v63  }
0xdd: {  	_ =	swait.ge [sflag:s8], $0x2000  }
0xde: {  	[sflag:s8] =	ssyncset.done $0x0  }
0xdf: {  	s20 =	rddreg [dreg:$0x12];
	[sflag:s8] =	ssyncadd.s32 $0xFFFFE000  }
0xe0: {  	[spmem:s3] =	stream.indirect.scatter.add.f32 [tilespmem:s0], [sflag:$0xD], $0x80, s20, s30, $0xb8;
	[tilespmem:$0x1C400] =	vst v63  }
0xe1: {  	_ =	swait.ge [sflag:s18], $0x2000  }
0xe2: {  	s22 =	smin.u32 s4, $0x91;
	s21 =	rddreg [dreg:$0xa]  }
0xe3: {  	s7 =	sadd.s32 s22, s21  }
0xe4: {  	[sflag:s18] =	ssyncset.done $0x0;
	s7 =	sshll.u32 s7, $0x5  }
0xe5: {  	[sflag:s18] =	ssyncadd.s32 $0xFFFFE000;
	s7 =	sadd.s32 s5, s7  }
0xe6: {  	[tilespmem:s25], [sflag:$0xB] =	stream.linear.gather [hbm4b:s7+s4], $0x100, $0x38;
	[tilespmem:$0x1C400] =	vst v63  }
0xe7: {  	_ =	swait.ge [sflag:s26], $0x100  }
0xe8: {  	[sflag:s26] =	ssyncset.done $0x0  }
0xe9: {  	[sflag:s26] =	ssyncadd.s32 $0xFFFFFF00  }
0xea: {  	[tilespmem:s0], [sflag:$0x3] =	stream.indirect.gather [hbm4b:s1+s30], $0x80, s14, s30, $0xb8;
	[tilespmem:$0x1C400] =	vst v63  }
0xeb: {  	_ =	swait.ge [sflag:s10], $0x2000  }
0xec: {  	[sflag:s10] =	ssyncset.done $0x0  }
0xed: {  	s23 =	rddreg [dreg:$0x13];
	[sflag:s10] =	ssyncadd.s32 $0xFFFFE000  }
0xee: {  	[spmem:s3] =	stream.indirect.scatter.add.f32 [tilespmem:s2], [sflag:$0xD], $0x80, s23, s30, $0xb8;
	[tilespmem:$0x1C400] =	vst v63  }
0xef: {  	_ =	swait.ge [sflag:s18], $0x2000  }
0xf0: {  	s25 =	smin.u32 s4, $0x90;
	s24 =	rddreg [dreg:$0xb]  }
0xf1: {  	s7 =	sadd.s32 s25, s24  }
0xf2: {  	[sflag:s18] =	ssyncset.done $0x0;
	s7 =	sshll.u32 s7, $0x5  }
0xf3: {  	s19 =	simm.s32 $0x700;
	[sflag:s18] =	ssyncadd.s32 $0xFFFFE000;
	s7 =	sadd.s32 s5, s7  }
0xf4: {  	[tilespmem:s19], [sflag:$0xC] =	stream.linear.gather [hbm4b:s7+s4], $0x100, $0x38;
	[tilespmem:$0x1C400] =	vst v63  }
0xf5: {  	_ =	swait.ge [sflag:s28], $0x100  }
0xf6: {  	s21 =	simm.s32 $0x600;
	s22 =	simm.s32 $0x700;
	[sflag:s28] =	ssyncset.done $0x0  }
0xf7: {  	s25 =	simm.s32 $0x500;
	s7 =	simm.s32 $0x8;
	[sflag:s28] =	ssyncadd.s32 $0xFFFFFF00  }
.LBB2_2:
0xf8: {  	s24 =	simm.s32 $0x300  }
0xf9: {  	[tilespmem:s2], [sflag:$0x4] =	stream.indirect.gather [hbm4b:s1+s30], $0x80, s24, s30, $0xb8;
	[tilespmem:$0x1C400] =	vst v63  }
0xfa: {  	_ =	swait.ge [sflag:s6], $0x2000  }
0xfb: {  	[sflag:s6] =	ssyncset.done $0x0  }
0xfc: {  	s19 =	rddreg [dreg:$0xc];
	[sflag:s6] =	ssyncadd.s32 $0xFFFFE000  }
0xfd: {  	[spmem:s3] =	stream.indirect.scatter.add.f32 [tilespmem:s17], [sflag:$0xD], $0x80, s19, s30, $0xb8;
	[tilespmem:$0x1C400] =	vst v63  }
0xfe: {  	s29 =	smov.u32 s7;
	_ =	swait.ge [sflag:s18], $0x2000  }
0xff: {  	s20 =	smin.u32 s29, $0x97;
	s15 =	rddreg [dreg:$0x4]  }
0x100: {  	s19 =	sadd.s32 s20, s15  }
0x101: {  	[sflag:s18] =	ssyncset.done $0x0;
	s19 =	sshll.u32 s19, $0x5  }
0x102: {  	[sflag:s18] =	ssyncadd.s32 $0xFFFFE000;
	s15 =	simm.s32 $0x9;
	s19 =	sadd.s32 s5, s19  }
0x103: {  	[tilespmem:s4], [sflag:$0x5] =	stream.linear.gather [hbm4b:s19+s4], $0x100, $0x38;
	[tilespmem:$0x1C400] =	vst v63  }
0x104: {  	_ =	swait.ge [sflag:s15], $0x100  }
0x105: {  	[sflag:s15] =	ssyncset.done $0x0  }
0x106: {  	s23 =	simm.s32 $0x400;
	[sflag:s15] =	ssyncadd.s32 $0xFFFFFF00  }
0x107: {  	[tilespmem:s17], [sflag:$0x1] =	stream.indirect.gather [hbm4b:s1+s30], $0x80, s23, s30, $0xb8;
	[tilespmem:$0x1C400] =	vst v63  }
0x108: {  	_ =	swait.ge [sflag:s16], $0x2000  }
0x109: {  	[sflag:s16] =	ssyncset.done $0x0  }
0x10a: {  	s23 =	rddreg [dreg:$0xd];
	[sflag:s16] =	ssyncadd.s32 $0xFFFFE000  }
0x10b: {  	[spmem:s3] =	stream.indirect.scatter.add.f32 [tilespmem:s31], [sflag:$0xD], $0x80, s23, s30, $0xb8;
	[tilespmem:$0x1C400] =	vst v63  }
0x10c: {  	_ =	swait.ge [sflag:s18], $0x2000  }
0x10d: {  	s15 =	smin.u32 s29, $0x96;
	s14 =	rddreg [dreg:$0x5]  }
0x10e: {  	[sflag:s18] =	ssyncset.done $0x0;
	s19 =	sadd.s32 s15, s14  }
0x10f: {  	[sflag:s18] =	ssyncadd.s32 $0xFFFFE000;
	s19 =	sshll.u32 s19, $0x5  }
0x110: {  	s15 =	simm.s32 $0x100;
	s14 =	simm.s32 $0xA;
	s19 =	sadd.s32 s5, s19  }
0x111: {  	[tilespmem:s15], [sflag:$0x6] =	stream.linear.gather [hbm4b:s19+s4], $0x100, $0x38;
	[tilespmem:$0x1C400] =	vst v63  }
0x112: {  	_ =	swait.ge [sflag:s14], $0x100  }
0x113: {  	[sflag:s14] =	ssyncset.done $0x0  }
0x114: {  	[sflag:s14] =	ssyncadd.s32 $0xFFFFFF00  }
0x115: {  	[tilespmem:s31], [sflag:$0x2] =	stream.indirect.gather [hbm4b:s1+s30], $0x80, s25, s30, $0xb8;
	[tilespmem:$0x1C400] =	vst v63  }
0x116: {  	_ =	swait.ge [sflag:s8], $0x2000  }
0x117: {  	[sflag:s8] =	ssyncset.done $0x0  }
0x118: {  	s20 =	rddreg [dreg:$0xe];
	[sflag:s8] =	ssyncadd.s32 $0xFFFFE000  }
0x119: {  	[spmem:s3] =	stream.indirect.scatter.add.f32 [tilespmem:s0], [sflag:$0xD], $0x80, s20, s30, $0xb8;
	[tilespmem:$0x1C400] =	vst v63  }
0x11a: {  	_ =	swait.ge [sflag:s18], $0x2000  }
0x11b: {  	s14 =	smin.u32 s29, $0x95;
	s23 =	rddreg [dreg:$0x6]  }
0x11c: {  	s19 =	sadd.s32 s14, s23  }
0x11d: {  	[sflag:s18] =	ssyncset.done $0x0;
	s19 =	sshll.u32 s19, $0x5  }
0x11e: {  	[sflag:s18] =	ssyncadd.s32 $0xFFFFE000;
	s14 =	simm.s32 $0x200;
	s19 =	sadd.s32 s5, s19  }
0x11f: {  	[tilespmem:s14], [sflag:$0x7] =	stream.linear.gather [hbm4b:s19+s4], $0x100, $0x38;
	[tilespmem:$0x1C400] =	vst v63  }
0x120: {  	_ =	swait.ge [sflag:s9], $0x100  }
0x121: {  	[sflag:s9] =	ssyncset.done $0x0  }
0x122: {  	[sflag:s9] =	ssyncadd.s32 $0xFFFFFF00  }
0x123: {  	[tilespmem:s0], [sflag:$0x3] =	stream.indirect.gather [hbm4b:s1+s30], $0x80, s21, s30, $0xb8;
	[tilespmem:$0x1C400] =	vst v63  }
0x124: {  	_ =	swait.ge [sflag:s10], $0x2000  }
0x125: {  	[sflag:s10] =	ssyncset.done $0x0  }
0x126: {  	s23 =	rddreg [dreg:$0xf];
	[sflag:s10] =	ssyncadd.s32 $0xFFFFE000  }
0x127: {  	[spmem:s3] =	stream.indirect.scatter.add.f32 [tilespmem:s2], [sflag:$0xD], $0x80, s23, s30, $0xb8;
	[tilespmem:$0x1C400] =	vst v63  }
0x128: {  	_ =	swait.ge [sflag:s18], $0x2000  }
0x129: {  	s23 =	smin.u32 s29, $0x94;
	s20 =	rddreg [dreg:$0x7]  }
0x12a: {  	s19 =	sadd.s32 s23, s20  }
0x12b: {  	[sflag:s18] =	ssyncset.done $0x0;
	s19 =	sshll.u32 s19, $0x5  }
0x12c: {  	[sflag:s18] =	ssyncadd.s32 $0xFFFFE000;
	s19 =	sadd.s32 s5, s19  }
0x12d: {  	[tilespmem:s24], [sflag:$0x8] =	stream.linear.gather [hbm4b:s19+s4], $0x100, $0x38;
	[tilespmem:$0x1C400] =	vst v63  }
0x12e: {  	_ =	swait.ge [sflag:s11], $0x100  }
0x12f: {  	[sflag:s11] =	ssyncset.done $0x0  }
0x130: {  	[sflag:s11] =	ssyncadd.s32 $0xFFFFFF00  }
0x131: {  	[tilespmem:s2], [sflag:$0x4] =	stream.indirect.gather [hbm4b:s1+s30], $0x80, s22, s30, $0xb8;
	[tilespmem:$0x1C400] =	vst v63  }
0x132: {  	_ =	swait.ge [sflag:s6], $0x2000  }
0x133: {  	[sflag:s6] =	ssyncset.done $0x0  }
0x134: {  	s20 =	rddreg [dreg:$0x10];
	[sflag:s6] =	ssyncadd.s32 $0xFFFFE000  }
0x135: {  	[spmem:s3] =	stream.indirect.scatter.add.f32 [tilespmem:s17], [sflag:$0xD], $0x80, s20, s30, $0xb8;
	[tilespmem:$0x1C400] =	vst v63  }
0x136: {  	_ =	swait.ge [sflag:s18], $0x2000  }
0x137: {  	s20 =	smin.u32 s29, $0x93;
	s19 =	rddreg [dreg:$0x8]  }
0x138: {  	s19 =	sadd.s32 s20, s19  }
0x139: {  	[sflag:s18] =	ssyncset.done $0x0;
	s19 =	sshll.u32 s19, $0x5  }
0x13a: {  	s24 =	simm.s32 $0x400;
	[sflag:s18] =	ssyncadd.s32 $0xFFFFE000;
	s19 =	sadd.s32 s5, s19  }
0x13b: {  	[tilespmem:s24], [sflag:$0x9] =	stream.linear.gather [hbm4b:s19+s4], $0x100, $0x38;
	[tilespmem:$0x1C400] =	vst v63  }
0x13c: {  	_ =	swait.ge [sflag:s12], $0x100  }
0x13d: {  	[sflag:s12] =	ssyncset.done $0x0  }
0x13e: {  	[sflag:s12] =	ssyncadd.s32 $0xFFFFFF00  }
0x13f: {  	[tilespmem:s17], [sflag:$0x1] =	stream.indirect.gather [hbm4b:s1+s30], $0x80, s4, s30, $0xb8;
	[tilespmem:$0x1C400] =	vst v63  }
0x140: {  	_ =	swait.ge [sflag:s16], $0x2000  }
0x141: {  	[sflag:s16] =	ssyncset.done $0x0  }
0x142: {  	s20 =	rddreg [dreg:$0x11];
	[sflag:s16] =	ssyncadd.s32 $0xFFFFE000  }
0x143: {  	[spmem:s3] =	stream.indirect.scatter.add.f32 [tilespmem:s31], [sflag:$0xD], $0x80, s20, s30, $0xb8;
	[tilespmem:$0x1C400] =	vst v63  }
0x144: {  	_ =	swait.ge [sflag:s18], $0x2000  }
0x145: {  	s20 =	smin.u32 s29, $0x92;
	s19 =	rddreg [dreg:$0x9]  }
0x146: {  	s19 =	sadd.s32 s20, s19  }
0x147: {  	[sflag:s18] =	ssyncset.done $0x0;
	s19 =	sshll.u32 s19, $0x5  }
0x148: {  	[sflag:s18] =	ssyncadd.s32 $0xFFFFE000;
	s19 =	sadd.s32 s5, s19  }
0x149: {  	[tilespmem:s25], [sflag:$0xA] =	stream.linear.gather [hbm4b:s19+s4], $0x100, $0x38;
	[tilespmem:$0x1C400] =	vst v63  }
0x14a: {  	_ =	swait.ge [sflag:s13], $0x100  }
0x14b: {  	[sflag:s13] =	ssyncset.done $0x0  }
0x14c: {  	[sflag:s13] =	ssyncadd.s32 $0xFFFFFF00  }
0x14d: {  	[tilespmem:s31], [sflag:$0x2] =	stream.indirect.gather [hbm4b:s1+s30], $0x80, s15, s30, $0xb8;
	[tilespmem:$0x1C400] =	vst v63  }
0x14e: {  	_ =	swait.ge [sflag:s8], $0x2000  }
0x14f: {  	[sflag:s8] =	ssyncset.done $0x0  }
0x150: {  	s15 =	rddreg [dreg:$0x12];
	[sflag:s8] =	ssyncadd.s32 $0xFFFFE000  }
0x151: {  	[spmem:s3] =	stream.indirect.scatter.add.f32 [tilespmem:s0], [sflag:$0xD], $0x80, s15, s30, $0xb8;
	[tilespmem:$0x1C400] =	vst v63  }
0x152: {  	_ =	swait.ge [sflag:s18], $0x2000  }
0x153: {  	s15 =	smin.u32 s29, $0x91;
	s20 =	rddreg [dreg:$0xa]  }
0x154: {  	s19 =	sadd.s32 s15, s20  }
0x155: {  	[sflag:s18] =	ssyncset.done $0x0;
	s19 =	sshll.u32 s19, $0x5  }
0x156: {  	[sflag:s18] =	ssyncadd.s32 $0xFFFFE000;
	s19 =	sadd.s32 s5, s19  }
0x157: {  	[tilespmem:s21], [sflag:$0xB] =	stream.linear.gather [hbm4b:s19+s4], $0x100, $0x38;
	[tilespmem:$0x1C400] =	vst v63  }
0x158: {  	_ =	swait.ge [sflag:s26], $0x100  }
0x159: {  	[sflag:s26] =	ssyncset.done $0x0  }
0x15a: {  	[sflag:s26] =	ssyncadd.s32 $0xFFFFFF00  }
0x15b: {  	[tilespmem:s0], [sflag:$0x3] =	stream.indirect.gather [hbm4b:s1+s30], $0x80, s14, s30, $0xb8;
	[tilespmem:$0x1C400] =	vst v63  }
0x15c: {  	_ =	swait.ge [sflag:s10], $0x2000  }
0x15d: {  	[sflag:s10] =	ssyncset.done $0x0  }
0x15e: {  	s15 =	rddreg [dreg:$0x13];
	[sflag:s10] =	ssyncadd.s32 $0xFFFFE000  }
0x15f: {  	[spmem:s3] =	stream.indirect.scatter.add.f32 [tilespmem:s2], [sflag:$0xD], $0x80, s15, s30, $0xb8;
	[tilespmem:$0x1C400] =	vst v63  }
0x160: {  	_ =	swait.ge [sflag:s18], $0x2000  }
0x161: {  	s29 =	smin.u32 s29, $0x90;
	s20 =	rddreg [dreg:$0xb]  }
0x162: {  	s19 =	sadd.s32 s29, s20  }
0x163: {  	p0 =	sne.s32 s7, $0x98;
	[sflag:s18] =	ssyncset.done $0x0;
	s19 =	sshll.u32 s19, $0x5  }
.Ltmp0:
0x164: {  	[sflag:s18] =	ssyncadd.s32 $0xFFFFE000;
	s19 =	sadd.s32 s5, s19;
	(pc) =	sbr.rel @p0 .LBB2_2-.Ltmp0, $4  }
0x165: {  	[tilespmem:s22], [sflag:$0xC] =	stream.linear.gather [hbm4b:s19+s4], $0x100, $0x38;
	[tilespmem:$0x1C400] =	vst v63  }
0x166: {  	_ =	swait.ge [sflag:s28], $0x100  }
0x167: {  	[sflag:s28] =	ssyncset.done $0x0  }
0x168: {  	s7 =	sadd.s32 $0x8, s7;
	s23 =	simm.s32 $0x300;
	[sflag:s28] =	ssyncadd.s32 $0xFFFFFF00  }
0x169: {  	[tilespmem:s2], [sflag:$0x4] =	stream.indirect.gather [hbm4b:s1+s30], $0x80, s23, s30, $0xb8;
	[tilespmem:$0x1C400] =	vst v63  }
0x16a: {  	_ =	swait.ge [sflag:s6], $0x2000  }
0x16b: {  	[sflag:s6] =	ssyncset.done $0x0  }
0x16c: {  	[sflag:s6] =	ssyncadd.s32 $0xFFFFE000  }
0x16d: {  	_ =	swait.ge [sflag:s16], $0x2000  }
0x16e: {  	[sflag:s16] =	ssyncset.done $0x0  }
0x16f: {  	[sflag:s16] =	ssyncadd.s32 $0xFFFFE000  }
0x170: {  	_ =	swait.ge [sflag:s8], $0x2000  }
0x171: {  	[sflag:s8] =	ssyncset.done $0x0  }
0x172: {  	[sflag:s8] =	ssyncadd.s32 $0xFFFFE000  }
0x173: {  	_ =	swait.ge [sflag:s10], $0x2000  }
0x174: {  	[sflag:s10] =	ssyncset.done $0x0  }
0x175: {  	s7 =	simm.s32 $0x9;
	[sflag:s10] =	ssyncadd.s32 $0xFFFFE000  }
0x176: {  	_ =	swait.ge [sflag:s7], $0x100  }
0x177: {  	[sflag:s7] =	ssyncset.done $0x0  }
0x178: {  	s20 =	simm.s32 $0xA;
	[sflag:s7] =	ssyncadd.s32 $0xFFFFFF00  }
0x179: {  	_ =	swait.ge [sflag:s20], $0x100  }
0x17a: {  	[sflag:s20] =	ssyncset.done $0x0  }
0x17b: {  	[sflag:s20] =	ssyncadd.s32 $0xFFFFFF00  }
0x17c: {  	_ =	swait.ge [sflag:s9], $0x100  }
0x17d: {  	[sflag:s9] =	ssyncset.done $0x0  }
0x17e: {  	[sflag:s9] =	ssyncadd.s32 $0xFFFFFF00  }
0x17f: {  	_ =	swait.ge [sflag:s11], $0x100  }
0x180: {  	[sflag:s11] =	ssyncset.done $0x0  }
0x181: {  	[sflag:s11] =	ssyncadd.s32 $0xFFFFFF00  }
0x182: {  	[bflag:$0x0] =	sbarrier.arrive $0xFFFF  }
0x183: {  	s14 =	rddreg [dreg:$0x15]  }
0x184: {  	[tilespmem:s17], [sflag:$0xD] =	stream.linear.gather [spmem:s14], $0x2000, $0x38;
	[tilespmem:$0x1C400] =	vst v63  }
0x185: {  	_ =	swait.ge [sflag:s18], $0x2000  }
0x186: {  	[sflag:s18] =	ssyncset.done $0x0  }
0x187: {  	s21 =	rddreg [dreg:$0x1d];
	[sflag:s18] =	ssyncadd.s32 $0xFFFFE000  }
0x188: {  	[hbm4b:s21+s4] =	stream.linear.scatter [tilespmem:s17], [sflag:$0xD], $0x2000, $0x38;
	[tilespmem:$0x1C400] =	vst v63  }
0x189: {  	_ =	swait.ge [sflag:s18], $0x2000  }
0x18a: {  	[sflag:s18] =	ssyncset.done $0x0  }
0x18b: {  	s15 =	rddreg [dreg:$0x16];
	[sflag:s18] =	ssyncadd.s32 $0xFFFFE000  }
0x18c: {  	[tilespmem:s17], [sflag:$0xD] =	stream.linear.gather [spmem:s15], $0x2000, $0x38;
	[tilespmem:$0x1C400] =	vst v63  }
0x18d: {  	_ =	swait.ge [sflag:s18], $0x2000  }
0x18e: {  	[sflag:s18] =	ssyncset.done $0x0  }
0x18f: {  	s22 =	rddreg [dreg:$0x1e];
	[sflag:s18] =	ssyncadd.s32 $0xFFFFE000  }
0x190: {  	[hbm4b:s22+s4] =	stream.linear.scatter [tilespmem:s17], [sflag:$0xD], $0x2000, $0x38;
	[tilespmem:$0x1C400] =	vst v63  }
0x191: {  	_ =	swait.ge [sflag:s18], $0x2000  }
0x192: {  	[sflag:s18] =	ssyncset.done $0x0  }
0x193: {  	s23 =	rddreg [dreg:$0x17];
	[sflag:s18] =	ssyncadd.s32 $0xFFFFE000  }
0x194: {  	[tilespmem:s17], [sflag:$0xD] =	stream.linear.gather [spmem:s23], $0x2000, $0x38;
	[tilespmem:$0x1C400] =	vst v63  }
0x195: {  	_ =	swait.ge [sflag:s18], $0x2000  }
0x196: {  	[sflag:s18] =	ssyncset.done $0x0  }
0x197: {  	s25 =	rddreg [dreg:$0x1f];
	[sflag:s18] =	ssyncadd.s32 $0xFFFFE000  }
0x198: {  	[hbm4b:s25+s4] =	stream.linear.scatter [tilespmem:s17], [sflag:$0xD], $0x2000, $0x38;
	[tilespmem:$0x1C400] =	vst v63  }
0x199: {  	_ =	swait.ge [sflag:s18], $0x2000  }
0x19a: {  	[sflag:s18] =	ssyncset.done $0x0  }
0x19b: {  	s19 =	rddreg [dreg:$0x18];
	[sflag:s18] =	ssyncadd.s32 $0xFFFFE000  }
0x19c: {  	[tilespmem:s17], [sflag:$0xD] =	stream.linear.gather [spmem:s19], $0x2000, $0x38;
	[tilespmem:$0x1C400] =	vst v63  }
0x19d: {  	_ =	swait.ge [sflag:s18], $0x2000  }
0x19e: {  	s20 =	sld [smem:$0x7EC]  }
0x19f: {  	[sflag:s18] =	ssyncset.done $0x0  }
0x1a0: {  	[sflag:s18] =	ssyncadd.s32 $0xFFFFE000  }
0x1a1: {  	[hbm4b:s20+s4] =	stream.linear.scatter [tilespmem:s17], [sflag:$0xD], $0x2000, $0x38;
	[tilespmem:$0x1C400] =	vst v63  }
0x1a2: {  	_ =	swait.ge [sflag:s18], $0x2000  }
0x1a3: {  	[sflag:s18] =	ssyncset.done $0x0  }
0x1a4: {  	s21 =	rddreg [dreg:$0x19];
	[sflag:s18] =	ssyncadd.s32 $0xFFFFE000  }
0x1a5: {  	[tilespmem:s17], [sflag:$0xD] =	stream.linear.gather [spmem:s21], $0x2000, $0x38;
	[tilespmem:$0x1C400] =	vst v63  }
0x1a6: {  	_ =	swait.ge [sflag:s18], $0x2000  }
0x1a7: {  	s22 =	sld [smem:$0x7ED]  }
0x1a8: {  	[sflag:s18] =	ssyncset.done $0x0  }
0x1a9: {  	[sflag:s18] =	ssyncadd.s32 $0xFFFFE000  }
0x1aa: {  	[hbm4b:s22+s4] =	stream.linear.scatter [tilespmem:s17], [sflag:$0xD], $0x2000, $0x38;
	[tilespmem:$0x1C400] =	vst v63  }
0x1ab: {  	_ =	swait.ge [sflag:s18], $0x2000  }
0x1ac: {  	[sflag:s18] =	ssyncset.done $0x0  }
0x1ad: {  	s23 =	rddreg [dreg:$0x1a];
	[sflag:s18] =	ssyncadd.s32 $0xFFFFE000  }
0x1ae: {  	[tilespmem:s17], [sflag:$0xD] =	stream.linear.gather [spmem:s23], $0x2000, $0x38;
	[tilespmem:$0x1C400] =	vst v63  }
0x1af: {  	_ =	swait.ge [sflag:s18], $0x2000  }
0x1b0: {  	s25 =	sld [smem:$0x7EE]  }
0x1b1: {  	[sflag:s18] =	ssyncset.done $0x0  }
0x1b2: {  	[sflag:s18] =	ssyncadd.s32 $0xFFFFE000  }
0x1b3: {  	[hbm4b:s25+s4] =	stream.linear.scatter [tilespmem:s17], [sflag:$0xD], $0x2000, $0x38;
	[tilespmem:$0x1C400] =	vst v63  }
0x1b4: {  	_ =	swait.ge [sflag:s18], $0x2000  }
0x1b5: {  	[sflag:s18] =	ssyncset.done $0x0  }
0x1b6: {  	s7 =	rddreg [dreg:$0x1b];
	[sflag:s18] =	ssyncadd.s32 $0xFFFFE000  }
0x1b7: {  	[tilespmem:s17], [sflag:$0xD] =	stream.linear.gather [spmem:s7], $0x2000, $0x38;
	[tilespmem:$0x1C400] =	vst v63  }
0x1b8: {  	_ =	swait.ge [sflag:s18], $0x2000  }
0x1b9: {  	s20 =	sld [smem:$0x7EF]  }
0x1ba: {  	[sflag:s18] =	ssyncset.done $0x0  }
0x1bb: {  	[sflag:s18] =	ssyncadd.s32 $0xFFFFE000  }
0x1bc: {  	[hbm4b:s20+s4] =	stream.linear.scatter [tilespmem:s17], [sflag:$0xD], $0x2000, $0x38;
	[tilespmem:$0x1C400] =	vst v63  }
0x1bd: {  	_ =	swait.ge [sflag:s18], $0x2000  }
0x1be: {  	s19 =	sld [smem:$0x7FB]  }
0x1bf: {  	[sflag:s18] =	ssyncset.done $0x0  }
0x1c0: {  	[sflag:s18] =	ssyncadd.s32 $0xFFFFE000  }
0x1c1: {  	[tilespmem:s17], [sflag:$0xD] =	stream.linear.gather [spmem:s19], $0x2000, $0x38;
	[tilespmem:$0x1C400] =	vst v63  }
0x1c2: {  	_ =	swait.ge [sflag:s18], $0x2000  }
0x1c3: {  	s21 =	smov.u32 s19;
	s19 =	sld [smem:$0x7F0]  }
0x1c4: {  	[sflag:s18] =	ssyncset.done $0x0  }
0x1c5: {  	[sflag:s18] =	ssyncadd.s32 $0xFFFFE000  }
0x1c6: {  	[hbm4b:s19+s4] =	stream.linear.scatter [tilespmem:s17], [sflag:$0xD], $0x2000, $0x38;
	[tilespmem:$0x1C400] =	vst v63  }
0x1c7: {  	_ =	swait.ge [sflag:s18], $0x2000  }
0x1c8: {  	s29 =	sld [smem:$0x7FC]  }
0x1c9: {  	[sflag:s18] =	ssyncset.done $0x0  }
0x1ca: {  	[sflag:s18] =	ssyncadd.s32 $0xFFFFE000  }
0x1cb: {  	[tilespmem:s17], [sflag:$0xD] =	stream.linear.gather [spmem:s29], $0x2000, $0x38;
	[tilespmem:$0x1C400] =	vst v63  }
0x1cc: {  	_ =	swait.ge [sflag:s18], $0x2000  }
0x1cd: {  	s22 =	smov.u32 s23;
	s23 =	sld [smem:$0x7F1]  }
0x1ce: {  	[sflag:s18] =	ssyncset.done $0x0  }
0x1cf: {  	[sflag:s18] =	ssyncadd.s32 $0xFFFFE000  }
0x1d0: {  	[hbm4b:s23+s4] =	stream.linear.scatter [tilespmem:s17], [sflag:$0xD], $0x2000, $0x38;
	[tilespmem:$0x1C400] =	vst v63  }
0x1d1: {  	_ =	swait.ge [sflag:s18], $0x2000  }
0x1d2: {  	s19 =	sld [smem:$0x7FD]  }
0x1d3: {  	[sflag:s18] =	ssyncset.done $0x0  }
0x1d4: {  	[sflag:s18] =	ssyncadd.s32 $0xFFFFE000  }
0x1d5: {  	[tilespmem:s17], [sflag:$0xD] =	stream.linear.gather [spmem:s19], $0x1C00, $0x38;
	[tilespmem:$0x1C400] =	vst v63  }
0x1d6: {  	_ =	swait.ge [sflag:s18], $0x1C00  }
0x1d7: {  	s25 =	sld [smem:$0x7F2]  }
0x1d8: {  	[sflag:s18] =	ssyncset.done $0x0  }
0x1d9: {  	[sflag:s18] =	ssyncadd.s32 $0xFFFFE400  }
0x1da: {  	[hbm4b:s25+s4] =	stream.linear.scatter [tilespmem:s17], [sflag:$0xD], $0x1C00, $0x38;
	[tilespmem:$0x1C400] =	vst v63  }
0x1db: {  	_ =	swait.ge [sflag:s18], $0x1C00  }
0x1dc: {  	s25 =	sld [smem:$0x7EB]  }
0x1dd: {  	s23 =	sld [smem:$0x7F3];
	_ =	sdelay $0x1  }
0x1de: {  	s25 =	sadd.s32 $0x1, s25  }
0x1df: {  	p0 =	sne.s32 s25, s23  }
.Ltmp1:
0x1e0: {  	_ = 	snop;
	(pc) =	sbr.rel @p0 .LBB2_1-.Ltmp1, $3  }
0x1e1: {  	_ =	sdelay $0x1  }
0x1e2: {  	[sflag:s18] =	ssyncset.done $0x0  }
0x1e3: {  	[sflag:s18] =	ssyncadd.s32 $0xFFFFE400;
	s23 =	simm.s32 $0x500  }
0x1e4: {  	_ =	sfence.sel $0x180000  }
0x1e5: {  	[bflag:$0x0] =	sbarrier.arrive $0xFFFF  }
0x1e6: {  	_ =	strace $0x90000047  }
0x1e7: {  	s0 =	stileid.u32;
	[bflag:$0x2] =	sbarrier.arrive $0xFFFF  }
0x1e8: {  	p0 =	sne.s32 s0, $0x0;
	s0 =	rddreg [dreg:$0x3]  }
0x1e9: {  	s0 =	sadd.s32 @!p0 $0x100000, s0  }
0x1ea: {  	[sflag:s0] =	ssyncadd.tile.s32 @!p0 $0x1;
	_ =	shalt  }
.Lfunc_end2:
_tile_overlayer_lowered:
.L_overlay_start_2:
0x1eb: {  	(tag) =	ssettag $0x2  }
0x1ec: {  	s0 =	rddreg [dreg:$0x0];
	s2 =	stileid.u32  }
0x1ed: {  	s1 =	rddreg [dreg:$0x1];
	p0 =	sne.s32 s2, $0x0  }
0x1ee: {  	s3 =	rddreg [dreg:$0x2];
	[bflag:$0x3] =	sbarrier.arrive $0xFFFF;
	s2 =	simm.s32 @!p0 $0x1C0D  }
0x1ef: {  	[timem:s3], [sflag:s2] =	dma.local @!p0 [hbm:s0], s1  }
0x1f0: {  	s0 =	simm.s32 @!p0 $0xD  }
0x1f1: {  	_ =	swait.ge @!p0 [sflag:s0], s1  }
0x1f2: {  	s1 =	ssub.s32 @!p0 $0x0, s1;
	[sflag:s0] =	ssyncset.done @!p0 $0x0  }
0x1f3: {  	[sflag:s0] =	ssyncadd.s32 @!p0 s1  }
0x1f4: {  	[bflag:$0x3] =	sbarrier.arrive $0xFFFF  }
0x1f5: {  	_ =	shalt  }

</sc_bundles>
